<compile_context>
chip_gen: v7x
topology: tpu7x:2x2x1
jax: 0.10.2.dev20260603
libtpu: 0.0.44.dev20260713+nightly
codegen_flags: <defaults>
</compile_context>

<pallas_src>
import functools

import jax
import jax.numpy as jnp
from jax import lax
from jax.experimental import pallas as pl
from jax.experimental.pallas import tpu as pltpu
from jax.experimental.pallas import tpu_sc as plsc

N = 6_400_000
S = 100_000
NC = 2
NS = 16
NW = NC * NS
CHUNK = N // NW
COL = 125
SUB = 16 * COL
SPB = 1
BLK = SUB * SPB
NBLK = CHUNK // BLK
NRING = 4
UNROLL = 31
SEG_PAD = 100_352
ZSLICE = SEG_PAD // NS


def _sc_body(energy_hbm, idx_hbm, out_hbm,
             acc, e0, g0, e1, g1, e2, g2, e3, g3,
             idx_s, sem0, sem1, sem2, sem3, shared):
    c = lax.axis_index("c")
    s = lax.axis_index("s")
    wid = c * NS + s
    base = wid * CHUNK
    iota = lax.iota(jnp.int32, 16)
    zero_v = jnp.zeros((16,), jnp.float32)

    pltpu.sync_copy(idx_hbm.at[pl.ds(base, 16)], g0.at[pl.ds(0, 16)])
    pltpu.sync_copy(idx_hbm.at[pl.ds(base + CHUNK - 16, 16)], g0.at[pl.ds(16, 16)])
    first_id = g0[pl.ds(0, 16)][0]
    last_id = g0[pl.ds(16, 16)][15]

    lo = (first_id // 8) * 8
    nblk2 = (last_id + 1 - lo + 127) // 128

    def zbody(j, _):
        acc[pl.ds(lo + j * 16, 16)] = zero_v
        return 0
    lax.fori_loop(0, nblk2 * 8, zbody, 0)

    def zs1(j, _):
        e0[pl.ds(j * 16, 16)] = zero_v
        return 0
    lax.fori_loop(0, BLK // 16, zs1, 0)
    for j in range(ZSLICE // BLK):
        pltpu.sync_copy(e0.at[pl.ds(0, BLK)],
                        shared.at[pl.ds(s * ZSLICE + j * BLK, BLK)])
    pltpu.sync_copy(e0.at[pl.ds(0, ZSLICE % BLK)],
                    shared.at[pl.ds(s * ZSLICE + (ZSLICE // BLK) * BLK,
                                    ZSLICE % BLK)])

    def start_blk(b, eb, gb, sem):
        off = base + b * BLK
        pltpu.async_copy(energy_hbm.at[pl.ds(off, BLK)], eb, sem)
        pltpu.async_copy(idx_hbm.at[pl.ds(off, BLK)], gb, sem)

    def wait_blk(b, eb, gb, sem):
        off = base + b * BLK
        pltpu.make_async_copy(energy_hbm.at[pl.ds(off, BLK)], eb, sem).wait()
        pltpu.make_async_copy(idx_hbm.at[pl.ds(off, BLK)], gb, sem).wait()

    col_iota = iota * COL

    def process(eb, gb):
        for sub in range(SPB):
            base_iota = col_iota + sub * SUB
            cur_id0 = plsc.load_gather(gb, [base_iota])
            cur_sum0 = plsc.load_gather(eb, [base_iota])

            def vbody(k, carry):
                idxv, cur_id, cur_sum = carry
                for _ in range(UNROLL):
                    idxv = idxv + 1
                    g = plsc.load_gather(gb, [idxv])
                    v = plsc.load_gather(eb, [idxv])
                    changed = g != cur_id
                    plsc.addupdate_scatter(acc, [cur_id], cur_sum, mask=changed)
                    cur_sum = jnp.where(changed, v, cur_sum + v)
                    cur_id = g
                return (idxv, cur_id, cur_sum)
            _, cur_id, cur_sum = lax.fori_loop(
                0, (COL - 1) // UNROLL, vbody, (base_iota, cur_id0, cur_sum0))
            plsc.addupdate_scatter(acc, [cur_id], cur_sum)

    slots = ((e0, g0, sem0), (e1, g1, sem1), (e2, g2, sem2), (e3, g3, sem3))
    for u in range(NRING):
        start_blk(u, *slots[u])

    def ring_body(p, _):
        b0 = p * NRING
        for u in range(NRING):
            eb, gb, sm = slots[u]
            wait_blk(b0 + u, eb, gb, sm)
            process(eb, gb)

            @pl.when(b0 + u + NRING < NBLK)
            def _():
                start_blk(b0 + u + NRING, eb, gb, sm)
        return 0
    lax.fori_loop(0, NBLK // NRING, ring_body, 0)

    plsc.subcore_barrier()

    def comb_body(b, _):
        start = lo + b * 128
        for k in range(8):
            idx_s[pl.ds(k * 16, 16)] = start + k * 16 + iota
        pltpu.sync_copy(acc.at[pl.ds(start, 128)], shared.at[idx_s], add=True)
        return 0
    lax.fori_loop(0, nblk2, comb_body, 0)

    plsc.subcore_barrier()

    woff = s * ZSLICE
    pltpu.sync_copy(shared.at[pl.ds(woff, ZSLICE)], acc.at[pl.ds(0, ZSLICE)])
    pltpu.sync_copy(acc.at[pl.ds(0, ZSLICE)],
                    out_hbm.at[pl.ds(c * SEG_PAD + woff, ZSLICE)])


_sc_pool = pl.kernel(
    _sc_body,
    out_type=jax.ShapeDtypeStruct((NC * SEG_PAD,), jnp.float32),
    mesh=plsc.VectorSubcoreMesh(core_axis_name="c", subcore_axis_name="s"),
    compiler_params=pltpu.CompilerParams(
        use_tc_tiling_on_sc=False, needs_layout_passes=False),
    scratch_types=[
        pltpu.VMEM((SEG_PAD,), jnp.float32),
        pltpu.VMEM((BLK,), jnp.float32),
        pltpu.VMEM((BLK,), jnp.int32),
        pltpu.VMEM((BLK,), jnp.float32),
        pltpu.VMEM((BLK,), jnp.int32),
        pltpu.VMEM((BLK,), jnp.float32),
        pltpu.VMEM((BLK,), jnp.int32),
        pltpu.VMEM((BLK,), jnp.float32),
        pltpu.VMEM((BLK,), jnp.int32),
        pltpu.VMEM((128,), jnp.int32),
        pltpu.SemaphoreType.DMA,
        pltpu.SemaphoreType.DMA,
        pltpu.SemaphoreType.DMA,
        pltpu.SemaphoreType.DMA,
        pltpu.VMEM_SHARED((SEG_PAD,), jnp.float32),
    ],
)


def _add_body(p_ref, o_ref):
    o_ref[...] = p_ref[0] + p_ref[1]


_tc_add = pl.pallas_call(
    _add_body,
    out_shape=jax.ShapeDtypeStruct((SEG_PAD // 128, 128), jnp.float32),
)


def kernel(energy, mol_idx):
    partials = _sc_pool(energy, mol_idx)
    summed = _tc_add(partials.reshape(NC, SEG_PAD // 128, 128))
    return summed.reshape(-1)[:S]

# --- scband reference (transcript-rebuilt; emitter-appended) ---
"""Pipeline reference for scband-sum-pool-6305011990998 (READ-ONLY COPY).

The authoritative reference and input builder live on the scoring server;
editing this copy changes nothing except your own understanding.
"""

import jax, jax.numpy as jnp
import numpy as np

N_ATOMS = 6400000
NUM_SEGMENTS = 100000


def setup_inputs(seed: int = 0) -> dict:
    key = jax.random.key(seed)
    k1, k2 = jax.random.split(key)
    # atomwise_output['energy']: per-atom scalar energies
    energy = jax.random.normal(k1, (N_ATOMS,), dtype=jnp.float32)
    # mol_idx = torch.arange(len(N)).repeat_interleave(num_atoms) is a sorted
    # segment-id vector; we model it directly as sorted random segment ids.
    mol_idx = jnp.sort(jax.random.randint(k2, (N_ATOMS,), 0, NUM_SEGMENTS, dtype=jnp.int32))
    return {"energy": energy, "mol_idx": mol_idx}


def reference(energy, mol_idx):
    # Faithful translation of SumPool.forward / sum_and_grad with
    # atomwise_output = {'energy': energy}, grad_keys=[], out_keys=None, mean=False.
    # val.reshape(-1).shape[0] == mol_idx.shape[0] -> use_val = val.reshape(-1)
    use_val = energy.reshape(-1)
    # dim_size = mol_idx.max() + 1 (statically known here as NUM_SEGMENTS)
    pooled_result = jax.ops.segment_sum(use_val, mol_idx, num_segments=NUM_SEGMENTS)
    # results = {'energy': pooled_result}; return the pooled tensor
    return pooled_result

if __name__ == "__main__":
    import jax
    _d = setup_inputs()
    print(jax.jit(kernel)(*tuple(_d.values())))

</pallas_src>

<mosaic_0001>
#map = affine_map<(d0, d1) -> (0)>
module attributes {stable_mosaic.version = 14 : i64} {
  func.func @_sc_body(%arg0: i32, %arg1: i32, %arg2: memref<6400000xf32, #tpu.memory_space<hbm>>, %arg3: memref<6400000xi32, #tpu.memory_space<hbm>>, %arg4: memref<200704xf32, #tpu.memory_space<hbm>>, %arg5: memref<100352xf32, #tpu.memory_space<vmem>>, %arg6: memref<2000xf32, #tpu.memory_space<vmem>>, %arg7: memref<2000xi32, #tpu.memory_space<vmem>>, %arg8: memref<2000xf32, #tpu.memory_space<vmem>>, %arg9: memref<2000xi32, #tpu.memory_space<vmem>>, %arg10: memref<2000xf32, #tpu.memory_space<vmem>>, %arg11: memref<2000xi32, #tpu.memory_space<vmem>>, %arg12: memref<2000xf32, #tpu.memory_space<vmem>>, %arg13: memref<2000xi32, #tpu.memory_space<vmem>>, %arg14: memref<128xi32, #tpu.memory_space<vmem>>, %arg15: memref<!tpu.dma_semaphore, #tpu.memory_space<semaphore_mem>>, %arg16: memref<!tpu.dma_semaphore, #tpu.memory_space<semaphore_mem>>, %arg17: memref<!tpu.dma_semaphore, #tpu.memory_space<semaphore_mem>>, %arg18: memref<!tpu.dma_semaphore, #tpu.memory_space<semaphore_mem>>, %arg19: memref<100352xf32, #tpu.memory_space<vmem_shared>>) attributes {dimension_semantics = [#tpu.dimension_semantics<core_parallel>, #tpu.dimension_semantics<subcore_parallel>], iteration_bounds = array<i64: 2, 16>, scalar_prefetch = 0 : i64, scratch_operands = 15 : i64, tpu.core_type = #tpu.core_type<sc_vector_subcore>, window_params = [{transform_indices = #map}, {transform_indices = #map}, {transform_indices = #map}]} {
    %mul3A = arith.constant 16 : i32
    %mul3A_0 = arith.muli %arg0, %mul3A : i32
    %add3A = arith.addi %mul3A_0, %arg1 : i32
    %mul3A_1 = arith.constant 200000 : i32
    %mul3A_2 = arith.muli %add3A, %mul3A_1 : i32
    %iota3A = tpu.iota {dimensions = array<i32: 0>} : vector<16xi32>
    %broadcast_in_dim3A = arith.constant 0.000000e+00 : f32
    %broadcast_in_dim3A_3 = vector.broadcast %broadcast_in_dim3A : f32 to vector<16xf32>
    "tpu.region"() ({
      %run_scoped3A = tpu.sem_alloc : memref<!tpu.dma_semaphore, #tpu.memory_space<semaphore_mem>>
      %dma_start3A_146 = arith.constant 0 : i32
      %dma_start3A_147 = tpu.memref_slice %arg7[%dma_start3A_146] : memref<2000xi32, #tpu.memory_space<vmem>> -> memref<16xi32, #tpu.memory_space<vmem>>
      %dma_start3A_148 = tpu.memref_slice %arg3[%mul3A_2] : memref<6400000xi32, #tpu.memory_space<hbm>> -> memref<16xi32, #tpu.memory_space<hbm>>
      %dma_start3A_149 = arith.constant 0 : i32
      %dma_start3A_150 = tpu.memref_slice %arg7[%dma_start3A_149] : memref<2000xi32, #tpu.memory_space<vmem>> -> memref<16xi32, #tpu.memory_space<vmem>>
      %dma_start3A_151 = tpu.memref_slice %arg3[%mul3A_2] : memref<6400000xi32, #tpu.memory_space<hbm>> -> memref<16xi32, #tpu.memory_space<hbm>>
      tpu.enqueue_dma source(%dma_start3A_151 : memref<16xi32, #tpu.memory_space<hbm>>) target(%dma_start3A_150 : memref<16xi32, #tpu.memory_space<vmem>>) target_semaphore(%run_scoped3A : memref<!tpu.dma_semaphore, #tpu.memory_space<semaphore_mem>>)
      %dma_wait3A = arith.constant 0 : i32
      %dma_wait3A_152 = tpu.memref_slice %arg7[%dma_wait3A] : memref<2000xi32, #tpu.memory_space<vmem>> -> memref<16xi32, #tpu.memory_space<vmem>>
      %dma_wait3A_153 = tpu.memref_slice %arg3[%mul3A_2] : memref<6400000xi32, #tpu.memory_space<hbm>> -> memref<16xi32, #tpu.memory_space<hbm>>
      %dma_wait3A_154 = arith.constant 0 : i32
      %dma_wait3A_155 = tpu.memref_slice %arg7[%dma_wait3A_154] : memref<2000xi32, #tpu.memory_space<vmem>> -> memref<16xi32, #tpu.memory_space<vmem>>
      %dma_wait3A_156 = tpu.memref_slice %arg3[%mul3A_2] : memref<6400000xi32, #tpu.memory_space<hbm>> -> memref<16xi32, #tpu.memory_space<hbm>>
      tpu.wait_dma2 semaphore(%run_scoped3A : memref<!tpu.dma_semaphore, #tpu.memory_space<semaphore_mem>>) src(%dma_wait3A_156 : memref<16xi32, #tpu.memory_space<hbm>>) dst(%dma_wait3A_155 : memref<16xi32, #tpu.memory_space<vmem>>)
      tpu.yield
    }) : () -> ()
    %add3A_4 = arith.constant 200000 : i32
    %add3A_5 = arith.addi %mul3A_2, %add3A_4 : i32
    %sub3A = arith.constant 16 : i32
    %sub3A_6 = arith.subi %add3A_5, %sub3A : i32
    "tpu.region"() ({
      %run_scoped3A = tpu.sem_alloc : memref<!tpu.dma_semaphore, #tpu.memory_space<semaphore_mem>>
      %dma_start3A_146 = arith.constant 16 : i32
      %dma_start3A_147 = tpu.memref_slice %arg7[%dma_start3A_146] : memref<2000xi32, #tpu.memory_space<vmem>> -> memref<16xi32, #tpu.memory_space<vmem>>
      %dma_start3A_148 = tpu.memref_slice %arg3[%sub3A_6] : memref<6400000xi32, #tpu.memory_space<hbm>> -> memref<16xi32, #tpu.memory_space<hbm>>
      %dma_start3A_149 = arith.constant 16 : i32
      %dma_start3A_150 = tpu.memref_slice %arg7[%dma_start3A_149] : memref<2000xi32, #tpu.memory_space<vmem>> -> memref<16xi32, #tpu.memory_space<vmem>>
      %dma_start3A_151 = tpu.memref_slice %arg3[%sub3A_6] : memref<6400000xi32, #tpu.memory_space<hbm>> -> memref<16xi32, #tpu.memory_space<hbm>>
      tpu.enqueue_dma source(%dma_start3A_151 : memref<16xi32, #tpu.memory_space<hbm>>) target(%dma_start3A_150 : memref<16xi32, #tpu.memory_space<vmem>>) target_semaphore(%run_scoped3A : memref<!tpu.dma_semaphore, #tpu.memory_space<semaphore_mem>>)
      %dma_wait3A = arith.constant 16 : i32
      %dma_wait3A_152 = tpu.memref_slice %arg7[%dma_wait3A] : memref<2000xi32, #tpu.memory_space<vmem>> -> memref<16xi32, #tpu.memory_space<vmem>>
      %dma_wait3A_153 = tpu.memref_slice %arg3[%sub3A_6] : memref<6400000xi32, #tpu.memory_space<hbm>> -> memref<16xi32, #tpu.memory_space<hbm>>
      %dma_wait3A_154 = arith.constant 16 : i32
      %dma_wait3A_155 = tpu.memref_slice %arg7[%dma_wait3A_154] : memref<2000xi32, #tpu.memory_space<vmem>> -> memref<16xi32, #tpu.memory_space<vmem>>
      %dma_wait3A_156 = tpu.memref_slice %arg3[%sub3A_6] : memref<6400000xi32, #tpu.memory_space<hbm>> -> memref<16xi32, #tpu.memory_space<hbm>>
      tpu.wait_dma2 semaphore(%run_scoped3A : memref<!tpu.dma_semaphore, #tpu.memory_space<semaphore_mem>>) src(%dma_wait3A_156 : memref<16xi32, #tpu.memory_space<hbm>>) dst(%dma_wait3A_155 : memref<16xi32, #tpu.memory_space<vmem>>)
      tpu.yield
    }) : () -> ()
    %get3A = arith.constant 0 : index
    %get3A_7 = tpu.vector_load %arg7[%get3A] {strides = array<i32>} : memref<2000xi32, #tpu.memory_space<vmem>>, vector<16xi32>,
    %slice3A = vector.extract_strided_slice %get3A_7 {offsets = [0], sizes = [1], strides = [1]} : vector<16xi32> to vector<1xi32>
    %squeeze3A = vector.extract %slice3A[0] : i32 from vector<1xi32>
    %get3A_8 = arith.constant 16 : index
    %get3A_9 = tpu.vector_load %arg7[%get3A_8] {strides = array<i32>} : memref<2000xi32, #tpu.memory_space<vmem>>, vector<16xi32>,
    %slice3A_10 = vector.extract_strided_slice %get3A_9 {offsets = [15], sizes = [1], strides = [1]} : vector<16xi32> to vector<1xi32>
    %squeeze3A_11 = vector.extract %slice3A_10[0] : i32 from vector<1xi32>
    %jit3A = arith.constant 8 : i32
    %div3A = arith.divsi %squeeze3A, %jit3A : i32
    %sign3A = arith.constant 0 : i32
    %sign3A_12 = arith.cmpi sgt, %squeeze3A, %sign3A : i32
    %sign3A_13 = arith.extui %sign3A_12 : i1 to i32
    %sign3A_14 = arith.constant 0 : i32
    %sign3A_15 = arith.cmpi slt, %squeeze3A, %sign3A_14 : i32
    %sign3A_16 = arith.extui %sign3A_15 : i1 to i32
    %sign3A_17 = arith.subi %sign3A_13, %sign3A_16 : i32
    %sign3A_18 = arith.constant 0 : i32
    %sign3A_19 = arith.cmpi sgt, %jit3A, %sign3A_18 : i32
    %sign3A_20 = arith.extui %sign3A_19 : i1 to i32
    %sign3A_21 = arith.constant 0 : i32
    %sign3A_22 = arith.cmpi slt, %jit3A, %sign3A_21 : i32
    %sign3A_23 = arith.extui %sign3A_22 : i1 to i32
    %sign3A_24 = arith.subi %sign3A_20, %sign3A_23 : i32
    %ne3A = arith.cmpi ne, %sign3A_17, %sign3A_24 : i32
    %rem3A = arith.remsi %squeeze3A, %jit3A : i32
    %ne3A_25 = arith.constant 0 : i32
    %ne3A_26 = arith.cmpi ne, %rem3A, %ne3A_25 : i32
    %and3A = arith.andi %ne3A, %ne3A_26 : i1
    %sub3A_27 = arith.constant 1 : i32
    %sub3A_28 = arith.subi %div3A, %sub3A_27 : i32
    %select_n3A = arith.select %and3A, %sub3A_28, %div3A : i32
    %mul3A_29 = arith.constant 8 : i32
    %mul3A_30 = arith.muli %select_n3A, %mul3A_29 : i32
    %add3A_31 = arith.constant 1 : i32
    %add3A_32 = arith.addi %squeeze3A_11, %add3A_31 : i32
    %sub3A_33 = arith.subi %add3A_32, %mul3A_30 : i32
    %add3A_34 = arith.constant 127 : i32
    %add3A_35 = arith.addi %sub3A_33, %add3A_34 : i32
    %jit3A_36 = arith.constant 128 : i32
    %div3A_37 = arith.divsi %add3A_35, %jit3A_36 : i32
    %sign3A_38 = arith.constant 0 : i32
    %sign3A_39 = arith.cmpi sgt, %add3A_35, %sign3A_38 : i32
    %sign3A_40 = arith.extui %sign3A_39 : i1 to i32
    %sign3A_41 = arith.constant 0 : i32
    %sign3A_42 = arith.cmpi slt, %add3A_35, %sign3A_41 : i32
    %sign3A_43 = arith.extui %sign3A_42 : i1 to i32
    %sign3A_44 = arith.subi %sign3A_40, %sign3A_43 : i32
    %sign3A_45 = arith.constant 0 : i32
    %sign3A_46 = arith.cmpi sgt, %jit3A_36, %sign3A_45 : i32
    %sign3A_47 = arith.extui %sign3A_46 : i1 to i32
    %sign3A_48 = arith.constant 0 : i32
    %sign3A_49 = arith.cmpi slt, %jit3A_36, %sign3A_48 : i32
    %sign3A_50 = arith.extui %sign3A_49 : i1 to i32
    %sign3A_51 = arith.subi %sign3A_47, %sign3A_50 : i32
    %ne3A_52 = arith.cmpi ne, %sign3A_44, %sign3A_51 : i32
    %rem3A_53 = arith.remsi %add3A_35, %jit3A_36 : i32
    %ne3A_54 = arith.constant 0 : i32
    %ne3A_55 = arith.cmpi ne, %rem3A_53, %ne3A_54 : i32
    %and3A_56 = arith.andi %ne3A_52, %ne3A_55 : i1
    %sub3A_57 = arith.constant 1 : i32
    %sub3A_58 = arith.subi %div3A_37, %sub3A_57 : i32
    %select_n3A_59 = arith.select %and3A_56, %sub3A_58, %div3A_37 : i32
    %mul3A_60 = arith.constant 8 : i32
    %mul3A_61 = arith.muli %select_n3A_59, %mul3A_60 : i32
    %while3A = arith.constant 0 : i32
    %while3A_62 = arith.constant 0 : i32
    %while3A_63 = arith.subi %mul3A_61, %while3A : i32
    %while3A_64 = arith.addi %while3A, %while3A_63 : i32
    %while3A_65 = arith.constant 1 : i32
    %while3A_66 = arith.divsi %while3A_63, %while3A_65 : i32
    %while3A_67 = arith.muli %while3A_66, %while3A_65 : i32
    %while3A_68 = arith.addi %while3A, %while3A_67 : i32
    %while3A_69 = arith.constant 1 : i32
    %while3A_70 = scf.for %while3A_146 = %while3A to %while3A_68 step %while3A_69 iter_args(%while3A_147 = %while3A_62) -> (i32)  : i32 {
      %mul3A_148 = arith.constant 16 : i32
      %mul3A_149 = arith.muli %while3A_146, %mul3A_148 : i32
      %add3A_150 = arith.addi %mul3A_30, %mul3A_149 : i32
      %swap3A = arith.index_cast %add3A_150 : i32 to index
      %swap3A_151 = tpu.vector_load %arg5[%swap3A] {strides = array<i32>} : memref<100352xf32, #tpu.memory_space<vmem>>, vector<16xf32>,
      tpu.vector_store %arg5[%swap3A], %broadcast_in_dim3A_3 {strides = array<i32>} : memref<100352xf32, #tpu.memory_space<vmem>>, vector<16xf32>,
      %while3A_152 = arith.constant 0 : i32
      scf.yield %while3A_152 : i32
    }
    %while3A_71 = arith.constant 1 : i32
    %while3A_72 = scf.for %while3A_146 = %while3A_68 to %while3A_64 step %while3A_71 iter_args(%while3A_147 = %while3A_70) -> (i32)  : i32 {
      %mul3A_148 = arith.constant 16 : i32
      %mul3A_149 = arith.muli %while3A_146, %mul3A_148 : i32
      %add3A_150 = arith.addi %mul3A_30, %mul3A_149 : i32
      %swap3A = arith.index_cast %add3A_150 : i32 to index
      %swap3A_151 = tpu.vector_load %arg5[%swap3A] {strides = array<i32>} : memref<100352xf32, #tpu.memory_space<vmem>>, vector<16xf32>,
      tpu.vector_store %arg5[%swap3A], %broadcast_in_dim3A_3 {strides = array<i32>} : memref<100352xf32, #tpu.memory_space<vmem>>, vector<16xf32>,
      %while3A_152 = arith.constant 0 : i32
      scf.yield %while3A_152 : i32
    }
    %scan3A = arith.constant 0 : i32
    %scan3A_73 = arith.constant 0 : i32
    %scan3A_74 = arith.constant 125 : i32
    %scan3A_75 = arith.addi %scan3A_73, %scan3A_74 : i32
    %scan3A_76 = arith.constant 1 : i32
    %scan3A_77 = scf.for %scan3A_146 = %scan3A_73 to %scan3A_75 step %scan3A_76 iter_args(%scan3A_147 = %scan3A) -> (i32)  : i32 {
      %mul3A_148 = arith.constant 16 : i32
      %mul3A_149 = arith.muli %scan3A_146, %mul3A_148 : i32
      %swap3A = arith.index_cast %mul3A_149 : i32 to index
      %swap3A_150 = tpu.vector_load %arg6[%swap3A] {strides = array<i32>} : memref<2000xf32, #tpu.memory_space<vmem>>, vector<16xf32>,
      tpu.vector_store %arg6[%swap3A], %broadcast_in_dim3A_3 {strides = array<i32>} : memref<2000xf32, #tpu.memory_space<vmem>>, vector<16xf32>,
      %scan3A_151 = arith.constant 0 : i32
      scf.yield %scan3A_151 : i32
    }
    %scan3A_78 = arith.constant 125 : i32
    %mul3A_79 = arith.constant 6272 : i32
    %mul3A_80 = arith.muli %arg1, %mul3A_79 : i32
    %add3A_81 = arith.constant 0 : i32
    %add3A_82 = arith.addi %mul3A_80, %add3A_81 : i32
    "tpu.region"() ({
      %run_scoped3A = tpu.sem_alloc : memref<!tpu.dma_semaphore, #tpu.memory_space<semaphore_mem>>
      %dma_start3A_146 = arith.constant 0 : i32
      %dma_start3A_147 = tpu.memref_slice %arg6[%dma_start3A_146] : memref<2000xf32, #tpu.memory_space<vmem>> -> memref<2000xf32, #tpu.memory_space<vmem>>
      %dma_start3A_148 = tpu.memref_slice %arg19[%add3A_82] : memref<100352xf32, #tpu.memory_space<vmem_shared>> -> memref<2000xf32, #tpu.memory_space<vmem_shared>>
      %dma_start3A_149 = tpu.memref_slice %arg19[%add3A_82] : memref<100352xf32, #tpu.memory_space<vmem_shared>> -> memref<2000xf32, #tpu.memory_space<vmem_shared>>
      %dma_start3A_150 = arith.constant 0 : i32
      %dma_start3A_151 = tpu.memref_slice %arg6[%dma_start3A_150] : memref<2000xf32, #tpu.memory_space<vmem>> -> memref<2000xf32, #tpu.memory_space<vmem>>
      tpu.enqueue_dma source(%dma_start3A_151 : memref<2000xf32, #tpu.memory_space<vmem>>) target(%dma_start3A_149 : memref<2000xf32, #tpu.memory_space<vmem_shared>>) target_semaphore(%run_scoped3A : memref<!tpu.dma_semaphore, #tpu.memory_space<semaphore_mem>>)
      %dma_wait3A = arith.constant 0 : i32
      %dma_wait3A_152 = tpu.memref_slice %arg6[%dma_wait3A] : memref<2000xf32, #tpu.memory_space<vmem>> -> memref<2000xf32, #tpu.memory_space<vmem>>
      %dma_wait3A_153 = tpu.memref_slice %arg19[%add3A_82] : memref<100352xf32, #tpu.memory_space<vmem_shared>> -> memref<2000xf32, #tpu.memory_space<vmem_shared>>
      %dma_wait3A_154 = tpu.memref_slice %arg19[%add3A_82] : memref<100352xf32, #tpu.memory_space<vmem_shared>> -> memref<2000xf32, #tpu.memory_space<vmem_shared>>
      %dma_wait3A_155 = arith.constant 0 : i32
      %dma_wait3A_156 = tpu.memref_slice %arg6[%dma_wait3A_155] : memref<2000xf32, #tpu.memory_space<vmem>> -> memref<2000xf32, #tpu.memory_space<vmem>>
      tpu.wait_dma2 semaphore(%run_scoped3A : memref<!tpu.dma_semaphore, #tpu.memory_space<semaphore_mem>>) src(%dma_wait3A_156 : memref<2000xf32, #tpu.memory_space<vmem>>) dst(%dma_wait3A_154 : memref<2000xf32, #tpu.memory_space<vmem_shared>>)
      tpu.yield
    }) : () -> ()
    %mul3A_83 = arith.constant 6272 : i32
    %mul3A_84 = arith.muli %arg1, %mul3A_83 : i32
    %add3A_85 = arith.constant 2000 : i32
    %add3A_86 = arith.addi %mul3A_84, %add3A_85 : i32
    "tpu.region"() ({
      %run_scoped3A = tpu.sem_alloc : memref<!tpu.dma_semaphore, #tpu.memory_space<semaphore_mem>>
      %dma_start3A_146 = arith.constant 0 : i32
      %dma_start3A_147 = tpu.memref_slice %arg6[%dma_start3A_146] : memref<2000xf32, #tpu.memory_space<vmem>> -> memref<2000xf32, #tpu.memory_space<vmem>>
      %dma_start3A_148 = tpu.memref_slice %arg19[%add3A_86] : memref<100352xf32, #tpu.memory_space<vmem_shared>> -> memref<2000xf32, #tpu.memory_space<vmem_shared>>
      %dma_start3A_149 = tpu.memref_slice %arg19[%add3A_86] : memref<100352xf32, #tpu.memory_space<vmem_shared>> -> memref<2000xf32, #tpu.memory_space<vmem_shared>>
      %dma_start3A_150 = arith.constant 0 : i32
      %dma_start3A_151 = tpu.memref_slice %arg6[%dma_start3A_150] : memref<2000xf32, #tpu.memory_space<vmem>> -> memref<2000xf32, #tpu.memory_space<vmem>>
      tpu.enqueue_dma source(%dma_start3A_151 : memref<2000xf32, #tpu.memory_space<vmem>>) target(%dma_start3A_149 : memref<2000xf32, #tpu.memory_space<vmem_shared>>) target_semaphore(%run_scoped3A : memref<!tpu.dma_semaphore, #tpu.memory_space<semaphore_mem>>)
      %dma_wait3A = arith.constant 0 : i32
      %dma_wait3A_152 = tpu.memref_slice %arg6[%dma_wait3A] : memref<2000xf32, #tpu.memory_space<vmem>> -> memref<2000xf32, #tpu.memory_space<vmem>>
      %dma_wait3A_153 = tpu.memref_slice %arg19[%add3A_86] : memref<100352xf32, #tpu.memory_space<vmem_shared>> -> memref<2000xf32, #tpu.memory_space<vmem_shared>>
      %dma_wait3A_154 = tpu.memref_slice %arg19[%add3A_86] : memref<100352xf32, #tpu.memory_space<vmem_shared>> -> memref<2000xf32, #tpu.memory_space<vmem_shared>>
      %dma_wait3A_155 = arith.constant 0 : i32
      %dma_wait3A_156 = tpu.memref_slice %arg6[%dma_wait3A_155] : memref<2000xf32, #tpu.memory_space<vmem>> -> memref<2000xf32, #tpu.memory_space<vmem>>
      tpu.wait_dma2 semaphore(%run_scoped3A : memref<!tpu.dma_semaphore, #tpu.memory_space<semaphore_mem>>) src(%dma_wait3A_156 : memref<2000xf32, #tpu.memory_space<vmem>>) dst(%dma_wait3A_154 : memref<2000xf32, #tpu.memory_space<vmem_shared>>)
      tpu.yield
    }) : () -> ()
    %mul3A_87 = arith.constant 6272 : i32
    %mul3A_88 = arith.muli %arg1, %mul3A_87 : i32
    %add3A_89 = arith.constant 4000 : i32
    %add3A_90 = arith.addi %mul3A_88, %add3A_89 : i32
    "tpu.region"() ({
      %run_scoped3A = tpu.sem_alloc : memref<!tpu.dma_semaphore, #tpu.memory_space<semaphore_mem>>
      %dma_start3A_146 = arith.constant 0 : i32
      %dma_start3A_147 = tpu.memref_slice %arg6[%dma_start3A_146] : memref<2000xf32, #tpu.memory_space<vmem>> -> memref<2000xf32, #tpu.memory_space<vmem>>
      %dma_start3A_148 = tpu.memref_slice %arg19[%add3A_90] : memref<100352xf32, #tpu.memory_space<vmem_shared>> -> memref<2000xf32, #tpu.memory_space<vmem_shared>>
      %dma_start3A_149 = tpu.memref_slice %arg19[%add3A_90] : memref<100352xf32, #tpu.memory_space<vmem_shared>> -> memref<2000xf32, #tpu.memory_space<vmem_shared>>
      %dma_start3A_150 = arith.constant 0 : i32
      %dma_start3A_151 = tpu.memref_slice %arg6[%dma_start3A_150] : memref<2000xf32, #tpu.memory_space<vmem>> -> memref<2000xf32, #tpu.memory_space<vmem>>
      tpu.enqueue_dma source(%dma_start3A_151 : memref<2000xf32, #tpu.memory_space<vmem>>) target(%dma_start3A_149 : memref<2000xf32, #tpu.memory_space<vmem_shared>>) target_semaphore(%run_scoped3A : memref<!tpu.dma_semaphore, #tpu.memory_space<semaphore_mem>>)
      %dma_wait3A = arith.constant 0 : i32
      %dma_wait3A_152 = tpu.memref_slice %arg6[%dma_wait3A] : memref<2000xf32, #tpu.memory_space<vmem>> -> memref<2000xf32, #tpu.memory_space<vmem>>
      %dma_wait3A_153 = tpu.memref_slice %arg19[%add3A_90] : memref<100352xf32, #tpu.memory_space<vmem_shared>> -> memref<2000xf32, #tpu.memory_space<vmem_shared>>
      %dma_wait3A_154 = tpu.memref_slice %arg19[%add3A_90] : memref<100352xf32, #tpu.memory_space<vmem_shared>> -> memref<2000xf32, #tpu.memory_space<vmem_shared>>
      %dma_wait3A_155 = arith.constant 0 : i32
      %dma_wait3A_156 = tpu.memref_slice %arg6[%dma_wait3A_155] : memref<2000xf32, #tpu.memory_space<vmem>> -> memref<2000xf32, #tpu.memory_space<vmem>>
      tpu.wait_dma2 semaphore(%run_scoped3A : memref<!tpu.dma_semaphore, #tpu.memory_space<semaphore_mem>>) src(%dma_wait3A_156 : memref<2000xf32, #tpu.memory_space<vmem>>) dst(%dma_wait3A_154 : memref<2000xf32, #tpu.memory_space<vmem_shared>>)
      tpu.yield
    }) : () -> ()
    %mul3A_91 = arith.constant 6272 : i32
    %mul3A_92 = arith.muli %arg1, %mul3A_91 : i32
    %add3A_93 = arith.constant 6000 : i32
    %add3A_94 = arith.addi %mul3A_92, %add3A_93 : i32
    "tpu.region"() ({
      %run_scoped3A = tpu.sem_alloc : memref<!tpu.dma_semaphore, #tpu.memory_space<semaphore_mem>>
      %dma_start3A_146 = arith.constant 0 : i32
      %dma_start3A_147 = tpu.memref_slice %arg6[%dma_start3A_146] : memref<2000xf32, #tpu.memory_space<vmem>> -> memref<272xf32, #tpu.memory_space<vmem>>
      %dma_start3A_148 = tpu.memref_slice %arg19[%add3A_94] : memref<100352xf32, #tpu.memory_space<vmem_shared>> -> memref<272xf32, #tpu.memory_space<vmem_shared>>
      %dma_start3A_149 = tpu.memref_slice %arg19[%add3A_94] : memref<100352xf32, #tpu.memory_space<vmem_shared>> -> memref<272xf32, #tpu.memory_space<vmem_shared>>
      %dma_start3A_150 = arith.constant 0 : i32
      %dma_start3A_151 = tpu.memref_slice %arg6[%dma_start3A_150] : memref<2000xf32, #tpu.memory_space<vmem>> -> memref<272xf32, #tpu.memory_space<vmem>>
      tpu.enqueue_dma source(%dma_start3A_151 : memref<272xf32, #tpu.memory_space<vmem>>) target(%dma_start3A_149 : memref<272xf32, #tpu.memory_space<vmem_shared>>) target_semaphore(%run_scoped3A : memref<!tpu.dma_semaphore, #tpu.memory_space<semaphore_mem>>)
      %dma_wait3A = arith.constant 0 : i32
      %dma_wait3A_152 = tpu.memref_slice %arg6[%dma_wait3A] : memref<2000xf32, #tpu.memory_space<vmem>> -> memref<272xf32, #tpu.memory_space<vmem>>
      %dma_wait3A_153 = tpu.memref_slice %arg19[%add3A_94] : memref<100352xf32, #tpu.memory_space<vmem_shared>> -> memref<272xf32, #tpu.memory_space<vmem_shared>>
      %dma_wait3A_154 = tpu.memref_slice %arg19[%add3A_94] : memref<100352xf32, #tpu.memory_space<vmem_shared>> -> memref<272xf32, #tpu.memory_space<vmem_shared>>
      %dma_wait3A_155 = arith.constant 0 : i32
      %dma_wait3A_156 = tpu.memref_slice %arg6[%dma_wait3A_155] : memref<2000xf32, #tpu.memory_space<vmem>> -> memref<272xf32, #tpu.memory_space<vmem>>
      tpu.wait_dma2 semaphore(%run_scoped3A : memref<!tpu.dma_semaphore, #tpu.memory_space<semaphore_mem>>) src(%dma_wait3A_156 : memref<272xf32, #tpu.memory_space<vmem>>) dst(%dma_wait3A_154 : memref<272xf32, #tpu.memory_space<vmem_shared>>)
      tpu.yield
    }) : () -> ()
    %mul3A_95 = arith.constant 125 : i32
    %mul3A_96 = vector.broadcast %mul3A_95 : i32 to vector<16xi32>
    %mul3A_97 = arith.muli %iota3A, %mul3A_96 : vector<16xi32>
    %add3A_98 = arith.constant 0 : i32
    %add3A_99 = arith.addi %mul3A_2, %add3A_98 : i32
    %dma_start3A = tpu.memref_slice %arg2[%add3A_99] : memref<6400000xf32, #tpu.memory_space<hbm>> -> memref<2000xf32, #tpu.memory_space<hbm>>
    %dma_start3A_100 = tpu.memref_slice %arg2[%add3A_99] : memref<6400000xf32, #tpu.memory_space<hbm>> -> memref<2000xf32, #tpu.memory_space<hbm>>
    tpu.enqueue_dma source(%dma_start3A_100 : memref<2000xf32, #tpu.memory_space<hbm>>) target(%arg6 : memref<2000xf32, #tpu.memory_space<vmem>>) target_semaphore(%arg15 : memref<!tpu.dma_semaphore, #tpu.memory_space<semaphore_mem>>)
    %dma_start3A_101 = tpu.memref_slice %arg3[%add3A_99] : memref<6400000xi32, #tpu.memory_space<hbm>> -> memref<2000xi32, #tpu.memory_space<hbm>>
    %dma_start3A_102 = tpu.memref_slice %arg3[%add3A_99] : memref<6400000xi32, #tpu.memory_space<hbm>> -> memref<2000xi32, #tpu.memory_space<hbm>>
    tpu.enqueue_dma source(%dma_start3A_102 : memref<2000xi32, #tpu.memory_space<hbm>>) target(%arg7 : memref<2000xi32, #tpu.memory_space<vmem>>) target_semaphore(%arg15 : memref<!tpu.dma_semaphore, #tpu.memory_space<semaphore_mem>>)
    %add3A_103 = arith.constant 2000 : i32
    %add3A_104 = arith.addi %mul3A_2, %add3A_103 : i32
    %dma_start3A_105 = tpu.memref_slice %arg2[%add3A_104] : memref<6400000xf32, #tpu.memory_space<hbm>> -> memref<2000xf32, #tpu.memory_space<hbm>>
    %dma_start3A_106 = tpu.memref_slice %arg2[%add3A_104] : memref<6400000xf32, #tpu.memory_space<hbm>> -> memref<2000xf32, #tpu.memory_space<hbm>>
    tpu.enqueue_dma source(%dma_start3A_106 : memref<2000xf32, #tpu.memory_space<hbm>>) target(%arg8 : memref<2000xf32, #tpu.memory_space<vmem>>) target_semaphore(%arg16 : memref<!tpu.dma_semaphore, #tpu.memory_space<semaphore_mem>>)
    %dma_start3A_107 = tpu.memref_slice %arg3[%add3A_104] : memref<6400000xi32, #tpu.memory_space<hbm>> -> memref<2000xi32, #tpu.memory_space<hbm>>
    %dma_start3A_108 = tpu.memref_slice %arg3[%add3A_104] : memref<6400000xi32, #tpu.memory_space<hbm>> -> memref<2000xi32, #tpu.memory_space<hbm>>
    tpu.enqueue_dma source(%dma_start3A_108 : memref<2000xi32, #tpu.memory_space<hbm>>) target(%arg9 : memref<2000xi32, #tpu.memory_space<vmem>>) target_semaphore(%arg16 : memref<!tpu.dma_semaphore, #tpu.memory_space<semaphore_mem>>)
    %add3A_109 = arith.constant 4000 : i32
    %add3A_110 = arith.addi %mul3A_2, %add3A_109 : i32
    %dma_start3A_111 = tpu.memref_slice %arg2[%add3A_110] : memref<6400000xf32, #tpu.memory_space<hbm>> -> memref<2000xf32, #tpu.memory_space<hbm>>
    %dma_start3A_112 = tpu.memref_slice %arg2[%add3A_110] : memref<6400000xf32, #tpu.memory_space<hbm>> -> memref<2000xf32, #tpu.memory_space<hbm>>
    tpu.enqueue_dma source(%dma_start3A_112 : memref<2000xf32, #tpu.memory_space<hbm>>) target(%arg10 : memref<2000xf32, #tpu.memory_space<vmem>>) target_semaphore(%arg17 : memref<!tpu.dma_semaphore, #tpu.memory_space<semaphore_mem>>)
    %dma_start3A_113 = tpu.memref_slice %arg3[%add3A_110] : memref<6400000xi32, #tpu.memory_space<hbm>> -> memref<2000xi32, #tpu.memory_space<hbm>>
    %dma_start3A_114 = tpu.memref_slice %arg3[%add3A_110] : memref<6400000xi32, #tpu.memory_space<hbm>> -> memref<2000xi32, #tpu.memory_space<hbm>>
    tpu.enqueue_dma source(%dma_start3A_114 : memref<2000xi32, #tpu.memory_space<hbm>>) target(%arg11 : memref<2000xi32, #tpu.memory_space<vmem>>) target_semaphore(%arg17 : memref<!tpu.dma_semaphore, #tpu.memory_space<semaphore_mem>>)
    %add3A_115 = arith.constant 6000 : i32
    %add3A_116 = arith.addi %mul3A_2, %add3A_115 : i32
    %dma_start3A_117 = tpu.memref_slice %arg2[%add3A_116] : memref<6400000xf32, #tpu.memory_space<hbm>> -> memref<2000xf32, #tpu.memory_space<hbm>>
    %dma_start3A_118 = tpu.memref_slice %arg2[%add3A_116] : memref<6400000xf32, #tpu.memory_space<hbm>> -> memref<2000xf32, #tpu.memory_space<hbm>>
    tpu.enqueue_dma source(%dma_start3A_118 : memref<2000xf32, #tpu.memory_space<hbm>>) target(%arg12 : memref<2000xf32, #tpu.memory_space<vmem>>) target_semaphore(%arg18 : memref<!tpu.dma_semaphore, #tpu.memory_space<semaphore_mem>>)
    %dma_start3A_119 = tpu.memref_slice %arg3[%add3A_116] : memref<6400000xi32, #tpu.memory_space<hbm>> -> memref<2000xi32, #tpu.memory_space<hbm>>
    %dma_start3A_120 = tpu.memref_slice %arg3[%add3A_116] : memref<6400000xi32, #tpu.memory_space<hbm>> -> memref<2000xi32, #tpu.memory_space<hbm>>
    tpu.enqueue_dma source(%dma_start3A_120 : memref<2000xi32, #tpu.memory_space<hbm>>) target(%arg13 : memref<2000xi32, #tpu.memory_space<vmem>>) target_semaphore(%arg18 : memref<!tpu.dma_semaphore, #tpu.memory_space<semaphore_mem>>)
    %scan3A_121 = arith.constant 0 : i32
    %scan3A_122 = arith.constant 0 : i32
    %scan3A_123 = arith.constant 25 : i32
    %scan3A_124 = arith.addi %scan3A_122, %scan3A_123 : i32
    %scan3A_125 = arith.constant 1 : i32
    %scan3A_126 = scf.for %scan3A_146 = %scan3A_122 to %scan3A_124 step %scan3A_125 iter_args(%scan3A_147 = %scan3A_121) -> (i32)  : i32 {
      %mul3A_148 = arith.constant 4 : i32
      %mul3A_149 = arith.muli %scan3A_146, %mul3A_148 : i32
      %add3A_150 = arith.constant 0 : i32
      %add3A_151 = arith.addi %mul3A_149, %add3A_150 : i32
      %mul3A_152 = arith.constant 2000 : i32
      %mul3A_153 = arith.muli %add3A_151, %mul3A_152 : i32
      %add3A_154 = arith.addi %mul3A_2, %mul3A_153 : i32
      %dma_wait3A = tpu.memref_slice %arg2[%add3A_154] : memref<6400000xf32, #tpu.memory_space<hbm>> -> memref<2000xf32, #tpu.memory_space<hbm>>
      %dma_wait3A_155 = tpu.memref_slice %arg2[%add3A_154] : memref<6400000xf32, #tpu.memory_space<hbm>> -> memref<2000xf32, #tpu.memory_space<hbm>>
      tpu.wait_dma2 semaphore(%arg15 : memref<!tpu.dma_semaphore, #tpu.memory_space<semaphore_mem>>) src(%dma_wait3A_155 : memref<2000xf32, #tpu.memory_space<hbm>>) dst(%arg6 : memref<2000xf32, #tpu.memory_space<vmem>>)
      %dma_wait3A_156 = tpu.memref_slice %arg3[%add3A_154] : memref<6400000xi32, #tpu.memory_space<hbm>> -> memref<2000xi32, #tpu.memory_space<hbm>>
      %dma_wait3A_157 = tpu.memref_slice %arg3[%add3A_154] : memref<6400000xi32, #tpu.memory_space<hbm>> -> memref<2000xi32, #tpu.memory_space<hbm>>
      tpu.wait_dma2 semaphore(%arg15 : memref<!tpu.dma_semaphore, #tpu.memory_space<semaphore_mem>>) src(%dma_wait3A_157 : memref<2000xi32, #tpu.memory_space<hbm>>) dst(%arg7 : memref<2000xi32, #tpu.memory_space<vmem>>)
      %add3A_158 = arith.constant 0 : i32
      %add3A_159 = vector.broadcast %add3A_158 : i32 to vector<16xi32>
      %add3A_160 = arith.addi %mul3A_97, %add3A_159 : vector<16xi32>
      %gather3A = tpu.vector_load_idx %arg7[%add3A_160] : memref<2000xi32, #tpu.memory_space<vmem>>[vector<16xi32>], vector<16xi32>,
      %gather3A_161 = tpu.vector_load_idx %arg6[%add3A_160] : memref<2000xf32, #tpu.memory_space<vmem>>[vector<16xi32>], vector<16xf32>,
      %scan3A_162 = arith.constant 0 : i32
      %scan3A_163 = arith.constant 4 : i32
      %scan3A_164 = arith.addi %scan3A_162, %scan3A_163 : i32
      %scan3A_165 = arith.constant 1 : i32
      %scan3A_166:3 = scf.for %scan3A_262 = %scan3A_162 to %scan3A_164 step %scan3A_165 iter_args(%scan3A_263 = %add3A_160, %scan3A_264 = %gather3A, %scan3A_265 = %gather3A_161) -> (vector<16xi32>, vector<16xi32>, vector<16xf32>)  : i32 {
        %add3A_266 = arith.constant 1 : i32
        %add3A_267 = vector.broadcast %add3A_266 : i32 to vector<16xi32>
        %add3A_268 = arith.addi %scan3A_263, %add3A_267 : vector<16xi32>
        %gather3A_269 = tpu.vector_load_idx %arg7[%add3A_268] : memref<2000xi32, #tpu.memory_space<vmem>>[vector<16xi32>], vector<16xi32>,
        %gather3A_270 = tpu.vector_load_idx %arg6[%add3A_268] : memref<2000xf32, #tpu.memory_space<vmem>>[vector<16xi32>], vector<16xf32>,
        %ne3A_271 = arith.cmpi ne, %gather3A_269, %scan3A_264 : vector<16xi32>
        tpu.vector_store_idx %arg5[%scan3A_264], %scan3A_265 masked %ne3A_271 {add = true} : memref<100352xf32, #tpu.memory_space<vmem>>[vector<16xi32>], vector<16xf32>, vector<16xi1>
        %add3A_272 = arith.addf %scan3A_265, %gather3A_270 : vector<16xf32>
        %select_n3A_273 = arith.select %ne3A_271, %gather3A_270, %add3A_272 : vector<16xi1>, vector<16xf32>
        %add3A_274 = arith.constant 1 : i32
        %add3A_275 = vector.broadcast %add3A_274 : i32 to vector<16xi32>
        %add3A_276 = arith.addi %add3A_268, %add3A_275 : vector<16xi32>
        %gather3A_277 = tpu.vector_load_idx %arg7[%add3A_276] : memref<2000xi32, #tpu.memory_space<vmem>>[vector<16xi32>], vector<16xi32>,
        %gather3A_278 = tpu.vector_load_idx %arg6[%add3A_276] : memref<2000xf32, #tpu.memory_space<vmem>>[vector<16xi32>], vector<16xf32>,
        %ne3A_279 = arith.cmpi ne, %gather3A_277, %gather3A_269 : vector<16xi32>
        tpu.vector_store_idx %arg5[%gather3A_269], %select_n3A_273 masked %ne3A_279 {add = true} : memref<100352xf32, #tpu.memory_space<vmem>>[vector<16xi32>], vector<16xf32>, vector<16xi1>
        %add3A_280 = arith.addf %select_n3A_273, %gather3A_278 : vector<16xf32>
        %select_n3A_281 = arith.select %ne3A_279, %gather3A_278, %add3A_280 : vector<16xi1>, vector<16xf32>
        %add3A_282 = arith.constant 1 : i32
        %add3A_283 = vector.broadcast %add3A_282 : i32 to vector<16xi32>
        %add3A_284 = arith.addi %add3A_276, %add3A_283 : vector<16xi32>
        %gather3A_285 = tpu.vector_load_idx %arg7[%add3A_284] : memref<2000xi32, #tpu.memory_space<vmem>>[vector<16xi32>], vector<16xi32>,
        %gather3A_286 = tpu.vector_load_idx %arg6[%add3A_284] : memref<2000xf32, #tpu.memory_space<vmem>>[vector<16xi32>], vector<16xf32>,
        %ne3A_287 = arith.cmpi ne, %gather3A_285, %gather3A_277 : vector<16xi32>
        tpu.vector_store_idx %arg5[%gather3A_277], %select_n3A_281 masked %ne3A_287 {add = true} : memref<100352xf32, #tpu.memory_space<vmem>>[vector<16xi32>], vector<16xf32>, vector<16xi1>
        %add3A_288 = arith.addf %select_n3A_281, %gather3A_286 : vector<16xf32>
        %select_n3A_289 = arith.select %ne3A_287, %gather3A_286, %add3A_288 : vector<16xi1>, vector<16xf32>
        %add3A_290 = arith.constant 1 : i32
        %add3A_291 = vector.broadcast %add3A_290 : i32 to vector<16xi32>
        %add3A_292 = arith.addi %add3A_284, %add3A_291 : vector<16xi32>
        %gather3A_293 = tpu.vector_load_idx %arg7[%add3A_292] : memref<2000xi32, #tpu.memory_space<vmem>>[vector<16xi32>], vector<16xi32>,
        %gather3A_294 = tpu.vector_load_idx %arg6[%add3A_292] : memref<2000xf32, #tpu.memory_space<vmem>>[vector<16xi32>], vector<16xf32>,
        %ne3A_295 = arith.cmpi ne, %gather3A_293, %gather3A_285 : vector<16xi32>
        tpu.vector_store_idx %arg5[%gather3A_285], %select_n3A_289 masked %ne3A_295 {add = true} : memref<100352xf32, #tpu.memory_space<vmem>>[vector<16xi32>], vector<16xf32>, vector<16xi1>
        %add3A_296 = arith.addf %select_n3A_289, %gather3A_294 : vector<16xf32>
        %select_n3A_297 = arith.select %ne3A_295, %gather3A_294, %add3A_296 : vector<16xi1>, vector<16xf32>
        %add3A_298 = arith.constant 1 : i32
        %add3A_299 = vector.broadcast %add3A_298 : i32 to vector<16xi32>
        %add3A_300 = arith.addi %add3A_292, %add3A_299 : vector<16xi32>
        %gather3A_301 = tpu.vector_load_idx %arg7[%add3A_300] : memref<2000xi32, #tpu.memory_space<vmem>>[vector<16xi32>], vector<16xi32>,
        %gather3A_302 = tpu.vector_load_idx %arg6[%add3A_300] : memref<2000xf32, #tpu.memory_space<vmem>>[vector<16xi32>], vector<16xf32>,
        %ne3A_303 = arith.cmpi ne, %gather3A_301, %gather3A_293 : vector<16xi32>
        tpu.vector_store_idx %arg5[%gather3A_293], %select_n3A_297 masked %ne3A_303 {add = true} : memref<100352xf32, #tpu.memory_space<vmem>>[vector<16xi32>], vector<16xf32>, vector<16xi1>
        %add3A_304 = arith.addf %select_n3A_297, %gather3A_302 : vector<16xf32>
        %select_n3A_305 = arith.select %ne3A_303, %gather3A_302, %add3A_304 : vector<16xi1>, vector<16xf32>
        %add3A_306 = arith.constant 1 : i32
        %add3A_307 = vector.broadcast %add3A_306 : i32 to vector<16xi32>
        %add3A_308 = arith.addi %add3A_300, %add3A_307 : vector<16xi32>
        %gather3A_309 = tpu.vector_load_idx %arg7[%add3A_308] : memref<2000xi32, #tpu.memory_space<vmem>>[vector<16xi32>], vector<16xi32>,
        %gather3A_310 = tpu.vector_load_idx %arg6[%add3A_308] : memref<2000xf32, #tpu.memory_space<vmem>>[vector<16xi32>], vector<16xf32>,
        %ne3A_311 = arith.cmpi ne, %gather3A_309, %gather3A_301 : vector<16xi32>
        tpu.vector_store_idx %arg5[%gather3A_301], %select_n3A_305 masked %ne3A_311 {add = true} : memref<100352xf32, #tpu.memory_space<vmem>>[vector<16xi32>], vector<16xf32>, vector<16xi1>
        %add3A_312 = arith.addf %select_n3A_305, %gather3A_310 : vector<16xf32>
        %select_n3A_313 = arith.select %ne3A_311, %gather3A_310, %add3A_312 : vector<16xi1>, vector<16xf32>
        %add3A_314 = arith.constant 1 : i32
        %add3A_315 = vector.broadcast %add3A_314 : i32 to vector<16xi32>
        %add3A_316 = arith.addi %add3A_308, %add3A_315 : vector<16xi32>
        %gather3A_317 = tpu.vector_load_idx %arg7[%add3A_316] : memref<2000xi32, #tpu.memory_space<vmem>>[vector<16xi32>], vector<16xi32>,
        %gather3A_318 = tpu.vector_load_idx %arg6[%add3A_316] : memref<2000xf32, #tpu.memory_space<vmem>>[vector<16xi32>], vector<16xf32>,
        %ne3A_319 = arith.cmpi ne, %gather3A_317, %gather3A_309 : vector<16xi32>
        tpu.vector_store_idx %arg5[%gather3A_309], %select_n3A_313 masked %ne3A_319 {add = true} : memref<100352xf32, #tpu.memory_space<vmem>>[vector<16xi32>], vector<16xf32>, vector<16xi1>
        %add3A_320 = arith.addf %select_n3A_313, %gather3A_318 : vector<16xf32>
        %select_n3A_321 = arith.select %ne3A_319, %gather3A_318, %add3A_320 : vector<16xi1>, vector<16xf32>
        %add3A_322 = arith.constant 1 : i32
        %add3A_323 = vector.broadcast %add3A_322 : i32 to vector<16xi32>
        %add3A_324 = arith.addi %add3A_316, %add3A_323 : vector<16xi32>
        %gather3A_325 = tpu.vector_load_idx %arg7[%add3A_324] : memref<2000xi32, #tpu.memory_space<vmem>>[vector<16xi32>], vector<16xi32>,
        %gather3A_326 = tpu.vector_load_idx %arg6[%add3A_324] : memref<2000xf32, #tpu.memory_space<vmem>>[vector<16xi32>], vector<16xf32>,
        %ne3A_327 = arith.cmpi ne, %gather3A_325, %gather3A_317 : vector<16xi32>
        tpu.vector_store_idx %arg5[%gather3A_317], %select_n3A_321 masked %ne3A_327 {add = true} : memref<100352xf32, #tpu.memory_space<vmem>>[vector<16xi32>], vector<16xf32>, vector<16xi1>
        %add3A_328 = arith.addf %select_n3A_321, %gather3A_326 : vector<16xf32>
        %select_n3A_329 = arith.select %ne3A_327, %gather3A_326, %add3A_328 : vector<16xi1>, vector<16xf32>
        %add3A_330 = arith.constant 1 : i32
        %add3A_331 = vector.broadcast %add3A_330 : i32 to vector<16xi32>
        %add3A_332 = arith.addi %add3A_324, %add3A_331 : vector<16xi32>
        %gather3A_333 = tpu.vector_load_idx %arg7[%add3A_332] : memref<2000xi32, #tpu.memory_space<vmem>>[vector<16xi32>], vector<16xi32>,
        %gather3A_334 = tpu.vector_load_idx %arg6[%add3A_332] : memref<2000xf32, #tpu.memory_space<vmem>>[vector<16xi32>], vector<16xf32>,
        %ne3A_335 = arith.cmpi ne, %gather3A_333, %gather3A_325 : vector<16xi32>
        tpu.vector_store_idx %arg5[%gather3A_325], %select_n3A_329 masked %ne3A_335 {add = true} : memref<100352xf32, #tpu.memory_space<vmem>>[vector<16xi32>], vector<16xf32>, vector<16xi1>
        %add3A_336 = arith.addf %select_n3A_329, %gather3A_334 : vector<16xf32>
        %select_n3A_337 = arith.select %ne3A_335, %gather3A_334, %add3A_336 : vector<16xi1>, vector<16xf32>
        %add3A_338 = arith.constant 1 : i32
        %add3A_339 = vector.broadcast %add3A_338 : i32 to vector<16xi32>
        %add3A_340 = arith.addi %add3A_332, %add3A_339 : vector<16xi32>
        %gather3A_341 = tpu.vector_load_idx %arg7[%add3A_340] : memref<2000xi32, #tpu.memory_space<vmem>>[vector<16xi32>], vector<16xi32>,
        %gather3A_342 = tpu.vector_load_idx %arg6[%add3A_340] : memref<2000xf32, #tpu.memory_space<vmem>>[vector<16xi32>], vector<16xf32>,
        %ne3A_343 = arith.cmpi ne, %gather3A_341, %gather3A_333 : vector<16xi32>
        tpu.vector_store_idx %arg5[%gather3A_333], %select_n3A_337 masked %ne3A_343 {add = true} : memref<100352xf32, #tpu.memory_space<vmem>>[vector<16xi32>], vector<16xf32>, vector<16xi1>
        %add3A_344 = arith.addf %select_n3A_337, %gather3A_342 : vector<16xf32>
        %select_n3A_345 = arith.select %ne3A_343, %gather3A_342, %add3A_344 : vector<16xi1>, vector<16xf32>
        %add3A_346 = arith.constant 1 : i32
        %add3A_347 = vector.broadcast %add3A_346 : i32 to vector<16xi32>
        %add3A_348 = arith.addi %add3A_340, %add3A_347 : vector<16xi32>
        %gather3A_349 = tpu.vector_load_idx %arg7[%add3A_348] : memref<2000xi32, #tpu.memory_space<vmem>>[vector<16xi32>], vector<16xi32>,
        %gather3A_350 = tpu.vector_load_idx %arg6[%add3A_348] : memref<2000xf32, #tpu.memory_space<vmem>>[vector<16xi32>], vector<16xf32>,
        %ne3A_351 = arith.cmpi ne, %gather3A_349, %gather3A_341 : vector<16xi32>
        tpu.vector_store_idx %arg5[%gather3A_341], %select_n3A_345 masked %ne3A_351 {add = true} : memref<100352xf32, #tpu.memory_space<vmem>>[vector<16xi32>], vector<16xf32>, vector<16xi1>
        %add3A_352 = arith.addf %select_n3A_345, %gather3A_350 : vector<16xf32>
        %select_n3A_353 = arith.select %ne3A_351, %gather3A_350, %add3A_352 : vector<16xi1>, vector<16xf32>
        %add3A_354 = arith.constant 1 : i32
        %add3A_355 = vector.broadcast %add3A_354 : i32 to vector<16xi32>
        %add3A_356 = arith.addi %add3A_348, %add3A_355 : vector<16xi32>
        %gather3A_357 = tpu.vector_load_idx %arg7[%add3A_356] : memref<2000xi32, #tpu.memory_space<vmem>>[vector<16xi32>], vector<16xi32>,
        %gather3A_358 = tpu.vector_load_idx %arg6[%add3A_356] : memref<2000xf32, #tpu.memory_space<vmem>>[vector<16xi32>], vector<16xf32>,
        %ne3A_359 = arith.cmpi ne, %gather3A_357, %gather3A_349 : vector<16xi32>
        tpu.vector_store_idx %arg5[%gather3A_349], %select_n3A_353 masked %ne3A_359 {add = true} : memref<100352xf32, #tpu.memory_space<vmem>>[vector<16xi32>], vector<16xf32>, vector<16xi1>
        %add3A_360 = arith.addf %select_n3A_353, %gather3A_358 : vector<16xf32>
        %select_n3A_361 = arith.select %ne3A_359, %gather3A_358, %add3A_360 : vector<16xi1>, vector<16xf32>
        %add3A_362 = arith.constant 1 : i32
        %add3A_363 = vector.broadcast %add3A_362 : i32 to vector<16xi32>
        %add3A_364 = arith.addi %add3A_356, %add3A_363 : vector<16xi32>
        %gather3A_365 = tpu.vector_load_idx %arg7[%add3A_364] : memref<2000xi32, #tpu.memory_space<vmem>>[vector<16xi32>], vector<16xi32>,
        %gather3A_366 = tpu.vector_load_idx %arg6[%add3A_364] : memref<2000xf32, #tpu.memory_space<vmem>>[vector<16xi32>], vector<16xf32>,
        %ne3A_367 = arith.cmpi ne, %gather3A_365, %gather3A_357 : vector<16xi32>
        tpu.vector_store_idx %arg5[%gather3A_357], %select_n3A_361 masked %ne3A_367 {add = true} : memref<100352xf32, #tpu.memory_space<vmem>>[vector<16xi32>], vector<16xf32>, vector<16xi1>
        %add3A_368 = arith.addf %select_n3A_361, %gather3A_366 : vector<16xf32>
        %select_n3A_369 = arith.select %ne3A_367, %gather3A_366, %add3A_368 : vector<16xi1>, vector<16xf32>
        %add3A_370 = arith.constant 1 : i32
        %add3A_371 = vector.broadcast %add3A_370 : i32 to vector<16xi32>
        %add3A_372 = arith.addi %add3A_364, %add3A_371 : vector<16xi32>
        %gather3A_373 = tpu.vector_load_idx %arg7[%add3A_372] : memref<2000xi32, #tpu.memory_space<vmem>>[vector<16xi32>], vector<16xi32>,
        %gather3A_374 = tpu.vector_load_idx %arg6[%add3A_372] : memref<2000xf32, #tpu.memory_space<vmem>>[vector<16xi32>], vector<16xf32>,
        %ne3A_375 = arith.cmpi ne, %gather3A_373, %gather3A_365 : vector<16xi32>
        tpu.vector_store_idx %arg5[%gather3A_365], %select_n3A_369 masked %ne3A_375 {add = true} : memref<100352xf32, #tpu.memory_space<vmem>>[vector<16xi32>], vector<16xf32>, vector<16xi1>
        %add3A_376 = arith.addf %select_n3A_369, %gather3A_374 : vector<16xf32>
        %select_n3A_377 = arith.select %ne3A_375, %gather3A_374, %add3A_376 : vector<16xi1>, vector<16xf32>
        %add3A_378 = arith.constant 1 : i32
        %add3A_379 = vector.broadcast %add3A_378 : i32 to vector<16xi32>
        %add3A_380 = arith.addi %add3A_372, %add3A_379 : vector<16xi32>
        %gather3A_381 = tpu.vector_load_idx %arg7[%add3A_380] : memref<2000xi32, #tpu.memory_space<vmem>>[vector<16xi32>], vector<16xi32>,
        %gather3A_382 = tpu.vector_load_idx %arg6[%add3A_380] : memref<2000xf32, #tpu.memory_space<vmem>>[vector<16xi32>], vector<16xf32>,
        %ne3A_383 = arith.cmpi ne, %gather3A_381, %gather3A_373 : vector<16xi32>
        tpu.vector_store_idx %arg5[%gather3A_373], %select_n3A_377 masked %ne3A_383 {add = true} : memref<100352xf32, #tpu.memory_space<vmem>>[vector<16xi32>], vector<16xf32>, vector<16xi1>
        %add3A_384 = arith.addf %select_n3A_377, %gather3A_382 : vector<16xf32>
        %select_n3A_385 = arith.select %ne3A_383, %gather3A_382, %add3A_384 : vector<16xi1>, vector<16xf32>
        %add3A_386 = arith.constant 1 : i32
        %add3A_387 = vector.broadcast %add3A_386 : i32 to vector<16xi32>
        %add3A_388 = arith.addi %add3A_380, %add3A_387 : vector<16xi32>
        %gather3A_389 = tpu.vector_load_idx %arg7[%add3A_388] : memref<2000xi32, #tpu.memory_space<vmem>>[vector<16xi32>], vector<16xi32>,
        %gather3A_390 = tpu.vector_load_idx %arg6[%add3A_388] : memref<2000xf32, #tpu.memory_space<vmem>>[vector<16xi32>], vector<16xf32>,
        %ne3A_391 = arith.cmpi ne, %gather3A_389, %gather3A_381 : vector<16xi32>
        tpu.vector_store_idx %arg5[%gather3A_381], %select_n3A_385 masked %ne3A_391 {add = true} : memref<100352xf32, #tpu.memory_space<vmem>>[vector<16xi32>], vector<16xf32>, vector<16xi1>
        %add3A_392 = arith.addf %select_n3A_385, %gather3A_390 : vector<16xf32>
        %select_n3A_393 = arith.select %ne3A_391, %gather3A_390, %add3A_392 : vector<16xi1>, vector<16xf32>
        %add3A_394 = arith.constant 1 : i32
        %add3A_395 = vector.broadcast %add3A_394 : i32 to vector<16xi32>
        %add3A_396 = arith.addi %add3A_388, %add3A_395 : vector<16xi32>
        %gather3A_397 = tpu.vector_load_idx %arg7[%add3A_396] : memref<2000xi32, #tpu.memory_space<vmem>>[vector<16xi32>], vector<16xi32>,
        %gather3A_398 = tpu.vector_load_idx %arg6[%add3A_396] : memref<2000xf32, #tpu.memory_space<vmem>>[vector<16xi32>], vector<16xf32>,
        %ne3A_399 = arith.cmpi ne, %gather3A_397, %gather3A_389 : vector<16xi32>
        tpu.vector_store_idx %arg5[%gather3A_389], %select_n3A_393 masked %ne3A_399 {add = true} : memref<100352xf32, #tpu.memory_space<vmem>>[vector<16xi32>], vector<16xf32>, vector<16xi1>
        %add3A_400 = arith.addf %select_n3A_393, %gather3A_398 : vector<16xf32>
        %select_n3A_401 = arith.select %ne3A_399, %gather3A_398, %add3A_400 : vector<16xi1>, vector<16xf32>
        %add3A_402 = arith.constant 1 : i32
        %add3A_403 = vector.broadcast %add3A_402 : i32 to vector<16xi32>
        %add3A_404 = arith.addi %add3A_396, %add3A_403 : vector<16xi32>
        %gather3A_405 = tpu.vector_load_idx %arg7[%add3A_404] : memref<2000xi32, #tpu.memory_space<vmem>>[vector<16xi32>], vector<16xi32>,
        %gather3A_406 = tpu.vector_load_idx %arg6[%add3A_404] : memref<2000xf32, #tpu.memory_space<vmem>>[vector<16xi32>], vector<16xf32>,
        %ne3A_407 = arith.cmpi ne, %gather3A_405, %gather3A_397 : vector<16xi32>
        tpu.vector_store_idx %arg5[%gather3A_397], %select_n3A_401 masked %ne3A_407 {add = true} : memref<100352xf32, #tpu.memory_space<vmem>>[vector<16xi32>], vector<16xf32>, vector<16xi1>
        %add3A_408 = arith.addf %select_n3A_401, %gather3A_406 : vector<16xf32>
        %select_n3A_409 = arith.select %ne3A_407, %gather3A_406, %add3A_408 : vector<16xi1>, vector<16xf32>
        %add3A_410 = arith.constant 1 : i32
        %add3A_411 = vector.broadcast %add3A_410 : i32 to vector<16xi32>
        %add3A_412 = arith.addi %add3A_404, %add3A_411 : vector<16xi32>
        %gather3A_413 = tpu.vector_load_idx %arg7[%add3A_412] : memref<2000xi32, #tpu.memory_space<vmem>>[vector<16xi32>], vector<16xi32>,
        %gather3A_414 = tpu.vector_load_idx %arg6[%add3A_412] : memref<2000xf32, #tpu.memory_space<vmem>>[vector<16xi32>], vector<16xf32>,
        %ne3A_415 = arith.cmpi ne, %gather3A_413, %gather3A_405 : vector<16xi32>
        tpu.vector_store_idx %arg5[%gather3A_405], %select_n3A_409 masked %ne3A_415 {add = true} : memref<100352xf32, #tpu.memory_space<vmem>>[vector<16xi32>], vector<16xf32>, vector<16xi1>
        %add3A_416 = arith.addf %select_n3A_409, %gather3A_414 : vector<16xf32>
        %select_n3A_417 = arith.select %ne3A_415, %gather3A_414, %add3A_416 : vector<16xi1>, vector<16xf32>
        %add3A_418 = arith.constant 1 : i32
        %add3A_419 = vector.broadcast %add3A_418 : i32 to vector<16xi32>
        %add3A_420 = arith.addi %add3A_412, %add3A_419 : vector<16xi32>
        %gather3A_421 = tpu.vector_load_idx %arg7[%add3A_420] : memref<2000xi32, #tpu.memory_space<vmem>>[vector<16xi32>], vector<16xi32>,
        %gather3A_422 = tpu.vector_load_idx %arg6[%add3A_420] : memref<2000xf32, #tpu.memory_space<vmem>>[vector<16xi32>], vector<16xf32>,
        %ne3A_423 = arith.cmpi ne, %gather3A_421, %gather3A_413 : vector<16xi32>
        tpu.vector_store_idx %arg5[%gather3A_413], %select_n3A_417 masked %ne3A_423 {add = true} : memref<100352xf32, #tpu.memory_space<vmem>>[vector<16xi32>], vector<16xf32>, vector<16xi1>
        %add3A_424 = arith.addf %select_n3A_417, %gather3A_422 : vector<16xf32>
        %select_n3A_425 = arith.select %ne3A_423, %gather3A_422, %add3A_424 : vector<16xi1>, vector<16xf32>
        %add3A_426 = arith.constant 1 : i32
        %add3A_427 = vector.broadcast %add3A_426 : i32 to vector<16xi32>
        %add3A_428 = arith.addi %add3A_420, %add3A_427 : vector<16xi32>
        %gather3A_429 = tpu.vector_load_idx %arg7[%add3A_428] : memref<2000xi32, #tpu.memory_space<vmem>>[vector<16xi32>], vector<16xi32>,
        %gather3A_430 = tpu.vector_load_idx %arg6[%add3A_428] : memref<2000xf32, #tpu.memory_space<vmem>>[vector<16xi32>], vector<16xf32>,
        %ne3A_431 = arith.cmpi ne, %gather3A_429, %gather3A_421 : vector<16xi32>
        tpu.vector_store_idx %arg5[%gather3A_421], %select_n3A_425 masked %ne3A_431 {add = true} : memref<100352xf32, #tpu.memory_space<vmem>>[vector<16xi32>], vector<16xf32>, vector<16xi1>
        %add3A_432 = arith.addf %select_n3A_425, %gather3A_430 : vector<16xf32>
        %select_n3A_433 = arith.select %ne3A_431, %gather3A_430, %add3A_432 : vector<16xi1>, vector<16xf32>
        %add3A_434 = arith.constant 1 : i32
        %add3A_435 = vector.broadcast %add3A_434 : i32 to vector<16xi32>
        %add3A_436 = arith.addi %add3A_428, %add3A_435 : vector<16xi32>
        %gather3A_437 = tpu.vector_load_idx %arg7[%add3A_436] : memref<2000xi32, #tpu.memory_space<vmem>>[vector<16xi32>], vector<16xi32>,
        %gather3A_438 = tpu.vector_load_idx %arg6[%add3A_436] : memref<2000xf32, #tpu.memory_space<vmem>>[vector<16xi32>], vector<16xf32>,
        %ne3A_439 = arith.cmpi ne, %gather3A_437, %gather3A_429 : vector<16xi32>
        tpu.vector_store_idx %arg5[%gather3A_429], %select_n3A_433 masked %ne3A_439 {add = true} : memref<100352xf32, #tpu.memory_space<vmem>>[vector<16xi32>], vector<16xf32>, vector<16xi1>
        %add3A_440 = arith.addf %select_n3A_433, %gather3A_438 : vector<16xf32>
        %select_n3A_441 = arith.select %ne3A_439, %gather3A_438, %add3A_440 : vector<16xi1>, vector<16xf32>
        %add3A_442 = arith.constant 1 : i32
        %add3A_443 = vector.broadcast %add3A_442 : i32 to vector<16xi32>
        %add3A_444 = arith.addi %add3A_436, %add3A_443 : vector<16xi32>
        %gather3A_445 = tpu.vector_load_idx %arg7[%add3A_444] : memref<2000xi32, #tpu.memory_space<vmem>>[vector<16xi32>], vector<16xi32>,
        %gather3A_446 = tpu.vector_load_idx %arg6[%add3A_444] : memref<2000xf32, #tpu.memory_space<vmem>>[vector<16xi32>], vector<16xf32>,
        %ne3A_447 = arith.cmpi ne, %gather3A_445, %gather3A_437 : vector<16xi32>
        tpu.vector_store_idx %arg5[%gather3A_437], %select_n3A_441 masked %ne3A_447 {add = true} : memref<100352xf32, #tpu.memory_space<vmem>>[vector<16xi32>], vector<16xf32>, vector<16xi1>
        %add3A_448 = arith.addf %select_n3A_441, %gather3A_446 : vector<16xf32>
        %select_n3A_449 = arith.select %ne3A_447, %gather3A_446, %add3A_448 : vector<16xi1>, vector<16xf32>
        %add3A_450 = arith.constant 1 : i32
        %add3A_451 = vector.broadcast %add3A_450 : i32 to vector<16xi32>
        %add3A_452 = arith.addi %add3A_444, %add3A_451 : vector<16xi32>
        %gather3A_453 = tpu.vector_load_idx %arg7[%add3A_452] : memref<2000xi32, #tpu.memory_space<vmem>>[vector<16xi32>], vector<16xi32>,
        %gather3A_454 = tpu.vector_load_idx %arg6[%add3A_452] : memref<2000xf32, #tpu.memory_space<vmem>>[vector<16xi32>], vector<16xf32>,
        %ne3A_455 = arith.cmpi ne, %gather3A_453, %gather3A_445 : vector<16xi32>
        tpu.vector_store_idx %arg5[%gather3A_445], %select_n3A_449 masked %ne3A_455 {add = true} : memref<100352xf32, #tpu.memory_space<vmem>>[vector<16xi32>], vector<16xf32>, vector<16xi1>
        %add3A_456 = arith.addf %select_n3A_449, %gather3A_454 : vector<16xf32>
        %select_n3A_457 = arith.select %ne3A_455, %gather3A_454, %add3A_456 : vector<16xi1>, vector<16xf32>
        %add3A_458 = arith.constant 1 : i32
        %add3A_459 = vector.broadcast %add3A_458 : i32 to vector<16xi32>
        %add3A_460 = arith.addi %add3A_452, %add3A_459 : vector<16xi32>
        %gather3A_461 = tpu.vector_load_idx %arg7[%add3A_460] : memref<2000xi32, #tpu.memory_space<vmem>>[vector<16xi32>], vector<16xi32>,
        %gather3A_462 = tpu.vector_load_idx %arg6[%add3A_460] : memref<2000xf32, #tpu.memory_space<vmem>>[vector<16xi32>], vector<16xf32>,
        %ne3A_463 = arith.cmpi ne, %gather3A_461, %gather3A_453 : vector<16xi32>
        tpu.vector_store_idx %arg5[%gather3A_453], %select_n3A_457 masked %ne3A_463 {add = true} : memref<100352xf32, #tpu.memory_space<vmem>>[vector<16xi32>], vector<16xf32>, vector<16xi1>
        %add3A_464 = arith.addf %select_n3A_457, %gather3A_462 : vector<16xf32>
        %select_n3A_465 = arith.select %ne3A_463, %gather3A_462, %add3A_464 : vector<16xi1>, vector<16xf32>
        %add3A_466 = arith.constant 1 : i32
        %add3A_467 = vector.broadcast %add3A_466 : i32 to vector<16xi32>
        %add3A_468 = arith.addi %add3A_460, %add3A_467 : vector<16xi32>
        %gather3A_469 = tpu.vector_load_idx %arg7[%add3A_468] : memref<2000xi32, #tpu.memory_space<vmem>>[vector<16xi32>], vector<16xi32>,
        %gather3A_470 = tpu.vector_load_idx %arg6[%add3A_468] : memref<2000xf32, #tpu.memory_space<vmem>>[vector<16xi32>], vector<16xf32>,
        %ne3A_471 = arith.cmpi ne, %gather3A_469, %gather3A_461 : vector<16xi32>
        tpu.vector_store_idx %arg5[%gather3A_461], %select_n3A_465 masked %ne3A_471 {add = true} : memref<100352xf32, #tpu.memory_space<vmem>>[vector<16xi32>], vector<16xf32>, vector<16xi1>
        %add3A_472 = arith.addf %select_n3A_465, %gather3A_470 : vector<16xf32>
        %select_n3A_473 = arith.select %ne3A_471, %gather3A_470, %add3A_472 : vector<16xi1>, vector<16xf32>
        %add3A_474 = arith.constant 1 : i32
        %add3A_475 = vector.broadcast %add3A_474 : i32 to vector<16xi32>
        %add3A_476 = arith.addi %add3A_468, %add3A_475 : vector<16xi32>
        %gather3A_477 = tpu.vector_load_idx %arg7[%add3A_476] : memref<2000xi32, #tpu.memory_space<vmem>>[vector<16xi32>], vector<16xi32>,
        %gather3A_478 = tpu.vector_load_idx %arg6[%add3A_476] : memref<2000xf32, #tpu.memory_space<vmem>>[vector<16xi32>], vector<16xf32>,
        %ne3A_479 = arith.cmpi ne, %gather3A_477, %gather3A_469 : vector<16xi32>
        tpu.vector_store_idx %arg5[%gather3A_469], %select_n3A_473 masked %ne3A_479 {add = true} : memref<100352xf32, #tpu.memory_space<vmem>>[vector<16xi32>], vector<16xf32>, vector<16xi1>
        %add3A_480 = arith.addf %select_n3A_473, %gather3A_478 : vector<16xf32>
        %select_n3A_481 = arith.select %ne3A_479, %gather3A_478, %add3A_480 : vector<16xi1>, vector<16xf32>
        %add3A_482 = arith.constant 1 : i32
        %add3A_483 = vector.broadcast %add3A_482 : i32 to vector<16xi32>
        %add3A_484 = arith.addi %add3A_476, %add3A_483 : vector<16xi32>
        %gather3A_485 = tpu.vector_load_idx %arg7[%add3A_484] : memref<2000xi32, #tpu.memory_space<vmem>>[vector<16xi32>], vector<16xi32>,
        %gather3A_486 = tpu.vector_load_idx %arg6[%add3A_484] : memref<2000xf32, #tpu.memory_space<vmem>>[vector<16xi32>], vector<16xf32>,
        %ne3A_487 = arith.cmpi ne, %gather3A_485, %gather3A_477 : vector<16xi32>
        tpu.vector_store_idx %arg5[%gather3A_477], %select_n3A_481 masked %ne3A_487 {add = true} : memref<100352xf32, #tpu.memory_space<vmem>>[vector<16xi32>], vector<16xf32>, vector<16xi1>
        %add3A_488 = arith.addf %select_n3A_481, %gather3A_486 : vector<16xf32>
        %select_n3A_489 = arith.select %ne3A_487, %gather3A_486, %add3A_488 : vector<16xi1>, vector<16xf32>
        %add3A_490 = arith.constant 1 : i32
        %add3A_491 = vector.broadcast %add3A_490 : i32 to vector<16xi32>
        %add3A_492 = arith.addi %add3A_484, %add3A_491 : vector<16xi32>
        %gather3A_493 = tpu.vector_load_idx %arg7[%add3A_492] : memref<2000xi32, #tpu.memory_space<vmem>>[vector<16xi32>], vector<16xi32>,
        %gather3A_494 = tpu.vector_load_idx %arg6[%add3A_492] : memref<2000xf32, #tpu.memory_space<vmem>>[vector<16xi32>], vector<16xf32>,
        %ne3A_495 = arith.cmpi ne, %gather3A_493, %gather3A_485 : vector<16xi32>
        tpu.vector_store_idx %arg5[%gather3A_485], %select_n3A_489 masked %ne3A_495 {add = true} : memref<100352xf32, #tpu.memory_space<vmem>>[vector<16xi32>], vector<16xf32>, vector<16xi1>
        %add3A_496 = arith.addf %select_n3A_489, %gather3A_494 : vector<16xf32>
        %select_n3A_497 = arith.select %ne3A_495, %gather3A_494, %add3A_496 : vector<16xi1>, vector<16xf32>
        %add3A_498 = arith.constant 1 : i32
        %add3A_499 = vector.broadcast %add3A_498 : i32 to vector<16xi32>
        %add3A_500 = arith.addi %add3A_492, %add3A_499 : vector<16xi32>
        %gather3A_501 = tpu.vector_load_idx %arg7[%add3A_500] : memref<2000xi32, #tpu.memory_space<vmem>>[vector<16xi32>], vector<16xi32>,
        %gather3A_502 = tpu.vector_load_idx %arg6[%add3A_500] : memref<2000xf32, #tpu.memory_space<vmem>>[vector<16xi32>], vector<16xf32>,
        %ne3A_503 = arith.cmpi ne, %gather3A_501, %gather3A_493 : vector<16xi32>
        tpu.vector_store_idx %arg5[%gather3A_493], %select_n3A_497 masked %ne3A_503 {add = true} : memref<100352xf32, #tpu.memory_space<vmem>>[vector<16xi32>], vector<16xf32>, vector<16xi1>
        %add3A_504 = arith.addf %select_n3A_497, %gather3A_502 : vector<16xf32>
        %select_n3A_505 = arith.select %ne3A_503, %gather3A_502, %add3A_504 : vector<16xi1>, vector<16xf32>
        %add3A_506 = arith.constant 1 : i32
        %add3A_507 = vector.broadcast %add3A_506 : i32 to vector<16xi32>
        %add3A_508 = arith.addi %add3A_500, %add3A_507 : vector<16xi32>
        %gather3A_509 = tpu.vector_load_idx %arg7[%add3A_508] : memref<2000xi32, #tpu.memory_space<vmem>>[vector<16xi32>], vector<16xi32>,
        %gather3A_510 = tpu.vector_load_idx %arg6[%add3A_508] : memref<2000xf32, #tpu.memory_space<vmem>>[vector<16xi32>], vector<16xf32>,
        %ne3A_511 = arith.cmpi ne, %gather3A_509, %gather3A_501 : vector<16xi32>
        tpu.vector_store_idx %arg5[%gather3A_501], %select_n3A_505 masked %ne3A_511 {add = true} : memref<100352xf32, #tpu.memory_space<vmem>>[vector<16xi32>], vector<16xf32>, vector<16xi1>
        %add3A_512 = arith.addf %select_n3A_505, %gather3A_510 : vector<16xf32>
        %select_n3A_513 = arith.select %ne3A_511, %gather3A_510, %add3A_512 : vector<16xi1>, vector<16xf32>
        scf.yield %add3A_508, %gather3A_509, %select_n3A_513 : vector<16xi32>, vector<16xi32>, vector<16xf32>
      }
      %scan3A_167 = arith.constant 4 : i32
      tpu.vector_store_idx %arg5[%scan3A_166#1], %scan3A_166#2 {add = true} : memref<100352xf32, #tpu.memory_space<vmem>>[vector<16xi32>], vector<16xf32>,
      %add3A_168 = arith.constant 0 : i32
      %add3A_169 = arith.addi %mul3A_149, %add3A_168 : i32
      %add3A_170 = arith.constant 4 : i32
      %add3A_171 = arith.addi %add3A_169, %add3A_170 : i32
      %lt3A = arith.constant 100 : i32
      %lt3A_172 = arith.cmpi slt, %add3A_171, %lt3A : i32
      %convert_element_type3A = arith.extui %lt3A_172 : i1 to i32
      %cond3A = arith.constant 0 : i32
      %cond3A_173 = arith.cmpi ne, %convert_element_type3A, %cond3A : i32
      scf.if %cond3A_173 {
        %add3A_262 = arith.constant 0 : i32
        %add3A_263 = arith.addi %mul3A_149, %add3A_262 : i32
        %add3A_264 = arith.constant 4 : i32
        %add3A_265 = arith.addi %add3A_263, %add3A_264 : i32
        %mul3A_266 = arith.constant 2000 : i32
        %mul3A_267 = arith.muli %add3A_265, %mul3A_266 : i32
        %add3A_268 = arith.addi %mul3A_2, %mul3A_267 : i32
        %dma_start3A_269 = tpu.memref_slice %arg2[%add3A_268] : memref<6400000xf32, #tpu.memory_space<hbm>> -> memref<2000xf32, #tpu.memory_space<hbm>>
        %dma_start3A_270 = tpu.memref_slice %arg2[%add3A_268] : memref<6400000xf32, #tpu.memory_space<hbm>> -> memref<2000xf32, #tpu.memory_space<hbm>>
        tpu.enqueue_dma source(%dma_start3A_270 : memref<2000xf32, #tpu.memory_space<hbm>>) target(%arg6 : memref<2000xf32, #tpu.memory_space<vmem>>) target_semaphore(%arg15 : memref<!tpu.dma_semaphore, #tpu.memory_space<semaphore_mem>>)
        %dma_start3A_271 = tpu.memref_slice %arg3[%add3A_268] : memref<6400000xi32, #tpu.memory_space<hbm>> -> memref<2000xi32, #tpu.memory_space<hbm>>
        %dma_start3A_272 = tpu.memref_slice %arg3[%add3A_268] : memref<6400000xi32, #tpu.memory_space<hbm>> -> memref<2000xi32, #tpu.memory_space<hbm>>
        tpu.enqueue_dma source(%dma_start3A_272 : memref<2000xi32, #tpu.memory_space<hbm>>) target(%arg7 : memref<2000xi32, #tpu.memory_space<vmem>>) target_semaphore(%arg15 : memref<!tpu.dma_semaphore, #tpu.memory_space<semaphore_mem>>)
      } else {
      }
      %add3A_174 = arith.constant 1 : i32
      %add3A_175 = arith.addi %mul3A_149, %add3A_174 : i32
      %mul3A_176 = arith.constant 2000 : i32
      %mul3A_177 = arith.muli %add3A_175, %mul3A_176 : i32
      %add3A_178 = arith.addi %mul3A_2, %mul3A_177 : i32
      %dma_wait3A_179 = tpu.memref_slice %arg2[%add3A_178] : memref<6400000xf32, #tpu.memory_space<hbm>> -> memref<2000xf32, #tpu.memory_space<hbm>>
      %dma_wait3A_180 = tpu.memref_slice %arg2[%add3A_178] : memref<6400000xf32, #tpu.memory_space<hbm>> -> memref<2000xf32, #tpu.memory_space<hbm>>
      tpu.wait_dma2 semaphore(%arg16 : memref<!tpu.dma_semaphore, #tpu.memory_space<semaphore_mem>>) src(%dma_wait3A_180 : memref<2000xf32, #tpu.memory_space<hbm>>) dst(%arg8 : memref<2000xf32, #tpu.memory_space<vmem>>)
      %dma_wait3A_181 = tpu.memref_slice %arg3[%add3A_178] : memref<6400000xi32, #tpu.memory_space<hbm>> -> memref<2000xi32, #tpu.memory_space<hbm>>
      %dma_wait3A_182 = tpu.memref_slice %arg3[%add3A_178] : memref<6400000xi32, #tpu.memory_space<hbm>> -> memref<2000xi32, #tpu.memory_space<hbm>>
      tpu.wait_dma2 semaphore(%arg16 : memref<!tpu.dma_semaphore, #tpu.memory_space<semaphore_mem>>) src(%dma_wait3A_182 : memref<2000xi32, #tpu.memory_space<hbm>>) dst(%arg9 : memref<2000xi32, #tpu.memory_space<vmem>>)
      %add3A_183 = arith.constant 0 : i32
      %add3A_184 = vector.broadcast %add3A_183 : i32 to vector<16xi32>
      %add3A_185 = arith.addi %mul3A_97, %add3A_184 : vector<16xi32>
      %gather3A_186 = tpu.vector_load_idx %arg9[%add3A_185] : memref<2000xi32, #tpu.memory_space<vmem>>[vector<16xi32>], vector<16xi32>,
      %gather3A_187 = tpu.vector_load_idx %arg8[%add3A_185] : memref<2000xf32, #tpu.memory_space<vmem>>[vector<16xi32>], vector<16xf32>,
      %scan3A_188 = arith.constant 0 : i32
      %scan3A_189 = arith.constant 4 : i32
      %scan3A_190 = arith.addi %scan3A_188, %scan3A_189 : i32
      %scan3A_191 = arith.constant 1 : i32
      %scan3A_192:3 = scf.for %scan3A_262 = %scan3A_188 to %scan3A_190 step %scan3A_191 iter_args(%scan3A_263 = %add3A_185, %scan3A_264 = %gather3A_186, %scan3A_265 = %gather3A_187) -> (vector<16xi32>, vector<16xi32>, vector<16xf32>)  : i32 {
        %add3A_266 = arith.constant 1 : i32
        %add3A_267 = vector.broadcast %add3A_266 : i32 to vector<16xi32>
        %add3A_268 = arith.addi %scan3A_263, %add3A_267 : vector<16xi32>
        %gather3A_269 = tpu.vector_load_idx %arg9[%add3A_268] : memref<2000xi32, #tpu.memory_space<vmem>>[vector<16xi32>], vector<16xi32>,
        %gather3A_270 = tpu.vector_load_idx %arg8[%add3A_268] : memref<2000xf32, #tpu.memory_space<vmem>>[vector<16xi32>], vector<16xf32>,
        %ne3A_271 = arith.cmpi ne, %gather3A_269, %scan3A_264 : vector<16xi32>
        tpu.vector_store_idx %arg5[%scan3A_264], %scan3A_265 masked %ne3A_271 {add = true} : memref<100352xf32, #tpu.memory_space<vmem>>[vector<16xi32>], vector<16xf32>, vector<16xi1>
        %add3A_272 = arith.addf %scan3A_265, %gather3A_270 : vector<16xf32>
        %select_n3A_273 = arith.select %ne3A_271, %gather3A_270, %add3A_272 : vector<16xi1>, vector<16xf32>
        %add3A_274 = arith.constant 1 : i32
        %add3A_275 = vector.broadcast %add3A_274 : i32 to vector<16xi32>
        %add3A_276 = arith.addi %add3A_268, %add3A_275 : vector<16xi32>
        %gather3A_277 = tpu.vector_load_idx %arg9[%add3A_276] : memref<2000xi32, #tpu.memory_space<vmem>>[vector<16xi32>], vector<16xi32>,
        %gather3A_278 = tpu.vector_load_idx %arg8[%add3A_276] : memref<2000xf32, #tpu.memory_space<vmem>>[vector<16xi32>], vector<16xf32>,
        %ne3A_279 = arith.cmpi ne, %gather3A_277, %gather3A_269 : vector<16xi32>
        tpu.vector_store_idx %arg5[%gather3A_269], %select_n3A_273 masked %ne3A_279 {add = true} : memref<100352xf32, #tpu.memory_space<vmem>>[vector<16xi32>], vector<16xf32>, vector<16xi1>
        %add3A_280 = arith.addf %select_n3A_273, %gather3A_278 : vector<16xf32>
        %select_n3A_281 = arith.select %ne3A_279, %gather3A_278, %add3A_280 : vector<16xi1>, vector<16xf32>
        %add3A_282 = arith.constant 1 : i32
        %add3A_283 = vector.broadcast %add3A_282 : i32 to vector<16xi32>
        %add3A_284 = arith.addi %add3A_276, %add3A_283 : vector<16xi32>
        %gather3A_285 = tpu.vector_load_idx %arg9[%add3A_284] : memref<2000xi32, #tpu.memory_space<vmem>>[vector<16xi32>], vector<16xi32>,
        %gather3A_286 = tpu.vector_load_idx %arg8[%add3A_284] : memref<2000xf32, #tpu.memory_space<vmem>>[vector<16xi32>], vector<16xf32>,
        %ne3A_287 = arith.cmpi ne, %gather3A_285, %gather3A_277 : vector<16xi32>
        tpu.vector_store_idx %arg5[%gather3A_277], %select_n3A_281 masked %ne3A_287 {add = true} : memref<100352xf32, #tpu.memory_space<vmem>>[vector<16xi32>], vector<16xf32>, vector<16xi1>
        %add3A_288 = arith.addf %select_n3A_281, %gather3A_286 : vector<16xf32>
        %select_n3A_289 = arith.select %ne3A_287, %gather3A_286, %add3A_288 : vector<16xi1>, vector<16xf32>
        %add3A_290 = arith.constant 1 : i32
        %add3A_291 = vector.broadcast %add3A_290 : i32 to vector<16xi32>
        %add3A_292 = arith.addi %add3A_284, %add3A_291 : vector<16xi32>
        %gather3A_293 = tpu.vector_load_idx %arg9[%add3A_292] : memref<2000xi32, #tpu.memory_space<vmem>>[vector<16xi32>], vector<16xi32>,
        %gather3A_294 = tpu.vector_load_idx %arg8[%add3A_292] : memref<2000xf32, #tpu.memory_space<vmem>>[vector<16xi32>], vector<16xf32>,
        %ne3A_295 = arith.cmpi ne, %gather3A_293, %gather3A_285 : vector<16xi32>
        tpu.vector_store_idx %arg5[%gather3A_285], %select_n3A_289 masked %ne3A_295 {add = true} : memref<100352xf32, #tpu.memory_space<vmem>>[vector<16xi32>], vector<16xf32>, vector<16xi1>
        %add3A_296 = arith.addf %select_n3A_289, %gather3A_294 : vector<16xf32>
        %select_n3A_297 = arith.select %ne3A_295, %gather3A_294, %add3A_296 : vector<16xi1>, vector<16xf32>
        %add3A_298 = arith.constant 1 : i32
        %add3A_299 = vector.broadcast %add3A_298 : i32 to vector<16xi32>
        %add3A_300 = arith.addi %add3A_292, %add3A_299 : vector<16xi32>
        %gather3A_301 = tpu.vector_load_idx %arg9[%add3A_300] : memref<2000xi32, #tpu.memory_space<vmem>>[vector<16xi32>], vector<16xi32>,
        %gather3A_302 = tpu.vector_load_idx %arg8[%add3A_300] : memref<2000xf32, #tpu.memory_space<vmem>>[vector<16xi32>], vector<16xf32>,
        %ne3A_303 = arith.cmpi ne, %gather3A_301, %gather3A_293 : vector<16xi32>
        tpu.vector_store_idx %arg5[%gather3A_293], %select_n3A_297 masked %ne3A_303 {add = true} : memref<100352xf32, #tpu.memory_space<vmem>>[vector<16xi32>], vector<16xf32>, vector<16xi1>
        %add3A_304 = arith.addf %select_n3A_297, %gather3A_302 : vector<16xf32>
        %select_n3A_305 = arith.select %ne3A_303, %gather3A_302, %add3A_304 : vector<16xi1>, vector<16xf32>
        %add3A_306 = arith.constant 1 : i32
        %add3A_307 = vector.broadcast %add3A_306 : i32 to vector<16xi32>
        %add3A_308 = arith.addi %add3A_300, %add3A_307 : vector<16xi32>
        %gather3A_309 = tpu.vector_load_idx %arg9[%add3A_308] : memref<2000xi32, #tpu.memory_space<vmem>>[vector<16xi32>], vector<16xi32>,
        %gather3A_310 = tpu.vector_load_idx %arg8[%add3A_308] : memref<2000xf32, #tpu.memory_space<vmem>>[vector<16xi32>], vector<16xf32>,
        %ne3A_311 = arith.cmpi ne, %gather3A_309, %gather3A_301 : vector<16xi32>
        tpu.vector_store_idx %arg5[%gather3A_301], %select_n3A_305 masked %ne3A_311 {add = true} : memref<100352xf32, #tpu.memory_space<vmem>>[vector<16xi32>], vector<16xf32>, vector<16xi1>
        %add3A_312 = arith.addf %select_n3A_305, %gather3A_310 : vector<16xf32>
        %select_n3A_313 = arith.select %ne3A_311, %gather3A_310, %add3A_312 : vector<16xi1>, vector<16xf32>
        %add3A_314 = arith.constant 1 : i32
        %add3A_315 = vector.broadcast %add3A_314 : i32 to vector<16xi32>
        %add3A_316 = arith.addi %add3A_308, %add3A_315 : vector<16xi32>
        %gather3A_317 = tpu.vector_load_idx %arg9[%add3A_316] : memref<2000xi32, #tpu.memory_space<vmem>>[vector<16xi32>], vector<16xi32>,
        %gather3A_318 = tpu.vector_load_idx %arg8[%add3A_316] : memref<2000xf32, #tpu.memory_space<vmem>>[vector<16xi32>], vector<16xf32>,
        %ne3A_319 = arith.cmpi ne, %gather3A_317, %gather3A_309 : vector<16xi32>
        tpu.vector_store_idx %arg5[%gather3A_309], %select_n3A_313 masked %ne3A_319 {add = true} : memref<100352xf32, #tpu.memory_space<vmem>>[vector<16xi32>], vector<16xf32>, vector<16xi1>
        %add3A_320 = arith.addf %select_n3A_313, %gather3A_318 : vector<16xf32>
        %select_n3A_321 = arith.select %ne3A_319, %gather3A_318, %add3A_320 : vector<16xi1>, vector<16xf32>
        %add3A_322 = arith.constant 1 : i32
        %add3A_323 = vector.broadcast %add3A_322 : i32 to vector<16xi32>
        %add3A_324 = arith.addi %add3A_316, %add3A_323 : vector<16xi32>
        %gather3A_325 = tpu.vector_load_idx %arg9[%add3A_324] : memref<2000xi32, #tpu.memory_space<vmem>>[vector<16xi32>], vector<16xi32>,
        %gather3A_326 = tpu.vector_load_idx %arg8[%add3A_324] : memref<2000xf32, #tpu.memory_space<vmem>>[vector<16xi32>], vector<16xf32>,
        %ne3A_327 = arith.cmpi ne, %gather3A_325, %gather3A_317 : vector<16xi32>
        tpu.vector_store_idx %arg5[%gather3A_317], %select_n3A_321 masked %ne3A_327 {add = true} : memref<100352xf32, #tpu.memory_space<vmem>>[vector<16xi32>], vector<16xf32>, vector<16xi1>
        %add3A_328 = arith.addf %select_n3A_321, %gather3A_326 : vector<16xf32>
        %select_n3A_329 = arith.select %ne3A_327, %gather3A_326, %add3A_328 : vector<16xi1>, vector<16xf32>
        %add3A_330 = arith.constant 1 : i32
        %add3A_331 = vector.broadcast %add3A_330 : i32 to vector<16xi32>
        %add3A_332 = arith.addi %add3A_324, %add3A_331 : vector<16xi32>
        %gather3A_333 = tpu.vector_load_idx %arg9[%add3A_332] : memref<2000xi32, #tpu.memory_space<vmem>>[vector<16xi32>], vector<16xi32>,
        %gather3A_334 = tpu.vector_load_idx %arg8[%add3A_332] : memref<2000xf32, #tpu.memory_space<vmem>>[vector<16xi32>], vector<16xf32>,
        %ne3A_335 = arith.cmpi ne, %gather3A_333, %gather3A_325 : vector<16xi32>
        tpu.vector_store_idx %arg5[%gather3A_325], %select_n3A_329 masked %ne3A_335 {add = true} : memref<100352xf32, #tpu.memory_space<vmem>>[vector<16xi32>], vector<16xf32>, vector<16xi1>
        %add3A_336 = arith.addf %select_n3A_329, %gather3A_334 : vector<16xf32>
        %select_n3A_337 = arith.select %ne3A_335, %gather3A_334, %add3A_336 : vector<16xi1>, vector<16xf32>
        %add3A_338 = arith.constant 1 : i32
        %add3A_339 = vector.broadcast %add3A_338 : i32 to vector<16xi32>
        %add3A_340 = arith.addi %add3A_332, %add3A_339 : vector<16xi32>
        %gather3A_341 = tpu.vector_load_idx %arg9[%add3A_340] : memref<2000xi32, #tpu.memory_space<vmem>>[vector<16xi32>], vector<16xi32>,
        %gather3A_342 = tpu.vector_load_idx %arg8[%add3A_340] : memref<2000xf32, #tpu.memory_space<vmem>>[vector<16xi32>], vector<16xf32>,
        %ne3A_343 = arith.cmpi ne, %gather3A_341, %gather3A_333 : vector<16xi32>
        tpu.vector_store_idx %arg5[%gather3A_333], %select_n3A_337 masked %ne3A_343 {add = true} : memref<100352xf32, #tpu.memory_space<vmem>>[vector<16xi32>], vector<16xf32>, vector<16xi1>
        %add3A_344 = arith.addf %select_n3A_337, %gather3A_342 : vector<16xf32>
        %select_n3A_345 = arith.select %ne3A_343, %gather3A_342, %add3A_344 : vector<16xi1>, vector<16xf32>
        %add3A_346 = arith.constant 1 : i32
        %add3A_347 = vector.broadcast %add3A_346 : i32 to vector<16xi32>
        %add3A_348 = arith.addi %add3A_340, %add3A_347 : vector<16xi32>
        %gather3A_349 = tpu.vector_load_idx %arg9[%add3A_348] : memref<2000xi32, #tpu.memory_space<vmem>>[vector<16xi32>], vector<16xi32>,
        %gather3A_350 = tpu.vector_load_idx %arg8[%add3A_348] : memref<2000xf32, #tpu.memory_space<vmem>>[vector<16xi32>], vector<16xf32>,
        %ne3A_351 = arith.cmpi ne, %gather3A_349, %gather3A_341 : vector<16xi32>
        tpu.vector_store_idx %arg5[%gather3A_341], %select_n3A_345 masked %ne3A_351 {add = true} : memref<100352xf32, #tpu.memory_space<vmem>>[vector<16xi32>], vector<16xf32>, vector<16xi1>
        %add3A_352 = arith.addf %select_n3A_345, %gather3A_350 : vector<16xf32>
        %select_n3A_353 = arith.select %ne3A_351, %gather3A_350, %add3A_352 : vector<16xi1>, vector<16xf32>
        %add3A_354 = arith.constant 1 : i32
        %add3A_355 = vector.broadcast %add3A_354 : i32 to vector<16xi32>
        %add3A_356 = arith.addi %add3A_348, %add3A_355 : vector<16xi32>
        %gather3A_357 = tpu.vector_load_idx %arg9[%add3A_356] : memref<2000xi32, #tpu.memory_space<vmem>>[vector<16xi32>], vector<16xi32>,
        %gather3A_358 = tpu.vector_load_idx %arg8[%add3A_356] : memref<2000xf32, #tpu.memory_space<vmem>>[vector<16xi32>], vector<16xf32>,
        %ne3A_359 = arith.cmpi ne, %gather3A_357, %gather3A_349 : vector<16xi32>
        tpu.vector_store_idx %arg5[%gather3A_349], %select_n3A_353 masked %ne3A_359 {add = true} : memref<100352xf32, #tpu.memory_space<vmem>>[vector<16xi32>], vector<16xf32>, vector<16xi1>
        %add3A_360 = arith.addf %select_n3A_353, %gather3A_358 : vector<16xf32>
        %select_n3A_361 = arith.select %ne3A_359, %gather3A_358, %add3A_360 : vector<16xi1>, vector<16xf32>
        %add3A_362 = arith.constant 1 : i32
        %add3A_363 = vector.broadcast %add3A_362 : i32 to vector<16xi32>
        %add3A_364 = arith.addi %add3A_356, %add3A_363 : vector<16xi32>
        %gather3A_365 = tpu.vector_load_idx %arg9[%add3A_364] : memref<2000xi32, #tpu.memory_space<vmem>>[vector<16xi32>], vector<16xi32>,
        %gather3A_366 = tpu.vector_load_idx %arg8[%add3A_364] : memref<2000xf32, #tpu.memory_space<vmem>>[vector<16xi32>], vector<16xf32>,
        %ne3A_367 = arith.cmpi ne, %gather3A_365, %gather3A_357 : vector<16xi32>
        tpu.vector_store_idx %arg5[%gather3A_357], %select_n3A_361 masked %ne3A_367 {add = true} : memref<100352xf32, #tpu.memory_space<vmem>>[vector<16xi32>], vector<16xf32>, vector<16xi1>
        %add3A_368 = arith.addf %select_n3A_361, %gather3A_366 : vector<16xf32>
        %select_n3A_369 = arith.select %ne3A_367, %gather3A_366, %add3A_368 : vector<16xi1>, vector<16xf32>
        %add3A_370 = arith.constant 1 : i32
        %add3A_371 = vector.broadcast %add3A_370 : i32 to vector<16xi32>
        %add3A_372 = arith.addi %add3A_364, %add3A_371 : vector<16xi32>
        %gather3A_373 = tpu.vector_load_idx %arg9[%add3A_372] : memref<2000xi32, #tpu.memory_space<vmem>>[vector<16xi32>], vector<16xi32>,
        %gather3A_374 = tpu.vector_load_idx %arg8[%add3A_372] : memref<2000xf32, #tpu.memory_space<vmem>>[vector<16xi32>], vector<16xf32>,
        %ne3A_375 = arith.cmpi ne, %gather3A_373, %gather3A_365 : vector<16xi32>
        tpu.vector_store_idx %arg5[%gather3A_365], %select_n3A_369 masked %ne3A_375 {add = true} : memref<100352xf32, #tpu.memory_space<vmem>>[vector<16xi32>], vector<16xf32>, vector<16xi1>
        %add3A_376 = arith.addf %select_n3A_369, %gather3A_374 : vector<16xf32>
        %select_n3A_377 = arith.select %ne3A_375, %gather3A_374, %add3A_376 : vector<16xi1>, vector<16xf32>
        %add3A_378 = arith.constant 1 : i32
        %add3A_379 = vector.broadcast %add3A_378 : i32 to vector<16xi32>
        %add3A_380 = arith.addi %add3A_372, %add3A_379 : vector<16xi32>
        %gather3A_381 = tpu.vector_load_idx %arg9[%add3A_380] : memref<2000xi32, #tpu.memory_space<vmem>>[vector<16xi32>], vector<16xi32>,
        %gather3A_382 = tpu.vector_load_idx %arg8[%add3A_380] : memref<2000xf32, #tpu.memory_space<vmem>>[vector<16xi32>], vector<16xf32>,
        %ne3A_383 = arith.cmpi ne, %gather3A_381, %gather3A_373 : vector<16xi32>
        tpu.vector_store_idx %arg5[%gather3A_373], %select_n3A_377 masked %ne3A_383 {add = true} : memref<100352xf32, #tpu.memory_space<vmem>>[vector<16xi32>], vector<16xf32>, vector<16xi1>
        %add3A_384 = arith.addf %select_n3A_377, %gather3A_382 : vector<16xf32>
        %select_n3A_385 = arith.select %ne3A_383, %gather3A_382, %add3A_384 : vector<16xi1>, vector<16xf32>
        %add3A_386 = arith.constant 1 : i32
        %add3A_387 = vector.broadcast %add3A_386 : i32 to vector<16xi32>
        %add3A_388 = arith.addi %add3A_380, %add3A_387 : vector<16xi32>
        %gather3A_389 = tpu.vector_load_idx %arg9[%add3A_388] : memref<2000xi32, #tpu.memory_space<vmem>>[vector<16xi32>], vector<16xi32>,
        %gather3A_390 = tpu.vector_load_idx %arg8[%add3A_388] : memref<2000xf32, #tpu.memory_space<vmem>>[vector<16xi32>], vector<16xf32>,
        %ne3A_391 = arith.cmpi ne, %gather3A_389, %gather3A_381 : vector<16xi32>
        tpu.vector_store_idx %arg5[%gather3A_381], %select_n3A_385 masked %ne3A_391 {add = true} : memref<100352xf32, #tpu.memory_space<vmem>>[vector<16xi32>], vector<16xf32>, vector<16xi1>
        %add3A_392 = arith.addf %select_n3A_385, %gather3A_390 : vector<16xf32>
        %select_n3A_393 = arith.select %ne3A_391, %gather3A_390, %add3A_392 : vector<16xi1>, vector<16xf32>
        %add3A_394 = arith.constant 1 : i32
        %add3A_395 = vector.broadcast %add3A_394 : i32 to vector<16xi32>
        %add3A_396 = arith.addi %add3A_388, %add3A_395 : vector<16xi32>
        %gather3A_397 = tpu.vector_load_idx %arg9[%add3A_396] : memref<2000xi32, #tpu.memory_space<vmem>>[vector<16xi32>], vector<16xi32>,
        %gather3A_398 = tpu.vector_load_idx %arg8[%add3A_396] : memref<2000xf32, #tpu.memory_space<vmem>>[vector<16xi32>], vector<16xf32>,
        %ne3A_399 = arith.cmpi ne, %gather3A_397, %gather3A_389 : vector<16xi32>
        tpu.vector_store_idx %arg5[%gather3A_389], %select_n3A_393 masked %ne3A_399 {add = true} : memref<100352xf32, #tpu.memory_space<vmem>>[vector<16xi32>], vector<16xf32>, vector<16xi1>
        %add3A_400 = arith.addf %select_n3A_393, %gather3A_398 : vector<16xf32>
        %select_n3A_401 = arith.select %ne3A_399, %gather3A_398, %add3A_400 : vector<16xi1>, vector<16xf32>
        %add3A_402 = arith.constant 1 : i32
        %add3A_403 = vector.broadcast %add3A_402 : i32 to vector<16xi32>
        %add3A_404 = arith.addi %add3A_396, %add3A_403 : vector<16xi32>
        %gather3A_405 = tpu.vector_load_idx %arg9[%add3A_404] : memref<2000xi32, #tpu.memory_space<vmem>>[vector<16xi32>], vector<16xi32>,
        %gather3A_406 = tpu.vector_load_idx %arg8[%add3A_404] : memref<2000xf32, #tpu.memory_space<vmem>>[vector<16xi32>], vector<16xf32>,
        %ne3A_407 = arith.cmpi ne, %gather3A_405, %gather3A_397 : vector<16xi32>
        tpu.vector_store_idx %arg5[%gather3A_397], %select_n3A_401 masked %ne3A_407 {add = true} : memref<100352xf32, #tpu.memory_space<vmem>>[vector<16xi32>], vector<16xf32>, vector<16xi1>
        %add3A_408 = arith.addf %select_n3A_401, %gather3A_406 : vector<16xf32>
        %select_n3A_409 = arith.select %ne3A_407, %gather3A_406, %add3A_408 : vector<16xi1>, vector<16xf32>
        %add3A_410 = arith.constant 1 : i32
        %add3A_411 = vector.broadcast %add3A_410 : i32 to vector<16xi32>
        %add3A_412 = arith.addi %add3A_404, %add3A_411 : vector<16xi32>
        %gather3A_413 = tpu.vector_load_idx %arg9[%add3A_412] : memref<2000xi32, #tpu.memory_space<vmem>>[vector<16xi32>], vector<16xi32>,
        %gather3A_414 = tpu.vector_load_idx %arg8[%add3A_412] : memref<2000xf32, #tpu.memory_space<vmem>>[vector<16xi32>], vector<16xf32>,
        %ne3A_415 = arith.cmpi ne, %gather3A_413, %gather3A_405 : vector<16xi32>
        tpu.vector_store_idx %arg5[%gather3A_405], %select_n3A_409 masked %ne3A_415 {add = true} : memref<100352xf32, #tpu.memory_space<vmem>>[vector<16xi32>], vector<16xf32>, vector<16xi1>
        %add3A_416 = arith.addf %select_n3A_409, %gather3A_414 : vector<16xf32>
        %select_n3A_417 = arith.select %ne3A_415, %gather3A_414, %add3A_416 : vector<16xi1>, vector<16xf32>
        %add3A_418 = arith.constant 1 : i32
        %add3A_419 = vector.broadcast %add3A_418 : i32 to vector<16xi32>
        %add3A_420 = arith.addi %add3A_412, %add3A_419 : vector<16xi32>
        %gather3A_421 = tpu.vector_load_idx %arg9[%add3A_420] : memref<2000xi32, #tpu.memory_space<vmem>>[vector<16xi32>], vector<16xi32>,
        %gather3A_422 = tpu.vector_load_idx %arg8[%add3A_420] : memref<2000xf32, #tpu.memory_space<vmem>>[vector<16xi32>], vector<16xf32>,
        %ne3A_423 = arith.cmpi ne, %gather3A_421, %gather3A_413 : vector<16xi32>
        tpu.vector_store_idx %arg5[%gather3A_413], %select_n3A_417 masked %ne3A_423 {add = true} : memref<100352xf32, #tpu.memory_space<vmem>>[vector<16xi32>], vector<16xf32>, vector<16xi1>
        %add3A_424 = arith.addf %select_n3A_417, %gather3A_422 : vector<16xf32>
        %select_n3A_425 = arith.select %ne3A_423, %gather3A_422, %add3A_424 : vector<16xi1>, vector<16xf32>
        %add3A_426 = arith.constant 1 : i32
        %add3A_427 = vector.broadcast %add3A_426 : i32 to vector<16xi32>
        %add3A_428 = arith.addi %add3A_420, %add3A_427 : vector<16xi32>
        %gather3A_429 = tpu.vector_load_idx %arg9[%add3A_428] : memref<2000xi32, #tpu.memory_space<vmem>>[vector<16xi32>], vector<16xi32>,
        %gather3A_430 = tpu.vector_load_idx %arg8[%add3A_428] : memref<2000xf32, #tpu.memory_space<vmem>>[vector<16xi32>], vector<16xf32>,
        %ne3A_431 = arith.cmpi ne, %gather3A_429, %gather3A_421 : vector<16xi32>
        tpu.vector_store_idx %arg5[%gather3A_421], %select_n3A_425 masked %ne3A_431 {add = true} : memref<100352xf32, #tpu.memory_space<vmem>>[vector<16xi32>], vector<16xf32>, vector<16xi1>
        %add3A_432 = arith.addf %select_n3A_425, %gather3A_430 : vector<16xf32>
        %select_n3A_433 = arith.select %ne3A_431, %gather3A_430, %add3A_432 : vector<16xi1>, vector<16xf32>
        %add3A_434 = arith.constant 1 : i32
        %add3A_435 = vector.broadcast %add3A_434 : i32 to vector<16xi32>
        %add3A_436 = arith.addi %add3A_428, %add3A_435 : vector<16xi32>
        %gather3A_437 = tpu.vector_load_idx %arg9[%add3A_436] : memref<2000xi32, #tpu.memory_space<vmem>>[vector<16xi32>], vector<16xi32>,
        %gather3A_438 = tpu.vector_load_idx %arg8[%add3A_436] : memref<2000xf32, #tpu.memory_space<vmem>>[vector<16xi32>], vector<16xf32>,
        %ne3A_439 = arith.cmpi ne, %gather3A_437, %gather3A_429 : vector<16xi32>
        tpu.vector_store_idx %arg5[%gather3A_429], %select_n3A_433 masked %ne3A_439 {add = true} : memref<100352xf32, #tpu.memory_space<vmem>>[vector<16xi32>], vector<16xf32>, vector<16xi1>
        %add3A_440 = arith.addf %select_n3A_433, %gather3A_438 : vector<16xf32>
        %select_n3A_441 = arith.select %ne3A_439, %gather3A_438, %add3A_440 : vector<16xi1>, vector<16xf32>
        %add3A_442 = arith.constant 1 : i32
        %add3A_443 = vector.broadcast %add3A_442 : i32 to vector<16xi32>
        %add3A_444 = arith.addi %add3A_436, %add3A_443 : vector<16xi32>
        %gather3A_445 = tpu.vector_load_idx %arg9[%add3A_444] : memref<2000xi32, #tpu.memory_space<vmem>>[vector<16xi32>], vector<16xi32>,
        %gather3A_446 = tpu.vector_load_idx %arg8[%add3A_444] : memref<2000xf32, #tpu.memory_space<vmem>>[vector<16xi32>], vector<16xf32>,
        %ne3A_447 = arith.cmpi ne, %gather3A_445, %gather3A_437 : vector<16xi32>
        tpu.vector_store_idx %arg5[%gather3A_437], %select_n3A_441 masked %ne3A_447 {add = true} : memref<100352xf32, #tpu.memory_space<vmem>>[vector<16xi32>], vector<16xf32>, vector<16xi1>
        %add3A_448 = arith.addf %select_n3A_441, %gather3A_446 : vector<16xf32>
        %select_n3A_449 = arith.select %ne3A_447, %gather3A_446, %add3A_448 : vector<16xi1>, vector<16xf32>
        %add3A_450 = arith.constant 1 : i32
        %add3A_451 = vector.broadcast %add3A_450 : i32 to vector<16xi32>
        %add3A_452 = arith.addi %add3A_444, %add3A_451 : vector<16xi32>
        %gather3A_453 = tpu.vector_load_idx %arg9[%add3A_452] : memref<2000xi32, #tpu.memory_space<vmem>>[vector<16xi32>], vector<16xi32>,
        %gather3A_454 = tpu.vector_load_idx %arg8[%add3A_452] : memref<2000xf32, #tpu.memory_space<vmem>>[vector<16xi32>], vector<16xf32>,
        %ne3A_455 = arith.cmpi ne, %gather3A_453, %gather3A_445 : vector<16xi32>
        tpu.vector_store_idx %arg5[%gather3A_445], %select_n3A_449 masked %ne3A_455 {add = true} : memref<100352xf32, #tpu.memory_space<vmem>>[vector<16xi32>], vector<16xf32>, vector<16xi1>
        %add3A_456 = arith.addf %select_n3A_449, %gather3A_454 : vector<16xf32>
        %select_n3A_457 = arith.select %ne3A_455, %gather3A_454, %add3A_456 : vector<16xi1>, vector<16xf32>
        %add3A_458 = arith.constant 1 : i32
        %add3A_459 = vector.broadcast %add3A_458 : i32 to vector<16xi32>
        %add3A_460 = arith.addi %add3A_452, %add3A_459 : vector<16xi32>
        %gather3A_461 = tpu.vector_load_idx %arg9[%add3A_460] : memref<2000xi32, #tpu.memory_space<vmem>>[vector<16xi32>], vector<16xi32>,
        %gather3A_462 = tpu.vector_load_idx %arg8[%add3A_460] : memref<2000xf32, #tpu.memory_space<vmem>>[vector<16xi32>], vector<16xf32>,
        %ne3A_463 = arith.cmpi ne, %gather3A_461, %gather3A_453 : vector<16xi32>
        tpu.vector_store_idx %arg5[%gather3A_453], %select_n3A_457 masked %ne3A_463 {add = true} : memref<100352xf32, #tpu.memory_space<vmem>>[vector<16xi32>], vector<16xf32>, vector<16xi1>
        %add3A_464 = arith.addf %select_n3A_457, %gather3A_462 : vector<16xf32>
        %select_n3A_465 = arith.select %ne3A_463, %gather3A_462, %add3A_464 : vector<16xi1>, vector<16xf32>
        %add3A_466 = arith.constant 1 : i32
        %add3A_467 = vector.broadcast %add3A_466 : i32 to vector<16xi32>
        %add3A_468 = arith.addi %add3A_460, %add3A_467 : vector<16xi32>
        %gather3A_469 = tpu.vector_load_idx %arg9[%add3A_468] : memref<2000xi32, #tpu.memory_space<vmem>>[vector<16xi32>], vector<16xi32>,
        %gather3A_470 = tpu.vector_load_idx %arg8[%add3A_468] : memref<2000xf32, #tpu.memory_space<vmem>>[vector<16xi32>], vector<16xf32>,
        %ne3A_471 = arith.cmpi ne, %gather3A_469, %gather3A_461 : vector<16xi32>
        tpu.vector_store_idx %arg5[%gather3A_461], %select_n3A_465 masked %ne3A_471 {add = true} : memref<100352xf32, #tpu.memory_space<vmem>>[vector<16xi32>], vector<16xf32>, vector<16xi1>
        %add3A_472 = arith.addf %select_n3A_465, %gather3A_470 : vector<16xf32>
        %select_n3A_473 = arith.select %ne3A_471, %gather3A_470, %add3A_472 : vector<16xi1>, vector<16xf32>
        %add3A_474 = arith.constant 1 : i32
        %add3A_475 = vector.broadcast %add3A_474 : i32 to vector<16xi32>
        %add3A_476 = arith.addi %add3A_468, %add3A_475 : vector<16xi32>
        %gather3A_477 = tpu.vector_load_idx %arg9[%add3A_476] : memref<2000xi32, #tpu.memory_space<vmem>>[vector<16xi32>], vector<16xi32>,
        %gather3A_478 = tpu.vector_load_idx %arg8[%add3A_476] : memref<2000xf32, #tpu.memory_space<vmem>>[vector<16xi32>], vector<16xf32>,
        %ne3A_479 = arith.cmpi ne, %gather3A_477, %gather3A_469 : vector<16xi32>
        tpu.vector_store_idx %arg5[%gather3A_469], %select_n3A_473 masked %ne3A_479 {add = true} : memref<100352xf32, #tpu.memory_space<vmem>>[vector<16xi32>], vector<16xf32>, vector<16xi1>
        %add3A_480 = arith.addf %select_n3A_473, %gather3A_478 : vector<16xf32>
        %select_n3A_481 = arith.select %ne3A_479, %gather3A_478, %add3A_480 : vector<16xi1>, vector<16xf32>
        %add3A_482 = arith.constant 1 : i32
        %add3A_483 = vector.broadcast %add3A_482 : i32 to vector<16xi32>
        %add3A_484 = arith.addi %add3A_476, %add3A_483 : vector<16xi32>
        %gather3A_485 = tpu.vector_load_idx %arg9[%add3A_484] : memref<2000xi32, #tpu.memory_space<vmem>>[vector<16xi32>], vector<16xi32>,
        %gather3A_486 = tpu.vector_load_idx %arg8[%add3A_484] : memref<2000xf32, #tpu.memory_space<vmem>>[vector<16xi32>], vector<16xf32>,
        %ne3A_487 = arith.cmpi ne, %gather3A_485, %gather3A_477 : vector<16xi32>
        tpu.vector_store_idx %arg5[%gather3A_477], %select_n3A_481 masked %ne3A_487 {add = true} : memref<100352xf32, #tpu.memory_space<vmem>>[vector<16xi32>], vector<16xf32>, vector<16xi1>
        %add3A_488 = arith.addf %select_n3A_481, %gather3A_486 : vector<16xf32>
        %select_n3A_489 = arith.select %ne3A_487, %gather3A_486, %add3A_488 : vector<16xi1>, vector<16xf32>
        %add3A_490 = arith.constant 1 : i32
        %add3A_491 = vector.broadcast %add3A_490 : i32 to vector<16xi32>
        %add3A_492 = arith.addi %add3A_484, %add3A_491 : vector<16xi32>
        %gather3A_493 = tpu.vector_load_idx %arg9[%add3A_492] : memref<2000xi32, #tpu.memory_space<vmem>>[vector<16xi32>], vector<16xi32>,
        %gather3A_494 = tpu.vector_load_idx %arg8[%add3A_492] : memref<2000xf32, #tpu.memory_space<vmem>>[vector<16xi32>], vector<16xf32>,
        %ne3A_495 = arith.cmpi ne, %gather3A_493, %gather3A_485 : vector<16xi32>
        tpu.vector_store_idx %arg5[%gather3A_485], %select_n3A_489 masked %ne3A_495 {add = true} : memref<100352xf32, #tpu.memory_space<vmem>>[vector<16xi32>], vector<16xf32>, vector<16xi1>
        %add3A_496 = arith.addf %select_n3A_489, %gather3A_494 : vector<16xf32>
        %select_n3A_497 = arith.select %ne3A_495, %gather3A_494, %add3A_496 : vector<16xi1>, vector<16xf32>
        %add3A_498 = arith.constant 1 : i32
        %add3A_499 = vector.broadcast %add3A_498 : i32 to vector<16xi32>
        %add3A_500 = arith.addi %add3A_492, %add3A_499 : vector<16xi32>
        %gather3A_501 = tpu.vector_load_idx %arg9[%add3A_500] : memref<2000xi32, #tpu.memory_space<vmem>>[vector<16xi32>], vector<16xi32>,
        %gather3A_502 = tpu.vector_load_idx %arg8[%add3A_500] : memref<2000xf32, #tpu.memory_space<vmem>>[vector<16xi32>], vector<16xf32>,
        %ne3A_503 = arith.cmpi ne, %gather3A_501, %gather3A_493 : vector<16xi32>
        tpu.vector_store_idx %arg5[%gather3A_493], %select_n3A_497 masked %ne3A_503 {add = true} : memref<100352xf32, #tpu.memory_space<vmem>>[vector<16xi32>], vector<16xf32>, vector<16xi1>
        %add3A_504 = arith.addf %select_n3A_497, %gather3A_502 : vector<16xf32>
        %select_n3A_505 = arith.select %ne3A_503, %gather3A_502, %add3A_504 : vector<16xi1>, vector<16xf32>
        %add3A_506 = arith.constant 1 : i32
        %add3A_507 = vector.broadcast %add3A_506 : i32 to vector<16xi32>
        %add3A_508 = arith.addi %add3A_500, %add3A_507 : vector<16xi32>
        %gather3A_509 = tpu.vector_load_idx %arg9[%add3A_508] : memref<2000xi32, #tpu.memory_space<vmem>>[vector<16xi32>], vector<16xi32>,
        %gather3A_510 = tpu.vector_load_idx %arg8[%add3A_508] : memref<2000xf32, #tpu.memory_space<vmem>>[vector<16xi32>], vector<16xf32>,
        %ne3A_511 = arith.cmpi ne, %gather3A_509, %gather3A_501 : vector<16xi32>
        tpu.vector_store_idx %arg5[%gather3A_501], %select_n3A_505 masked %ne3A_511 {add = true} : memref<100352xf32, #tpu.memory_space<vmem>>[vector<16xi32>], vector<16xf32>, vector<16xi1>
        %add3A_512 = arith.addf %select_n3A_505, %gather3A_510 : vector<16xf32>
        %select_n3A_513 = arith.select %ne3A_511, %gather3A_510, %add3A_512 : vector<16xi1>, vector<16xf32>
        scf.yield %add3A_508, %gather3A_509, %select_n3A_513 : vector<16xi32>, vector<16xi32>, vector<16xf32>
      }
      %scan3A_193 = arith.constant 4 : i32
      tpu.vector_store_idx %arg5[%scan3A_192#1], %scan3A_192#2 {add = true} : memref<100352xf32, #tpu.memory_space<vmem>>[vector<16xi32>], vector<16xf32>,
      %add3A_194 = arith.constant 1 : i32
      %add3A_195 = arith.addi %mul3A_149, %add3A_194 : i32
      %add3A_196 = arith.constant 4 : i32
      %add3A_197 = arith.addi %add3A_195, %add3A_196 : i32
      %lt3A_198 = arith.constant 100 : i32
      %lt3A_199 = arith.cmpi slt, %add3A_197, %lt3A_198 : i32
      %convert_element_type3A_200 = arith.extui %lt3A_199 : i1 to i32
      %cond3A_201 = arith.constant 0 : i32
      %cond3A_202 = arith.cmpi ne, %convert_element_type3A_200, %cond3A_201 : i32
      scf.if %cond3A_202 {
        %add3A_262 = arith.constant 1 : i32
        %add3A_263 = arith.addi %mul3A_149, %add3A_262 : i32
        %add3A_264 = arith.constant 4 : i32
        %add3A_265 = arith.addi %add3A_263, %add3A_264 : i32
        %mul3A_266 = arith.constant 2000 : i32
        %mul3A_267 = arith.muli %add3A_265, %mul3A_266 : i32
        %add3A_268 = arith.addi %mul3A_2, %mul3A_267 : i32
        %dma_start3A_269 = tpu.memref_slice %arg2[%add3A_268] : memref<6400000xf32, #tpu.memory_space<hbm>> -> memref<2000xf32, #tpu.memory_space<hbm>>
        %dma_start3A_270 = tpu.memref_slice %arg2[%add3A_268] : memref<6400000xf32, #tpu.memory_space<hbm>> -> memref<2000xf32, #tpu.memory_space<hbm>>
        tpu.enqueue_dma source(%dma_start3A_270 : memref<2000xf32, #tpu.memory_space<hbm>>) target(%arg8 : memref<2000xf32, #tpu.memory_space<vmem>>) target_semaphore(%arg16 : memref<!tpu.dma_semaphore, #tpu.memory_space<semaphore_mem>>)
        %dma_start3A_271 = tpu.memref_slice %arg3[%add3A_268] : memref<6400000xi32, #tpu.memory_space<hbm>> -> memref<2000xi32, #tpu.memory_space<hbm>>
        %dma_start3A_272 = tpu.memref_slice %arg3[%add3A_268] : memref<6400000xi32, #tpu.memory_space<hbm>> -> memref<2000xi32, #tpu.memory_space<hbm>>
        tpu.enqueue_dma source(%dma_start3A_272 : memref<2000xi32, #tpu.memory_space<hbm>>) target(%arg9 : memref<2000xi32, #tpu.memory_space<vmem>>) target_semaphore(%arg16 : memref<!tpu.dma_semaphore, #tpu.memory_space<semaphore_mem>>)
      } else {
      }
      %add3A_203 = arith.constant 2 : i32
      %add3A_204 = arith.addi %mul3A_149, %add3A_203 : i32
      %mul3A_205 = arith.constant 2000 : i32
      %mul3A_206 = arith.muli %add3A_204, %mul3A_205 : i32
      %add3A_207 = arith.addi %mul3A_2, %mul3A_206 : i32
      %dma_wait3A_208 = tpu.memref_slice %arg2[%add3A_207] : memref<6400000xf32, #tpu.memory_space<hbm>> -> memref<2000xf32, #tpu.memory_space<hbm>>
      %dma_wait3A_209 = tpu.memref_slice %arg2[%add3A_207] : memref<6400000xf32, #tpu.memory_space<hbm>> -> memref<2000xf32, #tpu.memory_space<hbm>>
      tpu.wait_dma2 semaphore(%arg17 : memref<!tpu.dma_semaphore, #tpu.memory_space<semaphore_mem>>) src(%dma_wait3A_209 : memref<2000xf32, #tpu.memory_space<hbm>>) dst(%arg10 : memref<2000xf32, #tpu.memory_space<vmem>>)
      %dma_wait3A_210 = tpu.memref_slice %arg3[%add3A_207] : memref<6400000xi32, #tpu.memory_space<hbm>> -> memref<2000xi32, #tpu.memory_space<hbm>>
      %dma_wait3A_211 = tpu.memref_slice %arg3[%add3A_207] : memref<6400000xi32, #tpu.memory_space<hbm>> -> memref<2000xi32, #tpu.memory_space<hbm>>
      tpu.wait_dma2 semaphore(%arg17 : memref<!tpu.dma_semaphore, #tpu.memory_space<semaphore_mem>>) src(%dma_wait3A_211 : memref<2000xi32, #tpu.memory_space<hbm>>) dst(%arg11 : memref<2000xi32, #tpu.memory_space<vmem>>)
      %add3A_212 = arith.constant 0 : i32
      %add3A_213 = vector.broadcast %add3A_212 : i32 to vector<16xi32>
      %add3A_214 = arith.addi %mul3A_97, %add3A_213 : vector<16xi32>
      %gather3A_215 = tpu.vector_load_idx %arg11[%add3A_214] : memref<2000xi32, #tpu.memory_space<vmem>>[vector<16xi32>], vector<16xi32>,
      %gather3A_216 = tpu.vector_load_idx %arg10[%add3A_214] : memref<2000xf32, #tpu.memory_space<vmem>>[vector<16xi32>], vector<16xf32>,
      %scan3A_217 = arith.constant 0 : i32
      %scan3A_218 = arith.constant 4 : i32
      %scan3A_219 = arith.addi %scan3A_217, %scan3A_218 : i32
      %scan3A_220 = arith.constant 1 : i32
      %scan3A_221:3 = scf.for %scan3A_262 = %scan3A_217 to %scan3A_219 step %scan3A_220 iter_args(%scan3A_263 = %add3A_214, %scan3A_264 = %gather3A_215, %scan3A_265 = %gather3A_216) -> (vector<16xi32>, vector<16xi32>, vector<16xf32>)  : i32 {
        %add3A_266 = arith.constant 1 : i32
        %add3A_267 = vector.broadcast %add3A_266 : i32 to vector<16xi32>
        %add3A_268 = arith.addi %scan3A_263, %add3A_267 : vector<16xi32>
        %gather3A_269 = tpu.vector_load_idx %arg11[%add3A_268] : memref<2000xi32, #tpu.memory_space<vmem>>[vector<16xi32>], vector<16xi32>,
        %gather3A_270 = tpu.vector_load_idx %arg10[%add3A_268] : memref<2000xf32, #tpu.memory_space<vmem>>[vector<16xi32>], vector<16xf32>,
        %ne3A_271 = arith.cmpi ne, %gather3A_269, %scan3A_264 : vector<16xi32>
        tpu.vector_store_idx %arg5[%scan3A_264], %scan3A_265 masked %ne3A_271 {add = true} : memref<100352xf32, #tpu.memory_space<vmem>>[vector<16xi32>], vector<16xf32>, vector<16xi1>
        %add3A_272 = arith.addf %scan3A_265, %gather3A_270 : vector<16xf32>
        %select_n3A_273 = arith.select %ne3A_271, %gather3A_270, %add3A_272 : vector<16xi1>, vector<16xf32>
        %add3A_274 = arith.constant 1 : i32
        %add3A_275 = vector.broadcast %add3A_274 : i32 to vector<16xi32>
        %add3A_276 = arith.addi %add3A_268, %add3A_275 : vector<16xi32>
        %gather3A_277 = tpu.vector_load_idx %arg11[%add3A_276] : memref<2000xi32, #tpu.memory_space<vmem>>[vector<16xi32>], vector<16xi32>,
        %gather3A_278 = tpu.vector_load_idx %arg10[%add3A_276] : memref<2000xf32, #tpu.memory_space<vmem>>[vector<16xi32>], vector<16xf32>,
        %ne3A_279 = arith.cmpi ne, %gather3A_277, %gather3A_269 : vector<16xi32>
        tpu.vector_store_idx %arg5[%gather3A_269], %select_n3A_273 masked %ne3A_279 {add = true} : memref<100352xf32, #tpu.memory_space<vmem>>[vector<16xi32>], vector<16xf32>, vector<16xi1>
        %add3A_280 = arith.addf %select_n3A_273, %gather3A_278 : vector<16xf32>
        %select_n3A_281 = arith.select %ne3A_279, %gather3A_278, %add3A_280 : vector<16xi1>, vector<16xf32>
        %add3A_282 = arith.constant 1 : i32
        %add3A_283 = vector.broadcast %add3A_282 : i32 to vector<16xi32>
        %add3A_284 = arith.addi %add3A_276, %add3A_283 : vector<16xi32>
        %gather3A_285 = tpu.vector_load_idx %arg11[%add3A_284] : memref<2000xi32, #tpu.memory_space<vmem>>[vector<16xi32>], vector<16xi32>,
        %gather3A_286 = tpu.vector_load_idx %arg10[%add3A_284] : memref<2000xf32, #tpu.memory_space<vmem>>[vector<16xi32>], vector<16xf32>,
        %ne3A_287 = arith.cmpi ne, %gather3A_285, %gather3A_277 : vector<16xi32>
        tpu.vector_store_idx %arg5[%gather3A_277], %select_n3A_281 masked %ne3A_287 {add = true} : memref<100352xf32, #tpu.memory_space<vmem>>[vector<16xi32>], vector<16xf32>, vector<16xi1>
        %add3A_288 = arith.addf %select_n3A_281, %gather3A_286 : vector<16xf32>
        %select_n3A_289 = arith.select %ne3A_287, %gather3A_286, %add3A_288 : vector<16xi1>, vector<16xf32>
        %add3A_290 = arith.constant 1 : i32
        %add3A_291 = vector.broadcast %add3A_290 : i32 to vector<16xi32>
        %add3A_292 = arith.addi %add3A_284, %add3A_291 : vector<16xi32>
        %gather3A_293 = tpu.vector_load_idx %arg11[%add3A_292] : memref<2000xi32, #tpu.memory_space<vmem>>[vector<16xi32>], vector<16xi32>,
        %gather3A_294 = tpu.vector_load_idx %arg10[%add3A_292] : memref<2000xf32, #tpu.memory_space<vmem>>[vector<16xi32>], vector<16xf32>,
        %ne3A_295 = arith.cmpi ne, %gather3A_293, %gather3A_285 : vector<16xi32>
        tpu.vector_store_idx %arg5[%gather3A_285], %select_n3A_289 masked %ne3A_295 {add = true} : memref<100352xf32, #tpu.memory_space<vmem>>[vector<16xi32>], vector<16xf32>, vector<16xi1>
        %add3A_296 = arith.addf %select_n3A_289, %gather3A_294 : vector<16xf32>
        %select_n3A_297 = arith.select %ne3A_295, %gather3A_294, %add3A_296 : vector<16xi1>, vector<16xf32>
        %add3A_298 = arith.constant 1 : i32
        %add3A_299 = vector.broadcast %add3A_298 : i32 to vector<16xi32>
        %add3A_300 = arith.addi %add3A_292, %add3A_299 : vector<16xi32>
        %gather3A_301 = tpu.vector_load_idx %arg11[%add3A_300] : memref<2000xi32, #tpu.memory_space<vmem>>[vector<16xi32>], vector<16xi32>,
        %gather3A_302 = tpu.vector_load_idx %arg10[%add3A_300] : memref<2000xf32, #tpu.memory_space<vmem>>[vector<16xi32>], vector<16xf32>,
        %ne3A_303 = arith.cmpi ne, %gather3A_301, %gather3A_293 : vector<16xi32>
        tpu.vector_store_idx %arg5[%gather3A_293], %select_n3A_297 masked %ne3A_303 {add = true} : memref<100352xf32, #tpu.memory_space<vmem>>[vector<16xi32>], vector<16xf32>, vector<16xi1>
        %add3A_304 = arith.addf %select_n3A_297, %gather3A_302 : vector<16xf32>
        %select_n3A_305 = arith.select %ne3A_303, %gather3A_302, %add3A_304 : vector<16xi1>, vector<16xf32>
        %add3A_306 = arith.constant 1 : i32
        %add3A_307 = vector.broadcast %add3A_306 : i32 to vector<16xi32>
        %add3A_308 = arith.addi %add3A_300, %add3A_307 : vector<16xi32>
        %gather3A_309 = tpu.vector_load_idx %arg11[%add3A_308] : memref<2000xi32, #tpu.memory_space<vmem>>[vector<16xi32>], vector<16xi32>,
        %gather3A_310 = tpu.vector_load_idx %arg10[%add3A_308] : memref<2000xf32, #tpu.memory_space<vmem>>[vector<16xi32>], vector<16xf32>,
        %ne3A_311 = arith.cmpi ne, %gather3A_309, %gather3A_301 : vector<16xi32>
        tpu.vector_store_idx %arg5[%gather3A_301], %select_n3A_305 masked %ne3A_311 {add = true} : memref<100352xf32, #tpu.memory_space<vmem>>[vector<16xi32>], vector<16xf32>, vector<16xi1>
        %add3A_312 = arith.addf %select_n3A_305, %gather3A_310 : vector<16xf32>
        %select_n3A_313 = arith.select %ne3A_311, %gather3A_310, %add3A_312 : vector<16xi1>, vector<16xf32>
        %add3A_314 = arith.constant 1 : i32
        %add3A_315 = vector.broadcast %add3A_314 : i32 to vector<16xi32>
        %add3A_316 = arith.addi %add3A_308, %add3A_315 : vector<16xi32>
        %gather3A_317 = tpu.vector_load_idx %arg11[%add3A_316] : memref<2000xi32, #tpu.memory_space<vmem>>[vector<16xi32>], vector<16xi32>,
        %gather3A_318 = tpu.vector_load_idx %arg10[%add3A_316] : memref<2000xf32, #tpu.memory_space<vmem>>[vector<16xi32>], vector<16xf32>,
        %ne3A_319 = arith.cmpi ne, %gather3A_317, %gather3A_309 : vector<16xi32>
        tpu.vector_store_idx %arg5[%gather3A_309], %select_n3A_313 masked %ne3A_319 {add = true} : memref<100352xf32, #tpu.memory_space<vmem>>[vector<16xi32>], vector<16xf32>, vector<16xi1>
        %add3A_320 = arith.addf %select_n3A_313, %gather3A_318 : vector<16xf32>
        %select_n3A_321 = arith.select %ne3A_319, %gather3A_318, %add3A_320 : vector<16xi1>, vector<16xf32>
        %add3A_322 = arith.constant 1 : i32
        %add3A_323 = vector.broadcast %add3A_322 : i32 to vector<16xi32>
        %add3A_324 = arith.addi %add3A_316, %add3A_323 : vector<16xi32>
        %gather3A_325 = tpu.vector_load_idx %arg11[%add3A_324] : memref<2000xi32, #tpu.memory_space<vmem>>[vector<16xi32>], vector<16xi32>,
        %gather3A_326 = tpu.vector_load_idx %arg10[%add3A_324] : memref<2000xf32, #tpu.memory_space<vmem>>[vector<16xi32>], vector<16xf32>,
        %ne3A_327 = arith.cmpi ne, %gather3A_325, %gather3A_317 : vector<16xi32>
        tpu.vector_store_idx %arg5[%gather3A_317], %select_n3A_321 masked %ne3A_327 {add = true} : memref<100352xf32, #tpu.memory_space<vmem>>[vector<16xi32>], vector<16xf32>, vector<16xi1>
        %add3A_328 = arith.addf %select_n3A_321, %gather3A_326 : vector<16xf32>
        %select_n3A_329 = arith.select %ne3A_327, %gather3A_326, %add3A_328 : vector<16xi1>, vector<16xf32>
        %add3A_330 = arith.constant 1 : i32
        %add3A_331 = vector.broadcast %add3A_330 : i32 to vector<16xi32>
        %add3A_332 = arith.addi %add3A_324, %add3A_331 : vector<16xi32>
        %gather3A_333 = tpu.vector_load_idx %arg11[%add3A_332] : memref<2000xi32, #tpu.memory_space<vmem>>[vector<16xi32>], vector<16xi32>,
        %gather3A_334 = tpu.vector_load_idx %arg10[%add3A_332] : memref<2000xf32, #tpu.memory_space<vmem>>[vector<16xi32>], vector<16xf32>,
        %ne3A_335 = arith.cmpi ne, %gather3A_333, %gather3A_325 : vector<16xi32>
        tpu.vector_store_idx %arg5[%gather3A_325], %select_n3A_329 masked %ne3A_335 {add = true} : memref<100352xf32, #tpu.memory_space<vmem>>[vector<16xi32>], vector<16xf32>, vector<16xi1>
        %add3A_336 = arith.addf %select_n3A_329, %gather3A_334 : vector<16xf32>
        %select_n3A_337 = arith.select %ne3A_335, %gather3A_334, %add3A_336 : vector<16xi1>, vector<16xf32>
        %add3A_338 = arith.constant 1 : i32
        %add3A_339 = vector.broadcast %add3A_338 : i32 to vector<16xi32>
        %add3A_340 = arith.addi %add3A_332, %add3A_339 : vector<16xi32>
        %gather3A_341 = tpu.vector_load_idx %arg11[%add3A_340] : memref<2000xi32, #tpu.memory_space<vmem>>[vector<16xi32>], vector<16xi32>,
        %gather3A_342 = tpu.vector_load_idx %arg10[%add3A_340] : memref<2000xf32, #tpu.memory_space<vmem>>[vector<16xi32>], vector<16xf32>,
        %ne3A_343 = arith.cmpi ne, %gather3A_341, %gather3A_333 : vector<16xi32>
        tpu.vector_store_idx %arg5[%gather3A_333], %select_n3A_337 masked %ne3A_343 {add = true} : memref<100352xf32, #tpu.memory_space<vmem>>[vector<16xi32>], vector<16xf32>, vector<16xi1>
        %add3A_344 = arith.addf %select_n3A_337, %gather3A_342 : vector<16xf32>
        %select_n3A_345 = arith.select %ne3A_343, %gather3A_342, %add3A_344 : vector<16xi1>, vector<16xf32>
        %add3A_346 = arith.constant 1 : i32
        %add3A_347 = vector.broadcast %add3A_346 : i32 to vector<16xi32>
        %add3A_348 = arith.addi %add3A_340, %add3A_347 : vector<16xi32>
        %gather3A_349 = tpu.vector_load_idx %arg11[%add3A_348] : memref<2000xi32, #tpu.memory_space<vmem>>[vector<16xi32>], vector<16xi32>,
        %gather3A_350 = tpu.vector_load_idx %arg10[%add3A_348] : memref<2000xf32, #tpu.memory_space<vmem>>[vector<16xi32>], vector<16xf32>,
        %ne3A_351 = arith.cmpi ne, %gather3A_349, %gather3A_341 : vector<16xi32>
        tpu.vector_store_idx %arg5[%gather3A_341], %select_n3A_345 masked %ne3A_351 {add = true} : memref<100352xf32, #tpu.memory_space<vmem>>[vector<16xi32>], vector<16xf32>, vector<16xi1>
        %add3A_352 = arith.addf %select_n3A_345, %gather3A_350 : vector<16xf32>
        %select_n3A_353 = arith.select %ne3A_351, %gather3A_350, %add3A_352 : vector<16xi1>, vector<16xf32>
        %add3A_354 = arith.constant 1 : i32
        %add3A_355 = vector.broadcast %add3A_354 : i32 to vector<16xi32>
        %add3A_356 = arith.addi %add3A_348, %add3A_355 : vector<16xi32>
        %gather3A_357 = tpu.vector_load_idx %arg11[%add3A_356] : memref<2000xi32, #tpu.memory_space<vmem>>[vector<16xi32>], vector<16xi32>,
        %gather3A_358 = tpu.vector_load_idx %arg10[%add3A_356] : memref<2000xf32, #tpu.memory_space<vmem>>[vector<16xi32>], vector<16xf32>,
        %ne3A_359 = arith.cmpi ne, %gather3A_357, %gather3A_349 : vector<16xi32>
        tpu.vector_store_idx %arg5[%gather3A_349], %select_n3A_353 masked %ne3A_359 {add = true} : memref<100352xf32, #tpu.memory_space<vmem>>[vector<16xi32>], vector<16xf32>, vector<16xi1>
        %add3A_360 = arith.addf %select_n3A_353, %gather3A_358 : vector<16xf32>
        %select_n3A_361 = arith.select %ne3A_359, %gather3A_358, %add3A_360 : vector<16xi1>, vector<16xf32>
        %add3A_362 = arith.constant 1 : i32
        %add3A_363 = vector.broadcast %add3A_362 : i32 to vector<16xi32>
        %add3A_364 = arith.addi %add3A_356, %add3A_363 : vector<16xi32>
        %gather3A_365 = tpu.vector_load_idx %arg11[%add3A_364] : memref<2000xi32, #tpu.memory_space<vmem>>[vector<16xi32>], vector<16xi32>,
        %gather3A_366 = tpu.vector_load_idx %arg10[%add3A_364] : memref<2000xf32, #tpu.memory_space<vmem>>[vector<16xi32>], vector<16xf32>,
        %ne3A_367 = arith.cmpi ne, %gather3A_365, %gather3A_357 : vector<16xi32>
        tpu.vector_store_idx %arg5[%gather3A_357], %select_n3A_361 masked %ne3A_367 {add = true} : memref<100352xf32, #tpu.memory_space<vmem>>[vector<16xi32>], vector<16xf32>, vector<16xi1>
        %add3A_368 = arith.addf %select_n3A_361, %gather3A_366 : vector<16xf32>
        %select_n3A_369 = arith.select %ne3A_367, %gather3A_366, %add3A_368 : vector<16xi1>, vector<16xf32>
        %add3A_370 = arith.constant 1 : i32
        %add3A_371 = vector.broadcast %add3A_370 : i32 to vector<16xi32>
        %add3A_372 = arith.addi %add3A_364, %add3A_371 : vector<16xi32>
        %gather3A_373 = tpu.vector_load_idx %arg11[%add3A_372] : memref<2000xi32, #tpu.memory_space<vmem>>[vector<16xi32>], vector<16xi32>,
        %gather3A_374 = tpu.vector_load_idx %arg10[%add3A_372] : memref<2000xf32, #tpu.memory_space<vmem>>[vector<16xi32>], vector<16xf32>,
        %ne3A_375 = arith.cmpi ne, %gather3A_373, %gather3A_365 : vector<16xi32>
        tpu.vector_store_idx %arg5[%gather3A_365], %select_n3A_369 masked %ne3A_375 {add = true} : memref<100352xf32, #tpu.memory_space<vmem>>[vector<16xi32>], vector<16xf32>, vector<16xi1>
        %add3A_376 = arith.addf %select_n3A_369, %gather3A_374 : vector<16xf32>
        %select_n3A_377 = arith.select %ne3A_375, %gather3A_374, %add3A_376 : vector<16xi1>, vector<16xf32>
        %add3A_378 = arith.constant 1 : i32
        %add3A_379 = vector.broadcast %add3A_378 : i32 to vector<16xi32>
        %add3A_380 = arith.addi %add3A_372, %add3A_379 : vector<16xi32>
        %gather3A_381 = tpu.vector_load_idx %arg11[%add3A_380] : memref<2000xi32, #tpu.memory_space<vmem>>[vector<16xi32>], vector<16xi32>,
        %gather3A_382 = tpu.vector_load_idx %arg10[%add3A_380] : memref<2000xf32, #tpu.memory_space<vmem>>[vector<16xi32>], vector<16xf32>,
        %ne3A_383 = arith.cmpi ne, %gather3A_381, %gather3A_373 : vector<16xi32>
        tpu.vector_store_idx %arg5[%gather3A_373], %select_n3A_377 masked %ne3A_383 {add = true} : memref<100352xf32, #tpu.memory_space<vmem>>[vector<16xi32>], vector<16xf32>, vector<16xi1>
        %add3A_384 = arith.addf %select_n3A_377, %gather3A_382 : vector<16xf32>
        %select_n3A_385 = arith.select %ne3A_383, %gather3A_382, %add3A_384 : vector<16xi1>, vector<16xf32>
        %add3A_386 = arith.constant 1 : i32
        %add3A_387 = vector.broadcast %add3A_386 : i32 to vector<16xi32>
        %add3A_388 = arith.addi %add3A_380, %add3A_387 : vector<16xi32>
        %gather3A_389 = tpu.vector_load_idx %arg11[%add3A_388] : memref<2000xi32, #tpu.memory_space<vmem>>[vector<16xi32>], vector<16xi32>,
        %gather3A_390 = tpu.vector_load_idx %arg10[%add3A_388] : memref<2000xf32, #tpu.memory_space<vmem>>[vector<16xi32>], vector<16xf32>,
        %ne3A_391 = arith.cmpi ne, %gather3A_389, %gather3A_381 : vector<16xi32>
        tpu.vector_store_idx %arg5[%gather3A_381], %select_n3A_385 masked %ne3A_391 {add = true} : memref<100352xf32, #tpu.memory_space<vmem>>[vector<16xi32>], vector<16xf32>, vector<16xi1>
        %add3A_392 = arith.addf %select_n3A_385, %gather3A_390 : vector<16xf32>
        %select_n3A_393 = arith.select %ne3A_391, %gather3A_390, %add3A_392 : vector<16xi1>, vector<16xf32>
        %add3A_394 = arith.constant 1 : i32
        %add3A_395 = vector.broadcast %add3A_394 : i32 to vector<16xi32>
        %add3A_396 = arith.addi %add3A_388, %add3A_395 : vector<16xi32>
        %gather3A_397 = tpu.vector_load_idx %arg11[%add3A_396] : memref<2000xi32, #tpu.memory_space<vmem>>[vector<16xi32>], vector<16xi32>,
        %gather3A_398 = tpu.vector_load_idx %arg10[%add3A_396] : memref<2000xf32, #tpu.memory_space<vmem>>[vector<16xi32>], vector<16xf32>,
        %ne3A_399 = arith.cmpi ne, %gather3A_397, %gather3A_389 : vector<16xi32>
        tpu.vector_store_idx %arg5[%gather3A_389], %select_n3A_393 masked %ne3A_399 {add = true} : memref<100352xf32, #tpu.memory_space<vmem>>[vector<16xi32>], vector<16xf32>, vector<16xi1>
        %add3A_400 = arith.addf %select_n3A_393, %gather3A_398 : vector<16xf32>
        %select_n3A_401 = arith.select %ne3A_399, %gather3A_398, %add3A_400 : vector<16xi1>, vector<16xf32>
        %add3A_402 = arith.constant 1 : i32
        %add3A_403 = vector.broadcast %add3A_402 : i32 to vector<16xi32>
        %add3A_404 = arith.addi %add3A_396, %add3A_403 : vector<16xi32>
        %gather3A_405 = tpu.vector_load_idx %arg11[%add3A_404] : memref<2000xi32, #tpu.memory_space<vmem>>[vector<16xi32>], vector<16xi32>,
        %gather3A_406 = tpu.vector_load_idx %arg10[%add3A_404] : memref<2000xf32, #tpu.memory_space<vmem>>[vector<16xi32>], vector<16xf32>,
        %ne3A_407 = arith.cmpi ne, %gather3A_405, %gather3A_397 : vector<16xi32>
        tpu.vector_store_idx %arg5[%gather3A_397], %select_n3A_401 masked %ne3A_407 {add = true} : memref<100352xf32, #tpu.memory_space<vmem>>[vector<16xi32>], vector<16xf32>, vector<16xi1>
        %add3A_408 = arith.addf %select_n3A_401, %gather3A_406 : vector<16xf32>
        %select_n3A_409 = arith.select %ne3A_407, %gather3A_406, %add3A_408 : vector<16xi1>, vector<16xf32>
        %add3A_410 = arith.constant 1 : i32
        %add3A_411 = vector.broadcast %add3A_410 : i32 to vector<16xi32>
        %add3A_412 = arith.addi %add3A_404, %add3A_411 : vector<16xi32>
        %gather3A_413 = tpu.vector_load_idx %arg11[%add3A_412] : memref<2000xi32, #tpu.memory_space<vmem>>[vector<16xi32>], vector<16xi32>,
        %gather3A_414 = tpu.vector_load_idx %arg10[%add3A_412] : memref<2000xf32, #tpu.memory_space<vmem>>[vector<16xi32>], vector<16xf32>,
        %ne3A_415 = arith.cmpi ne, %gather3A_413, %gather3A_405 : vector<16xi32>
        tpu.vector_store_idx %arg5[%gather3A_405], %select_n3A_409 masked %ne3A_415 {add = true} : memref<100352xf32, #tpu.memory_space<vmem>>[vector<16xi32>], vector<16xf32>, vector<16xi1>
        %add3A_416 = arith.addf %select_n3A_409, %gather3A_414 : vector<16xf32>
        %select_n3A_417 = arith.select %ne3A_415, %gather3A_414, %add3A_416 : vector<16xi1>, vector<16xf32>
        %add3A_418 = arith.constant 1 : i32
        %add3A_419 = vector.broadcast %add3A_418 : i32 to vector<16xi32>
        %add3A_420 = arith.addi %add3A_412, %add3A_419 : vector<16xi32>
        %gather3A_421 = tpu.vector_load_idx %arg11[%add3A_420] : memref<2000xi32, #tpu.memory_space<vmem>>[vector<16xi32>], vector<16xi32>,
        %gather3A_422 = tpu.vector_load_idx %arg10[%add3A_420] : memref<2000xf32, #tpu.memory_space<vmem>>[vector<16xi32>], vector<16xf32>,
        %ne3A_423 = arith.cmpi ne, %gather3A_421, %gather3A_413 : vector<16xi32>
        tpu.vector_store_idx %arg5[%gather3A_413], %select_n3A_417 masked %ne3A_423 {add = true} : memref<100352xf32, #tpu.memory_space<vmem>>[vector<16xi32>], vector<16xf32>, vector<16xi1>
        %add3A_424 = arith.addf %select_n3A_417, %gather3A_422 : vector<16xf32>
        %select_n3A_425 = arith.select %ne3A_423, %gather3A_422, %add3A_424 : vector<16xi1>, vector<16xf32>
        %add3A_426 = arith.constant 1 : i32
        %add3A_427 = vector.broadcast %add3A_426 : i32 to vector<16xi32>
        %add3A_428 = arith.addi %add3A_420, %add3A_427 : vector<16xi32>
        %gather3A_429 = tpu.vector_load_idx %arg11[%add3A_428] : memref<2000xi32, #tpu.memory_space<vmem>>[vector<16xi32>], vector<16xi32>,
        %gather3A_430 = tpu.vector_load_idx %arg10[%add3A_428] : memref<2000xf32, #tpu.memory_space<vmem>>[vector<16xi32>], vector<16xf32>,
        %ne3A_431 = arith.cmpi ne, %gather3A_429, %gather3A_421 : vector<16xi32>
        tpu.vector_store_idx %arg5[%gather3A_421], %select_n3A_425 masked %ne3A_431 {add = true} : memref<100352xf32, #tpu.memory_space<vmem>>[vector<16xi32>], vector<16xf32>, vector<16xi1>
        %add3A_432 = arith.addf %select_n3A_425, %gather3A_430 : vector<16xf32>
        %select_n3A_433 = arith.select %ne3A_431, %gather3A_430, %add3A_432 : vector<16xi1>, vector<16xf32>
        %add3A_434 = arith.constant 1 : i32
        %add3A_435 = vector.broadcast %add3A_434 : i32 to vector<16xi32>
        %add3A_436 = arith.addi %add3A_428, %add3A_435 : vector<16xi32>
        %gather3A_437 = tpu.vector_load_idx %arg11[%add3A_436] : memref<2000xi32, #tpu.memory_space<vmem>>[vector<16xi32>], vector<16xi32>,
        %gather3A_438 = tpu.vector_load_idx %arg10[%add3A_436] : memref<2000xf32, #tpu.memory_space<vmem>>[vector<16xi32>], vector<16xf32>,
        %ne3A_439 = arith.cmpi ne, %gather3A_437, %gather3A_429 : vector<16xi32>
        tpu.vector_store_idx %arg5[%gather3A_429], %select_n3A_433 masked %ne3A_439 {add = true} : memref<100352xf32, #tpu.memory_space<vmem>>[vector<16xi32>], vector<16xf32>, vector<16xi1>
        %add3A_440 = arith.addf %select_n3A_433, %gather3A_438 : vector<16xf32>
        %select_n3A_441 = arith.select %ne3A_439, %gather3A_438, %add3A_440 : vector<16xi1>, vector<16xf32>
        %add3A_442 = arith.constant 1 : i32
        %add3A_443 = vector.broadcast %add3A_442 : i32 to vector<16xi32>
        %add3A_444 = arith.addi %add3A_436, %add3A_443 : vector<16xi32>
        %gather3A_445 = tpu.vector_load_idx %arg11[%add3A_444] : memref<2000xi32, #tpu.memory_space<vmem>>[vector<16xi32>], vector<16xi32>,
        %gather3A_446 = tpu.vector_load_idx %arg10[%add3A_444] : memref<2000xf32, #tpu.memory_space<vmem>>[vector<16xi32>], vector<16xf32>,
        %ne3A_447 = arith.cmpi ne, %gather3A_445, %gather3A_437 : vector<16xi32>
        tpu.vector_store_idx %arg5[%gather3A_437], %select_n3A_441 masked %ne3A_447 {add = true} : memref<100352xf32, #tpu.memory_space<vmem>>[vector<16xi32>], vector<16xf32>, vector<16xi1>
        %add3A_448 = arith.addf %select_n3A_441, %gather3A_446 : vector<16xf32>
        %select_n3A_449 = arith.select %ne3A_447, %gather3A_446, %add3A_448 : vector<16xi1>, vector<16xf32>
        %add3A_450 = arith.constant 1 : i32
        %add3A_451 = vector.broadcast %add3A_450 : i32 to vector<16xi32>
        %add3A_452 = arith.addi %add3A_444, %add3A_451 : vector<16xi32>
        %gather3A_453 = tpu.vector_load_idx %arg11[%add3A_452] : memref<2000xi32, #tpu.memory_space<vmem>>[vector<16xi32>], vector<16xi32>,
        %gather3A_454 = tpu.vector_load_idx %arg10[%add3A_452] : memref<2000xf32, #tpu.memory_space<vmem>>[vector<16xi32>], vector<16xf32>,
        %ne3A_455 = arith.cmpi ne, %gather3A_453, %gather3A_445 : vector<16xi32>
        tpu.vector_store_idx %arg5[%gather3A_445], %select_n3A_449 masked %ne3A_455 {add = true} : memref<100352xf32, #tpu.memory_space<vmem>>[vector<16xi32>], vector<16xf32>, vector<16xi1>
        %add3A_456 = arith.addf %select_n3A_449, %gather3A_454 : vector<16xf32>
        %select_n3A_457 = arith.select %ne3A_455, %gather3A_454, %add3A_456 : vector<16xi1>, vector<16xf32>
        %add3A_458 = arith.constant 1 : i32
        %add3A_459 = vector.broadcast %add3A_458 : i32 to vector<16xi32>
        %add3A_460 = arith.addi %add3A_452, %add3A_459 : vector<16xi32>
        %gather3A_461 = tpu.vector_load_idx %arg11[%add3A_460] : memref<2000xi32, #tpu.memory_space<vmem>>[vector<16xi32>], vector<16xi32>,
        %gather3A_462 = tpu.vector_load_idx %arg10[%add3A_460] : memref<2000xf32, #tpu.memory_space<vmem>>[vector<16xi32>], vector<16xf32>,
        %ne3A_463 = arith.cmpi ne, %gather3A_461, %gather3A_453 : vector<16xi32>
        tpu.vector_store_idx %arg5[%gather3A_453], %select_n3A_457 masked %ne3A_463 {add = true} : memref<100352xf32, #tpu.memory_space<vmem>>[vector<16xi32>], vector<16xf32>, vector<16xi1>
        %add3A_464 = arith.addf %select_n3A_457, %gather3A_462 : vector<16xf32>
        %select_n3A_465 = arith.select %ne3A_463, %gather3A_462, %add3A_464 : vector<16xi1>, vector<16xf32>
        %add3A_466 = arith.constant 1 : i32
        %add3A_467 = vector.broadcast %add3A_466 : i32 to vector<16xi32>
        %add3A_468 = arith.addi %add3A_460, %add3A_467 : vector<16xi32>
        %gather3A_469 = tpu.vector_load_idx %arg11[%add3A_468] : memref<2000xi32, #tpu.memory_space<vmem>>[vector<16xi32>], vector<16xi32>,
        %gather3A_470 = tpu.vector_load_idx %arg10[%add3A_468] : memref<2000xf32, #tpu.memory_space<vmem>>[vector<16xi32>], vector<16xf32>,
        %ne3A_471 = arith.cmpi ne, %gather3A_469, %gather3A_461 : vector<16xi32>
        tpu.vector_store_idx %arg5[%gather3A_461], %select_n3A_465 masked %ne3A_471 {add = true} : memref<100352xf32, #tpu.memory_space<vmem>>[vector<16xi32>], vector<16xf32>, vector<16xi1>
        %add3A_472 = arith.addf %select_n3A_465, %gather3A_470 : vector<16xf32>
        %select_n3A_473 = arith.select %ne3A_471, %gather3A_470, %add3A_472 : vector<16xi1>, vector<16xf32>
        %add3A_474 = arith.constant 1 : i32
        %add3A_475 = vector.broadcast %add3A_474 : i32 to vector<16xi32>
        %add3A_476 = arith.addi %add3A_468, %add3A_475 : vector<16xi32>
        %gather3A_477 = tpu.vector_load_idx %arg11[%add3A_476] : memref<2000xi32, #tpu.memory_space<vmem>>[vector<16xi32>], vector<16xi32>,
        %gather3A_478 = tpu.vector_load_idx %arg10[%add3A_476] : memref<2000xf32, #tpu.memory_space<vmem>>[vector<16xi32>], vector<16xf32>,
        %ne3A_479 = arith.cmpi ne, %gather3A_477, %gather3A_469 : vector<16xi32>
        tpu.vector_store_idx %arg5[%gather3A_469], %select_n3A_473 masked %ne3A_479 {add = true} : memref<100352xf32, #tpu.memory_space<vmem>>[vector<16xi32>], vector<16xf32>, vector<16xi1>
        %add3A_480 = arith.addf %select_n3A_473, %gather3A_478 : vector<16xf32>
        %select_n3A_481 = arith.select %ne3A_479, %gather3A_478, %add3A_480 : vector<16xi1>, vector<16xf32>
        %add3A_482 = arith.constant 1 : i32
        %add3A_483 = vector.broadcast %add3A_482 : i32 to vector<16xi32>
        %add3A_484 = arith.addi %add3A_476, %add3A_483 : vector<16xi32>
        %gather3A_485 = tpu.vector_load_idx %arg11[%add3A_484] : memref<2000xi32, #tpu.memory_space<vmem>>[vector<16xi32>], vector<16xi32>,
        %gather3A_486 = tpu.vector_load_idx %arg10[%add3A_484] : memref<2000xf32, #tpu.memory_space<vmem>>[vector<16xi32>], vector<16xf32>,
        %ne3A_487 = arith.cmpi ne, %gather3A_485, %gather3A_477 : vector<16xi32>
        tpu.vector_store_idx %arg5[%gather3A_477], %select_n3A_481 masked %ne3A_487 {add = true} : memref<100352xf32, #tpu.memory_space<vmem>>[vector<16xi32>], vector<16xf32>, vector<16xi1>
        %add3A_488 = arith.addf %select_n3A_481, %gather3A_486 : vector<16xf32>
        %select_n3A_489 = arith.select %ne3A_487, %gather3A_486, %add3A_488 : vector<16xi1>, vector<16xf32>
        %add3A_490 = arith.constant 1 : i32
        %add3A_491 = vector.broadcast %add3A_490 : i32 to vector<16xi32>
        %add3A_492 = arith.addi %add3A_484, %add3A_491 : vector<16xi32>
        %gather3A_493 = tpu.vector_load_idx %arg11[%add3A_492] : memref<2000xi32, #tpu.memory_space<vmem>>[vector<16xi32>], vector<16xi32>,
        %gather3A_494 = tpu.vector_load_idx %arg10[%add3A_492] : memref<2000xf32, #tpu.memory_space<vmem>>[vector<16xi32>], vector<16xf32>,
        %ne3A_495 = arith.cmpi ne, %gather3A_493, %gather3A_485 : vector<16xi32>
        tpu.vector_store_idx %arg5[%gather3A_485], %select_n3A_489 masked %ne3A_495 {add = true} : memref<100352xf32, #tpu.memory_space<vmem>>[vector<16xi32>], vector<16xf32>, vector<16xi1>
        %add3A_496 = arith.addf %select_n3A_489, %gather3A_494 : vector<16xf32>
        %select_n3A_497 = arith.select %ne3A_495, %gather3A_494, %add3A_496 : vector<16xi1>, vector<16xf32>
        %add3A_498 = arith.constant 1 : i32
        %add3A_499 = vector.broadcast %add3A_498 : i32 to vector<16xi32>
        %add3A_500 = arith.addi %add3A_492, %add3A_499 : vector<16xi32>
        %gather3A_501 = tpu.vector_load_idx %arg11[%add3A_500] : memref<2000xi32, #tpu.memory_space<vmem>>[vector<16xi32>], vector<16xi32>,
        %gather3A_502 = tpu.vector_load_idx %arg10[%add3A_500] : memref<2000xf32, #tpu.memory_space<vmem>>[vector<16xi32>], vector<16xf32>,
        %ne3A_503 = arith.cmpi ne, %gather3A_501, %gather3A_493 : vector<16xi32>
        tpu.vector_store_idx %arg5[%gather3A_493], %select_n3A_497 masked %ne3A_503 {add = true} : memref<100352xf32, #tpu.memory_space<vmem>>[vector<16xi32>], vector<16xf32>, vector<16xi1>
        %add3A_504 = arith.addf %select_n3A_497, %gather3A_502 : vector<16xf32>
        %select_n3A_505 = arith.select %ne3A_503, %gather3A_502, %add3A_504 : vector<16xi1>, vector<16xf32>
        %add3A_506 = arith.constant 1 : i32
        %add3A_507 = vector.broadcast %add3A_506 : i32 to vector<16xi32>
        %add3A_508 = arith.addi %add3A_500, %add3A_507 : vector<16xi32>
        %gather3A_509 = tpu.vector_load_idx %arg11[%add3A_508] : memref<2000xi32, #tpu.memory_space<vmem>>[vector<16xi32>], vector<16xi32>,
        %gather3A_510 = tpu.vector_load_idx %arg10[%add3A_508] : memref<2000xf32, #tpu.memory_space<vmem>>[vector<16xi32>], vector<16xf32>,
        %ne3A_511 = arith.cmpi ne, %gather3A_509, %gather3A_501 : vector<16xi32>
        tpu.vector_store_idx %arg5[%gather3A_501], %select_n3A_505 masked %ne3A_511 {add = true} : memref<100352xf32, #tpu.memory_space<vmem>>[vector<16xi32>], vector<16xf32>, vector<16xi1>
        %add3A_512 = arith.addf %select_n3A_505, %gather3A_510 : vector<16xf32>
        %select_n3A_513 = arith.select %ne3A_511, %gather3A_510, %add3A_512 : vector<16xi1>, vector<16xf32>
        scf.yield %add3A_508, %gather3A_509, %select_n3A_513 : vector<16xi32>, vector<16xi32>, vector<16xf32>
      }
      %scan3A_222 = arith.constant 4 : i32
      tpu.vector_store_idx %arg5[%scan3A_221#1], %scan3A_221#2 {add = true} : memref<100352xf32, #tpu.memory_space<vmem>>[vector<16xi32>], vector<16xf32>,
      %add3A_223 = arith.constant 2 : i32
      %add3A_224 = arith.addi %mul3A_149, %add3A_223 : i32
      %add3A_225 = arith.constant 4 : i32
      %add3A_226 = arith.addi %add3A_224, %add3A_225 : i32
      %lt3A_227 = arith.constant 100 : i32
      %lt3A_228 = arith.cmpi slt, %add3A_226, %lt3A_227 : i32
      %convert_element_type3A_229 = arith.extui %lt3A_228 : i1 to i32
      %cond3A_230 = arith.constant 0 : i32
      %cond3A_231 = arith.cmpi ne, %convert_element_type3A_229, %cond3A_230 : i32
      scf.if %cond3A_231 {
        %add3A_262 = arith.constant 2 : i32
        %add3A_263 = arith.addi %mul3A_149, %add3A_262 : i32
        %add3A_264 = arith.constant 4 : i32
        %add3A_265 = arith.addi %add3A_263, %add3A_264 : i32
        %mul3A_266 = arith.constant 2000 : i32
        %mul3A_267 = arith.muli %add3A_265, %mul3A_266 : i32
        %add3A_268 = arith.addi %mul3A_2, %mul3A_267 : i32
        %dma_start3A_269 = tpu.memref_slice %arg2[%add3A_268] : memref<6400000xf32, #tpu.memory_space<hbm>> -> memref<2000xf32, #tpu.memory_space<hbm>>
        %dma_start3A_270 = tpu.memref_slice %arg2[%add3A_268] : memref<6400000xf32, #tpu.memory_space<hbm>> -> memref<2000xf32, #tpu.memory_space<hbm>>
        tpu.enqueue_dma source(%dma_start3A_270 : memref<2000xf32, #tpu.memory_space<hbm>>) target(%arg10 : memref<2000xf32, #tpu.memory_space<vmem>>) target_semaphore(%arg17 : memref<!tpu.dma_semaphore, #tpu.memory_space<semaphore_mem>>)
        %dma_start3A_271 = tpu.memref_slice %arg3[%add3A_268] : memref<6400000xi32, #tpu.memory_space<hbm>> -> memref<2000xi32, #tpu.memory_space<hbm>>
        %dma_start3A_272 = tpu.memref_slice %arg3[%add3A_268] : memref<6400000xi32, #tpu.memory_space<hbm>> -> memref<2000xi32, #tpu.memory_space<hbm>>
        tpu.enqueue_dma source(%dma_start3A_272 : memref<2000xi32, #tpu.memory_space<hbm>>) target(%arg11 : memref<2000xi32, #tpu.memory_space<vmem>>) target_semaphore(%arg17 : memref<!tpu.dma_semaphore, #tpu.memory_space<semaphore_mem>>)
      } else {
      }
      %add3A_232 = arith.constant 3 : i32
      %add3A_233 = arith.addi %mul3A_149, %add3A_232 : i32
      %mul3A_234 = arith.constant 2000 : i32
      %mul3A_235 = arith.muli %add3A_233, %mul3A_234 : i32
      %add3A_236 = arith.addi %mul3A_2, %mul3A_235 : i32
      %dma_wait3A_237 = tpu.memref_slice %arg2[%add3A_236] : memref<6400000xf32, #tpu.memory_space<hbm>> -> memref<2000xf32, #tpu.memory_space<hbm>>
      %dma_wait3A_238 = tpu.memref_slice %arg2[%add3A_236] : memref<6400000xf32, #tpu.memory_space<hbm>> -> memref<2000xf32, #tpu.memory_space<hbm>>
      tpu.wait_dma2 semaphore(%arg18 : memref<!tpu.dma_semaphore, #tpu.memory_space<semaphore_mem>>) src(%dma_wait3A_238 : memref<2000xf32, #tpu.memory_space<hbm>>) dst(%arg12 : memref<2000xf32, #tpu.memory_space<vmem>>)
      %dma_wait3A_239 = tpu.memref_slice %arg3[%add3A_236] : memref<6400000xi32, #tpu.memory_space<hbm>> -> memref<2000xi32, #tpu.memory_space<hbm>>
      %dma_wait3A_240 = tpu.memref_slice %arg3[%add3A_236] : memref<6400000xi32, #tpu.memory_space<hbm>> -> memref<2000xi32, #tpu.memory_space<hbm>>
      tpu.wait_dma2 semaphore(%arg18 : memref<!tpu.dma_semaphore, #tpu.memory_space<semaphore_mem>>) src(%dma_wait3A_240 : memref<2000xi32, #tpu.memory_space<hbm>>) dst(%arg13 : memref<2000xi32, #tpu.memory_space<vmem>>)
      %add3A_241 = arith.constant 0 : i32
      %add3A_242 = vector.broadcast %add3A_241 : i32 to vector<16xi32>
      %add3A_243 = arith.addi %mul3A_97, %add3A_242 : vector<16xi32>
      %gather3A_244 = tpu.vector_load_idx %arg13[%add3A_243] : memref<2000xi32, #tpu.memory_space<vmem>>[vector<16xi32>], vector<16xi32>,
      %gather3A_245 = tpu.vector_load_idx %arg12[%add3A_243] : memref<2000xf32, #tpu.memory_space<vmem>>[vector<16xi32>], vector<16xf32>,
      %scan3A_246 = arith.constant 0 : i32
      %scan3A_247 = arith.constant 4 : i32
      %scan3A_248 = arith.addi %scan3A_246, %scan3A_247 : i32
      %scan3A_249 = arith.constant 1 : i32
      %scan3A_250:3 = scf.for %scan3A_262 = %scan3A_246 to %scan3A_248 step %scan3A_249 iter_args(%scan3A_263 = %add3A_243, %scan3A_264 = %gather3A_244, %scan3A_265 = %gather3A_245) -> (vector<16xi32>, vector<16xi32>, vector<16xf32>)  : i32 {
        %add3A_266 = arith.constant 1 : i32
        %add3A_267 = vector.broadcast %add3A_266 : i32 to vector<16xi32>
        %add3A_268 = arith.addi %scan3A_263, %add3A_267 : vector<16xi32>
        %gather3A_269 = tpu.vector_load_idx %arg13[%add3A_268] : memref<2000xi32, #tpu.memory_space<vmem>>[vector<16xi32>], vector<16xi32>,
        %gather3A_270 = tpu.vector_load_idx %arg12[%add3A_268] : memref<2000xf32, #tpu.memory_space<vmem>>[vector<16xi32>], vector<16xf32>,
        %ne3A_271 = arith.cmpi ne, %gather3A_269, %scan3A_264 : vector<16xi32>
        tpu.vector_store_idx %arg5[%scan3A_264], %scan3A_265 masked %ne3A_271 {add = true} : memref<100352xf32, #tpu.memory_space<vmem>>[vector<16xi32>], vector<16xf32>, vector<16xi1>
        %add3A_272 = arith.addf %scan3A_265, %gather3A_270 : vector<16xf32>
        %select_n3A_273 = arith.select %ne3A_271, %gather3A_270, %add3A_272 : vector<16xi1>, vector<16xf32>
        %add3A_274 = arith.constant 1 : i32
        %add3A_275 = vector.broadcast %add3A_274 : i32 to vector<16xi32>
        %add3A_276 = arith.addi %add3A_268, %add3A_275 : vector<16xi32>
        %gather3A_277 = tpu.vector_load_idx %arg13[%add3A_276] : memref<2000xi32, #tpu.memory_space<vmem>>[vector<16xi32>], vector<16xi32>,
        %gather3A_278 = tpu.vector_load_idx %arg12[%add3A_276] : memref<2000xf32, #tpu.memory_space<vmem>>[vector<16xi32>], vector<16xf32>,
        %ne3A_279 = arith.cmpi ne, %gather3A_277, %gather3A_269 : vector<16xi32>
        tpu.vector_store_idx %arg5[%gather3A_269], %select_n3A_273 masked %ne3A_279 {add = true} : memref<100352xf32, #tpu.memory_space<vmem>>[vector<16xi32>], vector<16xf32>, vector<16xi1>
        %add3A_280 = arith.addf %select_n3A_273, %gather3A_278 : vector<16xf32>
        %select_n3A_281 = arith.select %ne3A_279, %gather3A_278, %add3A_280 : vector<16xi1>, vector<16xf32>
        %add3A_282 = arith.constant 1 : i32
        %add3A_283 = vector.broadcast %add3A_282 : i32 to vector<16xi32>
        %add3A_284 = arith.addi %add3A_276, %add3A_283 : vector<16xi32>
        %gather3A_285 = tpu.vector_load_idx %arg13[%add3A_284] : memref<2000xi32, #tpu.memory_space<vmem>>[vector<16xi32>], vector<16xi32>,
        %gather3A_286 = tpu.vector_load_idx %arg12[%add3A_284] : memref<2000xf32, #tpu.memory_space<vmem>>[vector<16xi32>], vector<16xf32>,
        %ne3A_287 = arith.cmpi ne, %gather3A_285, %gather3A_277 : vector<16xi32>
        tpu.vector_store_idx %arg5[%gather3A_277], %select_n3A_281 masked %ne3A_287 {add = true} : memref<100352xf32, #tpu.memory_space<vmem>>[vector<16xi32>], vector<16xf32>, vector<16xi1>
        %add3A_288 = arith.addf %select_n3A_281, %gather3A_286 : vector<16xf32>
        %select_n3A_289 = arith.select %ne3A_287, %gather3A_286, %add3A_288 : vector<16xi1>, vector<16xf32>
        %add3A_290 = arith.constant 1 : i32
        %add3A_291 = vector.broadcast %add3A_290 : i32 to vector<16xi32>
        %add3A_292 = arith.addi %add3A_284, %add3A_291 : vector<16xi32>
        %gather3A_293 = tpu.vector_load_idx %arg13[%add3A_292] : memref<2000xi32, #tpu.memory_space<vmem>>[vector<16xi32>], vector<16xi32>,
        %gather3A_294 = tpu.vector_load_idx %arg12[%add3A_292] : memref<2000xf32, #tpu.memory_space<vmem>>[vector<16xi32>], vector<16xf32>,
        %ne3A_295 = arith.cmpi ne, %gather3A_293, %gather3A_285 : vector<16xi32>
        tpu.vector_store_idx %arg5[%gather3A_285], %select_n3A_289 masked %ne3A_295 {add = true} : memref<100352xf32, #tpu.memory_space<vmem>>[vector<16xi32>], vector<16xf32>, vector<16xi1>
        %add3A_296 = arith.addf %select_n3A_289, %gather3A_294 : vector<16xf32>
        %select_n3A_297 = arith.select %ne3A_295, %gather3A_294, %add3A_296 : vector<16xi1>, vector<16xf32>
        %add3A_298 = arith.constant 1 : i32
        %add3A_299 = vector.broadcast %add3A_298 : i32 to vector<16xi32>
        %add3A_300 = arith.addi %add3A_292, %add3A_299 : vector<16xi32>
        %gather3A_301 = tpu.vector_load_idx %arg13[%add3A_300] : memref<2000xi32, #tpu.memory_space<vmem>>[vector<16xi32>], vector<16xi32>,
        %gather3A_302 = tpu.vector_load_idx %arg12[%add3A_300] : memref<2000xf32, #tpu.memory_space<vmem>>[vector<16xi32>], vector<16xf32>,
        %ne3A_303 = arith.cmpi ne, %gather3A_301, %gather3A_293 : vector<16xi32>
        tpu.vector_store_idx %arg5[%gather3A_293], %select_n3A_297 masked %ne3A_303 {add = true} : memref<100352xf32, #tpu.memory_space<vmem>>[vector<16xi32>], vector<16xf32>, vector<16xi1>
        %add3A_304 = arith.addf %select_n3A_297, %gather3A_302 : vector<16xf32>
        %select_n3A_305 = arith.select %ne3A_303, %gather3A_302, %add3A_304 : vector<16xi1>, vector<16xf32>
        %add3A_306 = arith.constant 1 : i32
        %add3A_307 = vector.broadcast %add3A_306 : i32 to vector<16xi32>
        %add3A_308 = arith.addi %add3A_300, %add3A_307 : vector<16xi32>
        %gather3A_309 = tpu.vector_load_idx %arg13[%add3A_308] : memref<2000xi32, #tpu.memory_space<vmem>>[vector<16xi32>], vector<16xi32>,
        %gather3A_310 = tpu.vector_load_idx %arg12[%add3A_308] : memref<2000xf32, #tpu.memory_space<vmem>>[vector<16xi32>], vector<16xf32>,
        %ne3A_311 = arith.cmpi ne, %gather3A_309, %gather3A_301 : vector<16xi32>
        tpu.vector_store_idx %arg5[%gather3A_301], %select_n3A_305 masked %ne3A_311 {add = true} : memref<100352xf32, #tpu.memory_space<vmem>>[vector<16xi32>], vector<16xf32>, vector<16xi1>
        %add3A_312 = arith.addf %select_n3A_305, %gather3A_310 : vector<16xf32>
        %select_n3A_313 = arith.select %ne3A_311, %gather3A_310, %add3A_312 : vector<16xi1>, vector<16xf32>
        %add3A_314 = arith.constant 1 : i32
        %add3A_315 = vector.broadcast %add3A_314 : i32 to vector<16xi32>
        %add3A_316 = arith.addi %add3A_308, %add3A_315 : vector<16xi32>
        %gather3A_317 = tpu.vector_load_idx %arg13[%add3A_316] : memref<2000xi32, #tpu.memory_space<vmem>>[vector<16xi32>], vector<16xi32>,
        %gather3A_318 = tpu.vector_load_idx %arg12[%add3A_316] : memref<2000xf32, #tpu.memory_space<vmem>>[vector<16xi32>], vector<16xf32>,
        %ne3A_319 = arith.cmpi ne, %gather3A_317, %gather3A_309 : vector<16xi32>
        tpu.vector_store_idx %arg5[%gather3A_309], %select_n3A_313 masked %ne3A_319 {add = true} : memref<100352xf32, #tpu.memory_space<vmem>>[vector<16xi32>], vector<16xf32>, vector<16xi1>
        %add3A_320 = arith.addf %select_n3A_313, %gather3A_318 : vector<16xf32>
        %select_n3A_321 = arith.select %ne3A_319, %gather3A_318, %add3A_320 : vector<16xi1>, vector<16xf32>
        %add3A_322 = arith.constant 1 : i32
        %add3A_323 = vector.broadcast %add3A_322 : i32 to vector<16xi32>
        %add3A_324 = arith.addi %add3A_316, %add3A_323 : vector<16xi32>
        %gather3A_325 = tpu.vector_load_idx %arg13[%add3A_324] : memref<2000xi32, #tpu.memory_space<vmem>>[vector<16xi32>], vector<16xi32>,
        %gather3A_326 = tpu.vector_load_idx %arg12[%add3A_324] : memref<2000xf32, #tpu.memory_space<vmem>>[vector<16xi32>], vector<16xf32>,
        %ne3A_327 = arith.cmpi ne, %gather3A_325, %gather3A_317 : vector<16xi32>
        tpu.vector_store_idx %arg5[%gather3A_317], %select_n3A_321 masked %ne3A_327 {add = true} : memref<100352xf32, #tpu.memory_space<vmem>>[vector<16xi32>], vector<16xf32>, vector<16xi1>
        %add3A_328 = arith.addf %select_n3A_321, %gather3A_326 : vector<16xf32>
        %select_n3A_329 = arith.select %ne3A_327, %gather3A_326, %add3A_328 : vector<16xi1>, vector<16xf32>
        %add3A_330 = arith.constant 1 : i32
        %add3A_331 = vector.broadcast %add3A_330 : i32 to vector<16xi32>
        %add3A_332 = arith.addi %add3A_324, %add3A_331 : vector<16xi32>
        %gather3A_333 = tpu.vector_load_idx %arg13[%add3A_332] : memref<2000xi32, #tpu.memory_space<vmem>>[vector<16xi32>], vector<16xi32>,
        %gather3A_334 = tpu.vector_load_idx %arg12[%add3A_332] : memref<2000xf32, #tpu.memory_space<vmem>>[vector<16xi32>], vector<16xf32>,
        %ne3A_335 = arith.cmpi ne, %gather3A_333, %gather3A_325 : vector<16xi32>
        tpu.vector_store_idx %arg5[%gather3A_325], %select_n3A_329 masked %ne3A_335 {add = true} : memref<100352xf32, #tpu.memory_space<vmem>>[vector<16xi32>], vector<16xf32>, vector<16xi1>
        %add3A_336 = arith.addf %select_n3A_329, %gather3A_334 : vector<16xf32>
        %select_n3A_337 = arith.select %ne3A_335, %gather3A_334, %add3A_336 : vector<16xi1>, vector<16xf32>
        %add3A_338 = arith.constant 1 : i32
        %add3A_339 = vector.broadcast %add3A_338 : i32 to vector<16xi32>
        %add3A_340 = arith.addi %add3A_332, %add3A_339 : vector<16xi32>
        %gather3A_341 = tpu.vector_load_idx %arg13[%add3A_340] : memref<2000xi32, #tpu.memory_space<vmem>>[vector<16xi32>], vector<16xi32>,
        %gather3A_342 = tpu.vector_load_idx %arg12[%add3A_340] : memref<2000xf32, #tpu.memory_space<vmem>>[vector<16xi32>], vector<16xf32>,
        %ne3A_343 = arith.cmpi ne, %gather3A_341, %gather3A_333 : vector<16xi32>
        tpu.vector_store_idx %arg5[%gather3A_333], %select_n3A_337 masked %ne3A_343 {add = true} : memref<100352xf32, #tpu.memory_space<vmem>>[vector<16xi32>], vector<16xf32>, vector<16xi1>
        %add3A_344 = arith.addf %select_n3A_337, %gather3A_342 : vector<16xf32>
        %select_n3A_345 = arith.select %ne3A_343, %gather3A_342, %add3A_344 : vector<16xi1>, vector<16xf32>
        %add3A_346 = arith.constant 1 : i32
        %add3A_347 = vector.broadcast %add3A_346 : i32 to vector<16xi32>
        %add3A_348 = arith.addi %add3A_340, %add3A_347 : vector<16xi32>
        %gather3A_349 = tpu.vector_load_idx %arg13[%add3A_348] : memref<2000xi32, #tpu.memory_space<vmem>>[vector<16xi32>], vector<16xi32>,
        %gather3A_350 = tpu.vector_load_idx %arg12[%add3A_348] : memref<2000xf32, #tpu.memory_space<vmem>>[vector<16xi32>], vector<16xf32>,
        %ne3A_351 = arith.cmpi ne, %gather3A_349, %gather3A_341 : vector<16xi32>
        tpu.vector_store_idx %arg5[%gather3A_341], %select_n3A_345 masked %ne3A_351 {add = true} : memref<100352xf32, #tpu.memory_space<vmem>>[vector<16xi32>], vector<16xf32>, vector<16xi1>
        %add3A_352 = arith.addf %select_n3A_345, %gather3A_350 : vector<16xf32>
        %select_n3A_353 = arith.select %ne3A_351, %gather3A_350, %add3A_352 : vector<16xi1>, vector<16xf32>
        %add3A_354 = arith.constant 1 : i32
        %add3A_355 = vector.broadcast %add3A_354 : i32 to vector<16xi32>
        %add3A_356 = arith.addi %add3A_348, %add3A_355 : vector<16xi32>
        %gather3A_357 = tpu.vector_load_idx %arg13[%add3A_356] : memref<2000xi32, #tpu.memory_space<vmem>>[vector<16xi32>], vector<16xi32>,
        %gather3A_358 = tpu.vector_load_idx %arg12[%add3A_356] : memref<2000xf32, #tpu.memory_space<vmem>>[vector<16xi32>], vector<16xf32>,
        %ne3A_359 = arith.cmpi ne, %gather3A_357, %gather3A_349 : vector<16xi32>
        tpu.vector_store_idx %arg5[%gather3A_349], %select_n3A_353 masked %ne3A_359 {add = true} : memref<100352xf32, #tpu.memory_space<vmem>>[vector<16xi32>], vector<16xf32>, vector<16xi1>
        %add3A_360 = arith.addf %select_n3A_353, %gather3A_358 : vector<16xf32>
        %select_n3A_361 = arith.select %ne3A_359, %gather3A_358, %add3A_360 : vector<16xi1>, vector<16xf32>
        %add3A_362 = arith.constant 1 : i32
        %add3A_363 = vector.broadcast %add3A_362 : i32 to vector<16xi32>
        %add3A_364 = arith.addi %add3A_356, %add3A_363 : vector<16xi32>
        %gather3A_365 = tpu.vector_load_idx %arg13[%add3A_364] : memref<2000xi32, #tpu.memory_space<vmem>>[vector<16xi32>], vector<16xi32>,
        %gather3A_366 = tpu.vector_load_idx %arg12[%add3A_364] : memref<2000xf32, #tpu.memory_space<vmem>>[vector<16xi32>], vector<16xf32>,
        %ne3A_367 = arith.cmpi ne, %gather3A_365, %gather3A_357 : vector<16xi32>
        tpu.vector_store_idx %arg5[%gather3A_357], %select_n3A_361 masked %ne3A_367 {add = true} : memref<100352xf32, #tpu.memory_space<vmem>>[vector<16xi32>], vector<16xf32>, vector<16xi1>
        %add3A_368 = arith.addf %select_n3A_361, %gather3A_366 : vector<16xf32>
        %select_n3A_369 = arith.select %ne3A_367, %gather3A_366, %add3A_368 : vector<16xi1>, vector<16xf32>
        %add3A_370 = arith.constant 1 : i32
        %add3A_371 = vector.broadcast %add3A_370 : i32 to vector<16xi32>
        %add3A_372 = arith.addi %add3A_364, %add3A_371 : vector<16xi32>
        %gather3A_373 = tpu.vector_load_idx %arg13[%add3A_372] : memref<2000xi32, #tpu.memory_space<vmem>>[vector<16xi32>], vector<16xi32>,
        %gather3A_374 = tpu.vector_load_idx %arg12[%add3A_372] : memref<2000xf32, #tpu.memory_space<vmem>>[vector<16xi32>], vector<16xf32>,
        %ne3A_375 = arith.cmpi ne, %gather3A_373, %gather3A_365 : vector<16xi32>
        tpu.vector_store_idx %arg5[%gather3A_365], %select_n3A_369 masked %ne3A_375 {add = true} : memref<100352xf32, #tpu.memory_space<vmem>>[vector<16xi32>], vector<16xf32>, vector<16xi1>
        %add3A_376 = arith.addf %select_n3A_369, %gather3A_374 : vector<16xf32>
        %select_n3A_377 = arith.select %ne3A_375, %gather3A_374, %add3A_376 : vector<16xi1>, vector<16xf32>
        %add3A_378 = arith.constant 1 : i32
        %add3A_379 = vector.broadcast %add3A_378 : i32 to vector<16xi32>
        %add3A_380 = arith.addi %add3A_372, %add3A_379 : vector<16xi32>
        %gather3A_381 = tpu.vector_load_idx %arg13[%add3A_380] : memref<2000xi32, #tpu.memory_space<vmem>>[vector<16xi32>], vector<16xi32>,
        %gather3A_382 = tpu.vector_load_idx %arg12[%add3A_380] : memref<2000xf32, #tpu.memory_space<vmem>>[vector<16xi32>], vector<16xf32>,
        %ne3A_383 = arith.cmpi ne, %gather3A_381, %gather3A_373 : vector<16xi32>
        tpu.vector_store_idx %arg5[%gather3A_373], %select_n3A_377 masked %ne3A_383 {add = true} : memref<100352xf32, #tpu.memory_space<vmem>>[vector<16xi32>], vector<16xf32>, vector<16xi1>
        %add3A_384 = arith.addf %select_n3A_377, %gather3A_382 : vector<16xf32>
        %select_n3A_385 = arith.select %ne3A_383, %gather3A_382, %add3A_384 : vector<16xi1>, vector<16xf32>
        %add3A_386 = arith.constant 1 : i32
        %add3A_387 = vector.broadcast %add3A_386 : i32 to vector<16xi32>
        %add3A_388 = arith.addi %add3A_380, %add3A_387 : vector<16xi32>
        %gather3A_389 = tpu.vector_load_idx %arg13[%add3A_388] : memref<2000xi32, #tpu.memory_space<vmem>>[vector<16xi32>], vector<16xi32>,
        %gather3A_390 = tpu.vector_load_idx %arg12[%add3A_388] : memref<2000xf32, #tpu.memory_space<vmem>>[vector<16xi32>], vector<16xf32>,
        %ne3A_391 = arith.cmpi ne, %gather3A_389, %gather3A_381 : vector<16xi32>
        tpu.vector_store_idx %arg5[%gather3A_381], %select_n3A_385 masked %ne3A_391 {add = true} : memref<100352xf32, #tpu.memory_space<vmem>>[vector<16xi32>], vector<16xf32>, vector<16xi1>
        %add3A_392 = arith.addf %select_n3A_385, %gather3A_390 : vector<16xf32>
        %select_n3A_393 = arith.select %ne3A_391, %gather3A_390, %add3A_392 : vector<16xi1>, vector<16xf32>
        %add3A_394 = arith.constant 1 : i32
        %add3A_395 = vector.broadcast %add3A_394 : i32 to vector<16xi32>
        %add3A_396 = arith.addi %add3A_388, %add3A_395 : vector<16xi32>
        %gather3A_397 = tpu.vector_load_idx %arg13[%add3A_396] : memref<2000xi32, #tpu.memory_space<vmem>>[vector<16xi32>], vector<16xi32>,
        %gather3A_398 = tpu.vector_load_idx %arg12[%add3A_396] : memref<2000xf32, #tpu.memory_space<vmem>>[vector<16xi32>], vector<16xf32>,
        %ne3A_399 = arith.cmpi ne, %gather3A_397, %gather3A_389 : vector<16xi32>
        tpu.vector_store_idx %arg5[%gather3A_389], %select_n3A_393 masked %ne3A_399 {add = true} : memref<100352xf32, #tpu.memory_space<vmem>>[vector<16xi32>], vector<16xf32>, vector<16xi1>
        %add3A_400 = arith.addf %select_n3A_393, %gather3A_398 : vector<16xf32>
        %select_n3A_401 = arith.select %ne3A_399, %gather3A_398, %add3A_400 : vector<16xi1>, vector<16xf32>
        %add3A_402 = arith.constant 1 : i32
        %add3A_403 = vector.broadcast %add3A_402 : i32 to vector<16xi32>
        %add3A_404 = arith.addi %add3A_396, %add3A_403 : vector<16xi32>
        %gather3A_405 = tpu.vector_load_idx %arg13[%add3A_404] : memref<2000xi32, #tpu.memory_space<vmem>>[vector<16xi32>], vector<16xi32>,
        %gather3A_406 = tpu.vector_load_idx %arg12[%add3A_404] : memref<2000xf32, #tpu.memory_space<vmem>>[vector<16xi32>], vector<16xf32>,
        %ne3A_407 = arith.cmpi ne, %gather3A_405, %gather3A_397 : vector<16xi32>
        tpu.vector_store_idx %arg5[%gather3A_397], %select_n3A_401 masked %ne3A_407 {add = true} : memref<100352xf32, #tpu.memory_space<vmem>>[vector<16xi32>], vector<16xf32>, vector<16xi1>
        %add3A_408 = arith.addf %select_n3A_401, %gather3A_406 : vector<16xf32>
        %select_n3A_409 = arith.select %ne3A_407, %gather3A_406, %add3A_408 : vector<16xi1>, vector<16xf32>
        %add3A_410 = arith.constant 1 : i32
        %add3A_411 = vector.broadcast %add3A_410 : i32 to vector<16xi32>
        %add3A_412 = arith.addi %add3A_404, %add3A_411 : vector<16xi32>
        %gather3A_413 = tpu.vector_load_idx %arg13[%add3A_412] : memref<2000xi32, #tpu.memory_space<vmem>>[vector<16xi32>], vector<16xi32>,
        %gather3A_414 = tpu.vector_load_idx %arg12[%add3A_412] : memref<2000xf32, #tpu.memory_space<vmem>>[vector<16xi32>], vector<16xf32>,
        %ne3A_415 = arith.cmpi ne, %gather3A_413, %gather3A_405 : vector<16xi32>
        tpu.vector_store_idx %arg5[%gather3A_405], %select_n3A_409 masked %ne3A_415 {add = true} : memref<100352xf32, #tpu.memory_space<vmem>>[vector<16xi32>], vector<16xf32>, vector<16xi1>
        %add3A_416 = arith.addf %select_n3A_409, %gather3A_414 : vector<16xf32>
        %select_n3A_417 = arith.select %ne3A_415, %gather3A_414, %add3A_416 : vector<16xi1>, vector<16xf32>
        %add3A_418 = arith.constant 1 : i32
        %add3A_419 = vector.broadcast %add3A_418 : i32 to vector<16xi32>
        %add3A_420 = arith.addi %add3A_412, %add3A_419 : vector<16xi32>
        %gather3A_421 = tpu.vector_load_idx %arg13[%add3A_420] : memref<2000xi32, #tpu.memory_space<vmem>>[vector<16xi32>], vector<16xi32>,
        %gather3A_422 = tpu.vector_load_idx %arg12[%add3A_420] : memref<2000xf32, #tpu.memory_space<vmem>>[vector<16xi32>], vector<16xf32>,
        %ne3A_423 = arith.cmpi ne, %gather3A_421, %gather3A_413 : vector<16xi32>
        tpu.vector_store_idx %arg5[%gather3A_413], %select_n3A_417 masked %ne3A_423 {add = true} : memref<100352xf32, #tpu.memory_space<vmem>>[vector<16xi32>], vector<16xf32>, vector<16xi1>
        %add3A_424 = arith.addf %select_n3A_417, %gather3A_422 : vector<16xf32>
        %select_n3A_425 = arith.select %ne3A_423, %gather3A_422, %add3A_424 : vector<16xi1>, vector<16xf32>
        %add3A_426 = arith.constant 1 : i32
        %add3A_427 = vector.broadcast %add3A_426 : i32 to vector<16xi32>
        %add3A_428 = arith.addi %add3A_420, %add3A_427 : vector<16xi32>
        %gather3A_429 = tpu.vector_load_idx %arg13[%add3A_428] : memref<2000xi32, #tpu.memory_space<vmem>>[vector<16xi32>], vector<16xi32>,
        %gather3A_430 = tpu.vector_load_idx %arg12[%add3A_428] : memref<2000xf32, #tpu.memory_space<vmem>>[vector<16xi32>], vector<16xf32>,
        %ne3A_431 = arith.cmpi ne, %gather3A_429, %gather3A_421 : vector<16xi32>
        tpu.vector_store_idx %arg5[%gather3A_421], %select_n3A_425 masked %ne3A_431 {add = true} : memref<100352xf32, #tpu.memory_space<vmem>>[vector<16xi32>], vector<16xf32>, vector<16xi1>
        %add3A_432 = arith.addf %select_n3A_425, %gather3A_430 : vector<16xf32>
        %select_n3A_433 = arith.select %ne3A_431, %gather3A_430, %add3A_432 : vector<16xi1>, vector<16xf32>
        %add3A_434 = arith.constant 1 : i32
        %add3A_435 = vector.broadcast %add3A_434 : i32 to vector<16xi32>
        %add3A_436 = arith.addi %add3A_428, %add3A_435 : vector<16xi32>
        %gather3A_437 = tpu.vector_load_idx %arg13[%add3A_436] : memref<2000xi32, #tpu.memory_space<vmem>>[vector<16xi32>], vector<16xi32>,
        %gather3A_438 = tpu.vector_load_idx %arg12[%add3A_436] : memref<2000xf32, #tpu.memory_space<vmem>>[vector<16xi32>], vector<16xf32>,
        %ne3A_439 = arith.cmpi ne, %gather3A_437, %gather3A_429 : vector<16xi32>
        tpu.vector_store_idx %arg5[%gather3A_429], %select_n3A_433 masked %ne3A_439 {add = true} : memref<100352xf32, #tpu.memory_space<vmem>>[vector<16xi32>], vector<16xf32>, vector<16xi1>
        %add3A_440 = arith.addf %select_n3A_433, %gather3A_438 : vector<16xf32>
        %select_n3A_441 = arith.select %ne3A_439, %gather3A_438, %add3A_440 : vector<16xi1>, vector<16xf32>
        %add3A_442 = arith.constant 1 : i32
        %add3A_443 = vector.broadcast %add3A_442 : i32 to vector<16xi32>
        %add3A_444 = arith.addi %add3A_436, %add3A_443 : vector<16xi32>
        %gather3A_445 = tpu.vector_load_idx %arg13[%add3A_444] : memref<2000xi32, #tpu.memory_space<vmem>>[vector<16xi32>], vector<16xi32>,
        %gather3A_446 = tpu.vector_load_idx %arg12[%add3A_444] : memref<2000xf32, #tpu.memory_space<vmem>>[vector<16xi32>], vector<16xf32>,
        %ne3A_447 = arith.cmpi ne, %gather3A_445, %gather3A_437 : vector<16xi32>
        tpu.vector_store_idx %arg5[%gather3A_437], %select_n3A_441 masked %ne3A_447 {add = true} : memref<100352xf32, #tpu.memory_space<vmem>>[vector<16xi32>], vector<16xf32>, vector<16xi1>
        %add3A_448 = arith.addf %select_n3A_441, %gather3A_446 : vector<16xf32>
        %select_n3A_449 = arith.select %ne3A_447, %gather3A_446, %add3A_448 : vector<16xi1>, vector<16xf32>
        %add3A_450 = arith.constant 1 : i32
        %add3A_451 = vector.broadcast %add3A_450 : i32 to vector<16xi32>
        %add3A_452 = arith.addi %add3A_444, %add3A_451 : vector<16xi32>
        %gather3A_453 = tpu.vector_load_idx %arg13[%add3A_452] : memref<2000xi32, #tpu.memory_space<vmem>>[vector<16xi32>], vector<16xi32>,
        %gather3A_454 = tpu.vector_load_idx %arg12[%add3A_452] : memref<2000xf32, #tpu.memory_space<vmem>>[vector<16xi32>], vector<16xf32>,
        %ne3A_455 = arith.cmpi ne, %gather3A_453, %gather3A_445 : vector<16xi32>
        tpu.vector_store_idx %arg5[%gather3A_445], %select_n3A_449 masked %ne3A_455 {add = true} : memref<100352xf32, #tpu.memory_space<vmem>>[vector<16xi32>], vector<16xf32>, vector<16xi1>
        %add3A_456 = arith.addf %select_n3A_449, %gather3A_454 : vector<16xf32>
        %select_n3A_457 = arith.select %ne3A_455, %gather3A_454, %add3A_456 : vector<16xi1>, vector<16xf32>
        %add3A_458 = arith.constant 1 : i32
        %add3A_459 = vector.broadcast %add3A_458 : i32 to vector<16xi32>
        %add3A_460 = arith.addi %add3A_452, %add3A_459 : vector<16xi32>
        %gather3A_461 = tpu.vector_load_idx %arg13[%add3A_460] : memref<2000xi32, #tpu.memory_space<vmem>>[vector<16xi32>], vector<16xi32>,
        %gather3A_462 = tpu.vector_load_idx %arg12[%add3A_460] : memref<2000xf32, #tpu.memory_space<vmem>>[vector<16xi32>], vector<16xf32>,
        %ne3A_463 = arith.cmpi ne, %gather3A_461, %gather3A_453 : vector<16xi32>
        tpu.vector_store_idx %arg5[%gather3A_453], %select_n3A_457 masked %ne3A_463 {add = true} : memref<100352xf32, #tpu.memory_space<vmem>>[vector<16xi32>], vector<16xf32>, vector<16xi1>
        %add3A_464 = arith.addf %select_n3A_457, %gather3A_462 : vector<16xf32>
        %select_n3A_465 = arith.select %ne3A_463, %gather3A_462, %add3A_464 : vector<16xi1>, vector<16xf32>
        %add3A_466 = arith.constant 1 : i32
        %add3A_467 = vector.broadcast %add3A_466 : i32 to vector<16xi32>
        %add3A_468 = arith.addi %add3A_460, %add3A_467 : vector<16xi32>
        %gather3A_469 = tpu.vector_load_idx %arg13[%add3A_468] : memref<2000xi32, #tpu.memory_space<vmem>>[vector<16xi32>], vector<16xi32>,
        %gather3A_470 = tpu.vector_load_idx %arg12[%add3A_468] : memref<2000xf32, #tpu.memory_space<vmem>>[vector<16xi32>], vector<16xf32>,
        %ne3A_471 = arith.cmpi ne, %gather3A_469, %gather3A_461 : vector<16xi32>
        tpu.vector_store_idx %arg5[%gather3A_461], %select_n3A_465 masked %ne3A_471 {add = true} : memref<100352xf32, #tpu.memory_space<vmem>>[vector<16xi32>], vector<16xf32>, vector<16xi1>
        %add3A_472 = arith.addf %select_n3A_465, %gather3A_470 : vector<16xf32>
        %select_n3A_473 = arith.select %ne3A_471, %gather3A_470, %add3A_472 : vector<16xi1>, vector<16xf32>
        %add3A_474 = arith.constant 1 : i32
        %add3A_475 = vector.broadcast %add3A_474 : i32 to vector<16xi32>
        %add3A_476 = arith.addi %add3A_468, %add3A_475 : vector<16xi32>
        %gather3A_477 = tpu.vector_load_idx %arg13[%add3A_476] : memref<2000xi32, #tpu.memory_space<vmem>>[vector<16xi32>], vector<16xi32>,
        %gather3A_478 = tpu.vector_load_idx %arg12[%add3A_476] : memref<2000xf32, #tpu.memory_space<vmem>>[vector<16xi32>], vector<16xf32>,
        %ne3A_479 = arith.cmpi ne, %gather3A_477, %gather3A_469 : vector<16xi32>
        tpu.vector_store_idx %arg5[%gather3A_469], %select_n3A_473 masked %ne3A_479 {add = true} : memref<100352xf32, #tpu.memory_space<vmem>>[vector<16xi32>], vector<16xf32>, vector<16xi1>
        %add3A_480 = arith.addf %select_n3A_473, %gather3A_478 : vector<16xf32>
        %select_n3A_481 = arith.select %ne3A_479, %gather3A_478, %add3A_480 : vector<16xi1>, vector<16xf32>
        %add3A_482 = arith.constant 1 : i32
        %add3A_483 = vector.broadcast %add3A_482 : i32 to vector<16xi32>
        %add3A_484 = arith.addi %add3A_476, %add3A_483 : vector<16xi32>
        %gather3A_485 = tpu.vector_load_idx %arg13[%add3A_484] : memref<2000xi32, #tpu.memory_space<vmem>>[vector<16xi32>], vector<16xi32>,
        %gather3A_486 = tpu.vector_load_idx %arg12[%add3A_484] : memref<2000xf32, #tpu.memory_space<vmem>>[vector<16xi32>], vector<16xf32>,
        %ne3A_487 = arith.cmpi ne, %gather3A_485, %gather3A_477 : vector<16xi32>
        tpu.vector_store_idx %arg5[%gather3A_477], %select_n3A_481 masked %ne3A_487 {add = true} : memref<100352xf32, #tpu.memory_space<vmem>>[vector<16xi32>], vector<16xf32>, vector<16xi1>
        %add3A_488 = arith.addf %select_n3A_481, %gather3A_486 : vector<16xf32>
        %select_n3A_489 = arith.select %ne3A_487, %gather3A_486, %add3A_488 : vector<16xi1>, vector<16xf32>
        %add3A_490 = arith.constant 1 : i32
        %add3A_491 = vector.broadcast %add3A_490 : i32 to vector<16xi32>
        %add3A_492 = arith.addi %add3A_484, %add3A_491 : vector<16xi32>
        %gather3A_493 = tpu.vector_load_idx %arg13[%add3A_492] : memref<2000xi32, #tpu.memory_space<vmem>>[vector<16xi32>], vector<16xi32>,
        %gather3A_494 = tpu.vector_load_idx %arg12[%add3A_492] : memref<2000xf32, #tpu.memory_space<vmem>>[vector<16xi32>], vector<16xf32>,
        %ne3A_495 = arith.cmpi ne, %gather3A_493, %gather3A_485 : vector<16xi32>
        tpu.vector_store_idx %arg5[%gather3A_485], %select_n3A_489 masked %ne3A_495 {add = true} : memref<100352xf32, #tpu.memory_space<vmem>>[vector<16xi32>], vector<16xf32>, vector<16xi1>
        %add3A_496 = arith.addf %select_n3A_489, %gather3A_494 : vector<16xf32>
        %select_n3A_497 = arith.select %ne3A_495, %gather3A_494, %add3A_496 : vector<16xi1>, vector<16xf32>
        %add3A_498 = arith.constant 1 : i32
        %add3A_499 = vector.broadcast %add3A_498 : i32 to vector<16xi32>
        %add3A_500 = arith.addi %add3A_492, %add3A_499 : vector<16xi32>
        %gather3A_501 = tpu.vector_load_idx %arg13[%add3A_500] : memref<2000xi32, #tpu.memory_space<vmem>>[vector<16xi32>], vector<16xi32>,
        %gather3A_502 = tpu.vector_load_idx %arg12[%add3A_500] : memref<2000xf32, #tpu.memory_space<vmem>>[vector<16xi32>], vector<16xf32>,
        %ne3A_503 = arith.cmpi ne, %gather3A_501, %gather3A_493 : vector<16xi32>
        tpu.vector_store_idx %arg5[%gather3A_493], %select_n3A_497 masked %ne3A_503 {add = true} : memref<100352xf32, #tpu.memory_space<vmem>>[vector<16xi32>], vector<16xf32>, vector<16xi1>
        %add3A_504 = arith.addf %select_n3A_497, %gather3A_502 : vector<16xf32>
        %select_n3A_505 = arith.select %ne3A_503, %gather3A_502, %add3A_504 : vector<16xi1>, vector<16xf32>
        %add3A_506 = arith.constant 1 : i32
        %add3A_507 = vector.broadcast %add3A_506 : i32 to vector<16xi32>
        %add3A_508 = arith.addi %add3A_500, %add3A_507 : vector<16xi32>
        %gather3A_509 = tpu.vector_load_idx %arg13[%add3A_508] : memref<2000xi32, #tpu.memory_space<vmem>>[vector<16xi32>], vector<16xi32>,
        %gather3A_510 = tpu.vector_load_idx %arg12[%add3A_508] : memref<2000xf32, #tpu.memory_space<vmem>>[vector<16xi32>], vector<16xf32>,
        %ne3A_511 = arith.cmpi ne, %gather3A_509, %gather3A_501 : vector<16xi32>
        tpu.vector_store_idx %arg5[%gather3A_501], %select_n3A_505 masked %ne3A_511 {add = true} : memref<100352xf32, #tpu.memory_space<vmem>>[vector<16xi32>], vector<16xf32>, vector<16xi1>
        %add3A_512 = arith.addf %select_n3A_505, %gather3A_510 : vector<16xf32>
        %select_n3A_513 = arith.select %ne3A_511, %gather3A_510, %add3A_512 : vector<16xi1>, vector<16xf32>
        scf.yield %add3A_508, %gather3A_509, %select_n3A_513 : vector<16xi32>, vector<16xi32>, vector<16xf32>
      }
      %scan3A_251 = arith.constant 4 : i32
      tpu.vector_store_idx %arg5[%scan3A_250#1], %scan3A_250#2 {add = true} : memref<100352xf32, #tpu.memory_space<vmem>>[vector<16xi32>], vector<16xf32>,
      %add3A_252 = arith.constant 3 : i32
      %add3A_253 = arith.addi %mul3A_149, %add3A_252 : i32
      %add3A_254 = arith.constant 4 : i32
      %add3A_255 = arith.addi %add3A_253, %add3A_254 : i32
      %lt3A_256 = arith.constant 100 : i32
      %lt3A_257 = arith.cmpi slt, %add3A_255, %lt3A_256 : i32
      %convert_element_type3A_258 = arith.extui %lt3A_257 : i1 to i32
      %cond3A_259 = arith.constant 0 : i32
      %cond3A_260 = arith.cmpi ne, %convert_element_type3A_258, %cond3A_259 : i32
      scf.if %cond3A_260 {
        %add3A_262 = arith.constant 3 : i32
        %add3A_263 = arith.addi %mul3A_149, %add3A_262 : i32
        %add3A_264 = arith.constant 4 : i32
        %add3A_265 = arith.addi %add3A_263, %add3A_264 : i32
        %mul3A_266 = arith.constant 2000 : i32
        %mul3A_267 = arith.muli %add3A_265, %mul3A_266 : i32
        %add3A_268 = arith.addi %mul3A_2, %mul3A_267 : i32
        %dma_start3A_269 = tpu.memref_slice %arg2[%add3A_268] : memref<6400000xf32, #tpu.memory_space<hbm>> -> memref<2000xf32, #tpu.memory_space<hbm>>
        %dma_start3A_270 = tpu.memref_slice %arg2[%add3A_268] : memref<6400000xf32, #tpu.memory_space<hbm>> -> memref<2000xf32, #tpu.memory_space<hbm>>
        tpu.enqueue_dma source(%dma_start3A_270 : memref<2000xf32, #tpu.memory_space<hbm>>) target(%arg12 : memref<2000xf32, #tpu.memory_space<vmem>>) target_semaphore(%arg18 : memref<!tpu.dma_semaphore, #tpu.memory_space<semaphore_mem>>)
        %dma_start3A_271 = tpu.memref_slice %arg3[%add3A_268] : memref<6400000xi32, #tpu.memory_space<hbm>> -> memref<2000xi32, #tpu.memory_space<hbm>>
        %dma_start3A_272 = tpu.memref_slice %arg3[%add3A_268] : memref<6400000xi32, #tpu.memory_space<hbm>> -> memref<2000xi32, #tpu.memory_space<hbm>>
        tpu.enqueue_dma source(%dma_start3A_272 : memref<2000xi32, #tpu.memory_space<hbm>>) target(%arg13 : memref<2000xi32, #tpu.memory_space<vmem>>) target_semaphore(%arg18 : memref<!tpu.dma_semaphore, #tpu.memory_space<semaphore_mem>>)
      } else {
      }
      %scan3A_261 = arith.constant 0 : i32
      scf.yield %scan3A_261 : i32
    }
    %scan3A_127 = arith.constant 25 : i32
    %barrier3A = arith.constant 0 : index
    tpu.barrier barrier_id(%barrier3A)
    %while3A_128 = arith.constant 0 : i32
    %while3A_129 = arith.constant 0 : i32
    %while3A_130 = arith.subi %select_n3A_59, %while3A_128 : i32
    %while3A_131 = arith.addi %while3A_128, %while3A_130 : i32
    %while3A_132 = arith.constant 1 : i32
    %while3A_133 = arith.divsi %while3A_130, %while3A_132 : i32
    %while3A_134 = arith.muli %while3A_133, %while3A_132 : i32
    %while3A_135 = arith.addi %while3A_128, %while3A_134 : i32
    %while3A_136 = arith.constant 1 : i32
    %while3A_137 = scf.for %while3A_146 = %while3A_128 to %while3A_135 step %while3A_136 iter_args(%while3A_147 = %while3A_129) -> (i32)  : i32 {
      %mul3A_148 = arith.constant 128 : i32
      %mul3A_149 = arith.muli %while3A_146, %mul3A_148 : i32
      %add3A_150 = arith.addi %mul3A_30, %mul3A_149 : i32
      %add3A_151 = arith.constant 0 : i32
      %add3A_152 = arith.addi %add3A_150, %add3A_151 : i32
      %add3A_153 = vector.broadcast %add3A_152 : i32 to vector<16xi32>
      %add3A_154 = arith.addi %add3A_153, %iota3A : vector<16xi32>
      %swap3A = arith.constant 0 : index
      %swap3A_155 = tpu.vector_load %arg14[%swap3A] {strides = array<i32>} : memref<128xi32, #tpu.memory_space<vmem>>, vector<16xi32>,
      tpu.vector_store %arg14[%swap3A], %add3A_154 {strides = array<i32>} : memref<128xi32, #tpu.memory_space<vmem>>, vector<16xi32>,
      %add3A_156 = arith.constant 16 : i32
      %add3A_157 = arith.addi %add3A_150, %add3A_156 : i32
      %add3A_158 = vector.broadcast %add3A_157 : i32 to vector<16xi32>
      %add3A_159 = arith.addi %add3A_158, %iota3A : vector<16xi32>
      %swap3A_160 = arith.constant 16 : index
      %swap3A_161 = tpu.vector_load %arg14[%swap3A_160] {strides = array<i32>} : memref<128xi32, #tpu.memory_space<vmem>>, vector<16xi32>,
      tpu.vector_store %arg14[%swap3A_160], %add3A_159 {strides = array<i32>} : memref<128xi32, #tpu.memory_space<vmem>>, vector<16xi32>,
      %add3A_162 = arith.constant 32 : i32
      %add3A_163 = arith.addi %add3A_150, %add3A_162 : i32
      %add3A_164 = vector.broadcast %add3A_163 : i32 to vector<16xi32>
      %add3A_165 = arith.addi %add3A_164, %iota3A : vector<16xi32>
      %swap3A_166 = arith.constant 32 : index
      %swap3A_167 = tpu.vector_load %arg14[%swap3A_166] {strides = array<i32>} : memref<128xi32, #tpu.memory_space<vmem>>, vector<16xi32>,
      tpu.vector_store %arg14[%swap3A_166], %add3A_165 {strides = array<i32>} : memref<128xi32, #tpu.memory_space<vmem>>, vector<16xi32>,
      %add3A_168 = arith.constant 48 : i32
      %add3A_169 = arith.addi %add3A_150, %add3A_168 : i32
      %add3A_170 = vector.broadcast %add3A_169 : i32 to vector<16xi32>
      %add3A_171 = arith.addi %add3A_170, %iota3A : vector<16xi32>
      %swap3A_172 = arith.constant 48 : index
      %swap3A_173 = tpu.vector_load %arg14[%swap3A_172] {strides = array<i32>} : memref<128xi32, #tpu.memory_space<vmem>>, vector<16xi32>,
      tpu.vector_store %arg14[%swap3A_172], %add3A_171 {strides = array<i32>} : memref<128xi32, #tpu.memory_space<vmem>>, vector<16xi32>,
      %add3A_174 = arith.constant 64 : i32
      %add3A_175 = arith.addi %add3A_150, %add3A_174 : i32
      %add3A_176 = vector.broadcast %add3A_175 : i32 to vector<16xi32>
      %add3A_177 = arith.addi %add3A_176, %iota3A : vector<16xi32>
      %swap3A_178 = arith.constant 64 : index
      %swap3A_179 = tpu.vector_load %arg14[%swap3A_178] {strides = array<i32>} : memref<128xi32, #tpu.memory_space<vmem>>, vector<16xi32>,
      tpu.vector_store %arg14[%swap3A_178], %add3A_177 {strides = array<i32>} : memref<128xi32, #tpu.memory_space<vmem>>, vector<16xi32>,
      %add3A_180 = arith.constant 80 : i32
      %add3A_181 = arith.addi %add3A_150, %add3A_180 : i32
      %add3A_182 = vector.broadcast %add3A_181 : i32 to vector<16xi32>
      %add3A_183 = arith.addi %add3A_182, %iota3A : vector<16xi32>
      %swap3A_184 = arith.constant 80 : index
      %swap3A_185 = tpu.vector_load %arg14[%swap3A_184] {strides = array<i32>} : memref<128xi32, #tpu.memory_space<vmem>>, vector<16xi32>,
      tpu.vector_store %arg14[%swap3A_184], %add3A_183 {strides = array<i32>} : memref<128xi32, #tpu.memory_space<vmem>>, vector<16xi32>,
      %add3A_186 = arith.constant 96 : i32
      %add3A_187 = arith.addi %add3A_150, %add3A_186 : i32
      %add3A_188 = vector.broadcast %add3A_187 : i32 to vector<16xi32>
      %add3A_189 = arith.addi %add3A_188, %iota3A : vector<16xi32>
      %swap3A_190 = arith.constant 96 : index
      %swap3A_191 = tpu.vector_load %arg14[%swap3A_190] {strides = array<i32>} : memref<128xi32, #tpu.memory_space<vmem>>, vector<16xi32>,
      tpu.vector_store %arg14[%swap3A_190], %add3A_189 {strides = array<i32>} : memref<128xi32, #tpu.memory_space<vmem>>, vector<16xi32>,
      %add3A_192 = arith.constant 112 : i32
      %add3A_193 = arith.addi %add3A_150, %add3A_192 : i32
      %add3A_194 = vector.broadcast %add3A_193 : i32 to vector<16xi32>
      %add3A_195 = arith.addi %add3A_194, %iota3A : vector<16xi32>
      %swap3A_196 = arith.constant 112 : index
      %swap3A_197 = tpu.vector_load %arg14[%swap3A_196] {strides = array<i32>} : memref<128xi32, #tpu.memory_space<vmem>>, vector<16xi32>,
      tpu.vector_store %arg14[%swap3A_196], %add3A_195 {strides = array<i32>} : memref<128xi32, #tpu.memory_space<vmem>>, vector<16xi32>,
      "tpu.region"() ({
        %run_scoped3A = tpu.sem_alloc : memref<!tpu.dma_semaphore, #tpu.memory_space<semaphore_mem>>
        %dma_start3A_199 = tpu.memref_slice %arg5[%add3A_150] : memref<100352xf32, #tpu.memory_space<vmem>> -> memref<128xf32, #tpu.memory_space<vmem>>
        %dma_start3A_200 = arith.constant 0 : i32
        %dma_start3A_201 = tpu.memref_slice %arg19[%dma_start3A_200] : memref<100352xf32, #tpu.memory_space<vmem_shared>> -> memref<100352xf32, #tpu.memory_space<vmem_shared>>
        tpu.enqueue_indirect_dma source(%dma_start3A_199 : memref<128xf32, #tpu.memory_space<vmem>>) target(%dma_start3A_201 : memref<100352xf32, #tpu.memory_space<vmem_shared>>) offsets(%arg14 : memref<128xi32, #tpu.memory_space<vmem>>) semaphore(%run_scoped3A : memref<!tpu.dma_semaphore, #tpu.memory_space<semaphore_mem>>) {add = true}
        %dma_wait3A = tpu.memref_slice %arg5[%add3A_150] : memref<100352xf32, #tpu.memory_space<vmem>> -> memref<128xf32, #tpu.memory_space<vmem>>
        %dma_wait3A_202 = arith.constant 0 : i32
        %dma_wait3A_203 = tpu.memref_slice %arg19[%dma_wait3A_202] : memref<100352xf32, #tpu.memory_space<vmem_shared>> -> memref<100352xf32, #tpu.memory_space<vmem_shared>>
        tpu.wait_indirect_dma semaphore(%run_scoped3A : memref<!tpu.dma_semaphore, #tpu.memory_space<semaphore_mem>>) src(%dma_wait3A : memref<128xf32, #tpu.memory_space<vmem>>) dst(%dma_wait3A_203 : memref<100352xf32, #tpu.memory_space<vmem_shared>>)
        tpu.yield
      }) : () -> ()
      %while3A_198 = arith.constant 0 : i32
      scf.yield %while3A_198 : i32
    }
    %while3A_138 = arith.constant 1 : i32
    %while3A_139 = scf.for %while3A_146 = %while3A_135 to %while3A_131 step %while3A_138 iter_args(%while3A_147 = %while3A_137) -> (i32)  : i32 {
      %mul3A_148 = arith.constant 128 : i32
      %mul3A_149 = arith.muli %while3A_146, %mul3A_148 : i32
      %add3A_150 = arith.addi %mul3A_30, %mul3A_149 : i32
      %add3A_151 = arith.constant 0 : i32
      %add3A_152 = arith.addi %add3A_150, %add3A_151 : i32
      %add3A_153 = vector.broadcast %add3A_152 : i32 to vector<16xi32>
      %add3A_154 = arith.addi %add3A_153, %iota3A : vector<16xi32>
      %swap3A = arith.constant 0 : index
      %swap3A_155 = tpu.vector_load %arg14[%swap3A] {strides = array<i32>} : memref<128xi32, #tpu.memory_space<vmem>>, vector<16xi32>,
      tpu.vector_store %arg14[%swap3A], %add3A_154 {strides = array<i32>} : memref<128xi32, #tpu.memory_space<vmem>>, vector<16xi32>,
      %add3A_156 = arith.constant 16 : i32
      %add3A_157 = arith.addi %add3A_150, %add3A_156 : i32
      %add3A_158 = vector.broadcast %add3A_157 : i32 to vector<16xi32>
      %add3A_159 = arith.addi %add3A_158, %iota3A : vector<16xi32>
      %swap3A_160 = arith.constant 16 : index
      %swap3A_161 = tpu.vector_load %arg14[%swap3A_160] {strides = array<i32>} : memref<128xi32, #tpu.memory_space<vmem>>, vector<16xi32>,
      tpu.vector_store %arg14[%swap3A_160], %add3A_159 {strides = array<i32>} : memref<128xi32, #tpu.memory_space<vmem>>, vector<16xi32>,
      %add3A_162 = arith.constant 32 : i32
      %add3A_163 = arith.addi %add3A_150, %add3A_162 : i32
      %add3A_164 = vector.broadcast %add3A_163 : i32 to vector<16xi32>
      %add3A_165 = arith.addi %add3A_164, %iota3A : vector<16xi32>
      %swap3A_166 = arith.constant 32 : index
      %swap3A_167 = tpu.vector_load %arg14[%swap3A_166] {strides = array<i32>} : memref<128xi32, #tpu.memory_space<vmem>>, vector<16xi32>,
      tpu.vector_store %arg14[%swap3A_166], %add3A_165 {strides = array<i32>} : memref<128xi32, #tpu.memory_space<vmem>>, vector<16xi32>,
      %add3A_168 = arith.constant 48 : i32
      %add3A_169 = arith.addi %add3A_150, %add3A_168 : i32
      %add3A_170 = vector.broadcast %add3A_169 : i32 to vector<16xi32>
      %add3A_171 = arith.addi %add3A_170, %iota3A : vector<16xi32>
      %swap3A_172 = arith.constant 48 : index
      %swap3A_173 = tpu.vector_load %arg14[%swap3A_172] {strides = array<i32>} : memref<128xi32, #tpu.memory_space<vmem>>, vector<16xi32>,
      tpu.vector_store %arg14[%swap3A_172], %add3A_171 {strides = array<i32>} : memref<128xi32, #tpu.memory_space<vmem>>, vector<16xi32>,
      %add3A_174 = arith.constant 64 : i32
      %add3A_175 = arith.addi %add3A_150, %add3A_174 : i32
      %add3A_176 = vector.broadcast %add3A_175 : i32 to vector<16xi32>
      %add3A_177 = arith.addi %add3A_176, %iota3A : vector<16xi32>
      %swap3A_178 = arith.constant 64 : index
      %swap3A_179 = tpu.vector_load %arg14[%swap3A_178] {strides = array<i32>} : memref<128xi32, #tpu.memory_space<vmem>>, vector<16xi32>,
      tpu.vector_store %arg14[%swap3A_178], %add3A_177 {strides = array<i32>} : memref<128xi32, #tpu.memory_space<vmem>>, vector<16xi32>,
      %add3A_180 = arith.constant 80 : i32
      %add3A_181 = arith.addi %add3A_150, %add3A_180 : i32
      %add3A_182 = vector.broadcast %add3A_181 : i32 to vector<16xi32>
      %add3A_183 = arith.addi %add3A_182, %iota3A : vector<16xi32>
      %swap3A_184 = arith.constant 80 : index
      %swap3A_185 = tpu.vector_load %arg14[%swap3A_184] {strides = array<i32>} : memref<128xi32, #tpu.memory_space<vmem>>, vector<16xi32>,
      tpu.vector_store %arg14[%swap3A_184], %add3A_183 {strides = array<i32>} : memref<128xi32, #tpu.memory_space<vmem>>, vector<16xi32>,
      %add3A_186 = arith.constant 96 : i32
      %add3A_187 = arith.addi %add3A_150, %add3A_186 : i32
      %add3A_188 = vector.broadcast %add3A_187 : i32 to vector<16xi32>
      %add3A_189 = arith.addi %add3A_188, %iota3A : vector<16xi32>
      %swap3A_190 = arith.constant 96 : index
      %swap3A_191 = tpu.vector_load %arg14[%swap3A_190] {strides = array<i32>} : memref<128xi32, #tpu.memory_space<vmem>>, vector<16xi32>,
      tpu.vector_store %arg14[%swap3A_190], %add3A_189 {strides = array<i32>} : memref<128xi32, #tpu.memory_space<vmem>>, vector<16xi32>,
      %add3A_192 = arith.constant 112 : i32
      %add3A_193 = arith.addi %add3A_150, %add3A_192 : i32
      %add3A_194 = vector.broadcast %add3A_193 : i32 to vector<16xi32>
      %add3A_195 = arith.addi %add3A_194, %iota3A : vector<16xi32>
      %swap3A_196 = arith.constant 112 : index
      %swap3A_197 = tpu.vector_load %arg14[%swap3A_196] {strides = array<i32>} : memref<128xi32, #tpu.memory_space<vmem>>, vector<16xi32>,
      tpu.vector_store %arg14[%swap3A_196], %add3A_195 {strides = array<i32>} : memref<128xi32, #tpu.memory_space<vmem>>, vector<16xi32>,
      "tpu.region"() ({
        %run_scoped3A = tpu.sem_alloc : memref<!tpu.dma_semaphore, #tpu.memory_space<semaphore_mem>>
        %dma_start3A_199 = tpu.memref_slice %arg5[%add3A_150] : memref<100352xf32, #tpu.memory_space<vmem>> -> memref<128xf32, #tpu.memory_space<vmem>>
        %dma_start3A_200 = arith.constant 0 : i32
        %dma_start3A_201 = tpu.memref_slice %arg19[%dma_start3A_200] : memref<100352xf32, #tpu.memory_space<vmem_shared>> -> memref<100352xf32, #tpu.memory_space<vmem_shared>>
        tpu.enqueue_indirect_dma source(%dma_start3A_199 : memref<128xf32, #tpu.memory_space<vmem>>) target(%dma_start3A_201 : memref<100352xf32, #tpu.memory_space<vmem_shared>>) offsets(%arg14 : memref<128xi32, #tpu.memory_space<vmem>>) semaphore(%run_scoped3A : memref<!tpu.dma_semaphore, #tpu.memory_space<semaphore_mem>>) {add = true}
        %dma_wait3A = tpu.memref_slice %arg5[%add3A_150] : memref<100352xf32, #tpu.memory_space<vmem>> -> memref<128xf32, #tpu.memory_space<vmem>>
        %dma_wait3A_202 = arith.constant 0 : i32
        %dma_wait3A_203 = tpu.memref_slice %arg19[%dma_wait3A_202] : memref<100352xf32, #tpu.memory_space<vmem_shared>> -> memref<100352xf32, #tpu.memory_space<vmem_shared>>
        tpu.wait_indirect_dma semaphore(%run_scoped3A : memref<!tpu.dma_semaphore, #tpu.memory_space<semaphore_mem>>) src(%dma_wait3A : memref<128xf32, #tpu.memory_space<vmem>>) dst(%dma_wait3A_203 : memref<100352xf32, #tpu.memory_space<vmem_shared>>)
        tpu.yield
      }) : () -> ()
      %while3A_198 = arith.constant 0 : i32
      scf.yield %while3A_198 : i32
    }
    %barrier3A_140 = arith.constant 0 : index
    tpu.barrier barrier_id(%barrier3A_140)
    %mul3A_141 = arith.constant 6272 : i32
    %mul3A_142 = arith.muli %arg1, %mul3A_141 : i32
    "tpu.region"() ({
      %run_scoped3A = tpu.sem_alloc : memref<!tpu.dma_semaphore, #tpu.memory_space<semaphore_mem>>
      %dma_start3A_146 = arith.constant 0 : i32
      %dma_start3A_147 = tpu.memref_slice %arg5[%dma_start3A_146] : memref<100352xf32, #tpu.memory_space<vmem>> -> memref<6272xf32, #tpu.memory_space<vmem>>
      %dma_start3A_148 = tpu.memref_slice %arg19[%mul3A_142] : memref<100352xf32, #tpu.memory_space<vmem_shared>> -> memref<6272xf32, #tpu.memory_space<vmem_shared>>
      %dma_start3A_149 = arith.constant 0 : i32
      %dma_start3A_150 = tpu.memref_slice %arg5[%dma_start3A_149] : memref<100352xf32, #tpu.memory_space<vmem>> -> memref<6272xf32, #tpu.memory_space<vmem>>
      %dma_start3A_151 = tpu.memref_slice %arg19[%mul3A_142] : memref<100352xf32, #tpu.memory_space<vmem_shared>> -> memref<6272xf32, #tpu.memory_space<vmem_shared>>
      tpu.enqueue_dma source(%dma_start3A_151 : memref<6272xf32, #tpu.memory_space<vmem_shared>>) target(%dma_start3A_150 : memref<6272xf32, #tpu.memory_space<vmem>>) target_semaphore(%run_scoped3A : memref<!tpu.dma_semaphore, #tpu.memory_space<semaphore_mem>>)
      %dma_wait3A = arith.constant 0 : i32
      %dma_wait3A_152 = tpu.memref_slice %arg5[%dma_wait3A] : memref<100352xf32, #tpu.memory_space<vmem>> -> memref<6272xf32, #tpu.memory_space<vmem>>
      %dma_wait3A_153 = tpu.memref_slice %arg19[%mul3A_142] : memref<100352xf32, #tpu.memory_space<vmem_shared>> -> memref<6272xf32, #tpu.memory_space<vmem_shared>>
      %dma_wait3A_154 = arith.constant 0 : i32
      %dma_wait3A_155 = tpu.memref_slice %arg5[%dma_wait3A_154] : memref<100352xf32, #tpu.memory_space<vmem>> -> memref<6272xf32, #tpu.memory_space<vmem>>
      %dma_wait3A_156 = tpu.memref_slice %arg19[%mul3A_142] : memref<100352xf32, #tpu.memory_space<vmem_shared>> -> memref<6272xf32, #tpu.memory_space<vmem_shared>>
      tpu.wait_dma2 semaphore(%run_scoped3A : memref<!tpu.dma_semaphore, #tpu.memory_space<semaphore_mem>>) src(%dma_wait3A_156 : memref<6272xf32, #tpu.memory_space<vmem_shared>>) dst(%dma_wait3A_155 : memref<6272xf32, #tpu.memory_space<vmem>>)
      tpu.yield
    }) : () -> ()
    %mul3A_143 = arith.constant 100352 : i32
    %mul3A_144 = arith.muli %arg0, %mul3A_143 : i32
    %add3A_145 = arith.addi %mul3A_144, %mul3A_142 : i32
    "tpu.region"() ({
      %run_scoped3A = tpu.sem_alloc : memref<!tpu.dma_semaphore, #tpu.memory_space<semaphore_mem>>
      %dma_start3A_146 = arith.constant 0 : i32
      %dma_start3A_147 = tpu.memref_slice %arg5[%dma_start3A_146] : memref<100352xf32, #tpu.memory_space<vmem>> -> memref<6272xf32, #tpu.memory_space<vmem>>
      %dma_start3A_148 = tpu.memref_slice %arg4[%add3A_145] : memref<200704xf32, #tpu.memory_space<hbm>> -> memref<6272xf32, #tpu.memory_space<hbm>>
      %dma_start3A_149 = tpu.memref_slice %arg4[%add3A_145] : memref<200704xf32, #tpu.memory_space<hbm>> -> memref<6272xf32, #tpu.memory_space<hbm>>
      %dma_start3A_150 = arith.constant 0 : i32
      %dma_start3A_151 = tpu.memref_slice %arg5[%dma_start3A_150] : memref<100352xf32, #tpu.memory_space<vmem>> -> memref<6272xf32, #tpu.memory_space<vmem>>
      tpu.enqueue_dma source(%dma_start3A_151 : memref<6272xf32, #tpu.memory_space<vmem>>) target(%dma_start3A_149 : memref<6272xf32, #tpu.memory_space<hbm>>) target_semaphore(%run_scoped3A : memref<!tpu.dma_semaphore, #tpu.memory_space<semaphore_mem>>)
      %dma_wait3A = arith.constant 0 : i32
      %dma_wait3A_152 = tpu.memref_slice %arg5[%dma_wait3A] : memref<100352xf32, #tpu.memory_space<vmem>> -> memref<6272xf32, #tpu.memory_space<vmem>>
      %dma_wait3A_153 = tpu.memref_slice %arg4[%add3A_145] : memref<200704xf32, #tpu.memory_space<hbm>> -> memref<6272xf32, #tpu.memory_space<hbm>>
      %dma_wait3A_154 = tpu.memref_slice %arg4[%add3A_145] : memref<200704xf32, #tpu.memory_space<hbm>> -> memref<6272xf32, #tpu.memory_space<hbm>>
      %dma_wait3A_155 = arith.constant 0 : i32
      %dma_wait3A_156 = tpu.memref_slice %arg5[%dma_wait3A_155] : memref<100352xf32, #tpu.memory_space<vmem>> -> memref<6272xf32, #tpu.memory_space<vmem>>
      tpu.wait_dma2 semaphore(%run_scoped3A : memref<!tpu.dma_semaphore, #tpu.memory_space<semaphore_mem>>) src(%dma_wait3A_156 : memref<6272xf32, #tpu.memory_space<vmem>>) dst(%dma_wait3A_154 : memref<6272xf32, #tpu.memory_space<hbm>>)
      tpu.yield
    }) : () -> ()
    return
  }
}

module attributes {stable_mosaic.version = 14 : i64} {
  func.func @_add_body(%arg0: memref<2x784x128xf32, #tpu.memory_space<vmem>>, %arg1: memref<784x128xf32, #tpu.memory_space<vmem>>) attributes {dimension_semantics = [], scalar_prefetch = 0 : i64, scratch_operands = 0 : i64, tpu.core_type = #tpu.core_type<tc>} {
    %get3A = arith.constant 0 : index
    %get3A_0 = arith.constant 0 : index
    %get3A_1 = arith.constant 0 : index
    %get3A_2 = vector.load %arg0[%get3A, %get3A_0, %get3A_1] : memref<2x784x128xf32, #tpu.memory_space<vmem>>, vector<1x784x128xf32>
    %get3A_3 = vector.shape_cast %get3A_2 : vector<1x784x128xf32> to vector<784x128xf32>
    %get3A_4 = arith.constant 1 : index
    %get3A_5 = arith.constant 0 : index
    %get3A_6 = arith.constant 0 : index
    %get3A_7 = vector.load %arg0[%get3A_4, %get3A_5, %get3A_6] : memref<2x784x128xf32, #tpu.memory_space<vmem>>, vector<1x784x128xf32>
    %get3A_8 = vector.shape_cast %get3A_7 : vector<1x784x128xf32> to vector<784x128xf32>
    %add3A = arith.addf %get3A_3, %get3A_8 : vector<784x128xf32>
    %swap3A = arith.constant 0 : index
    %swap3A_9 = arith.constant 0 : index
    %swap3A_10 = vector.load %arg1[%swap3A, %swap3A_9] : memref<784x128xf32, #tpu.memory_space<vmem>>, vector<784x128xf32>
    tpu.vector_store %arg1[%swap3A, %swap3A_9], %add3A {strides = array<i32>} : memref<784x128xf32, #tpu.memory_space<vmem>>, vector<784x128xf32>,
    return
  }
}

</mosaic_0001>

<sc_bundles>
// kernel: kernel.4.cloned.1.call-start
scs
__scs_entry_jumppad:
0x0: {  	(pc) =	sbr.rel $0x88, $3  }
0x1: {  	(tag) =	ssettag $0x0;
	lr =	simm.s32 $0x1  }
0x2: {  	[smem:$0x3F9F] =	sst lr;
	_ =	strace $0xD0000000  }
0x3: {  	_ = 	snop  }
0x4: {  	_ = 	snop  }
0x5: {  	_ = 	snop  }
0x6: {  	_ = 	snop  }
0x7: {  	_ = 	snop  }
__scs_overlays_trampoline_lowered:
0x8: {  	[smem:$0x3FAE] =	sst s0  }
0x9: {  	[smem:$0x3FAF] =	sst s1  }
0xa: {  	[smem:$0x3FB0] =	sst s2  }
0xb: {  	[smem:$0x3FB1] =	sst s3  }
0xc: {  	[smem:$0x3FB2] =	sst s4  }
0xd: {  	[smem:$0x3FB3] =	sst s5  }
0xe: {  	[smem:$0x3FB4] =	sst s6  }
0xf: {  	[smem:$0x3FB5] =	sst s7  }
0x10: {  	[smem:$0x3FB6] =	sst s8  }
0x11: {  	[smem:$0x3FB7] =	sst s9;
	s0 =	simm.s32 @!p0 $0x0  }
0x12: {  	s1 =	sld [smem:$0x3F9D];
	s0 =	simm.s32 @p0 $0x1  }
0x13: {  	[smem:$0x3FB8] =	sst s0;
	s0 =	simm.s32 @!p1 $0x0  }
0x14: {  	s2 =	sld [smem:$0x3F9C];
	s0 =	simm.s32 @p1 $0x1  }
0x15: {  	[smem:$0x3FB9] =	sst s0;
	s0 =	simm.s32 @!p2 $0x0  }
0x16: {  	s3 =	sld [smem:$0x3FDB];
	s0 =	simm.s32 @p2 $0x1  }
0x17: {  	s4 =	simm.s32 $0x1BF5;
	[smem:$0x3FBB] =	sst s0  }
0x18: {  	s0 =	sld [smem:$0x3F9E];
	_ =	swait.ge [sflag:s4], $0x0  }
0x19: {  	s7 =	sld [smem:$0x3F9F]  }
0x1a: {  	s8 =	sadd.s32 $0xFFFFE003, lr  }
0x1b: {  	s9 =	sadd.s32 $0xFFFFFEF7, lr;
	s5 =	simm.s32 $0xFFFFFFFF;
	p2 =	slt.u32 s8, $0xFFFFF086  }
0x1c: {  	p1 =	slt.u32 s9, $0xF7A;
	s5 =	simm.s32 @!p2 $0x0  }
0x1d: {  	s5 =	simm.s32 @p1 $0x1;
	p0 =	seq.s32 s7, s2  }
0x1e: {  	s7 =	smul.u32 @!p0 $0xF7A, s2;
	p2 =	seq.s32 @!p0 s5, $0x0  }
0x1f: {  	s9 =	smul.u32 $0xF7A, s1;
	s8 =	simm.s32 @!p0 $0x1BF5;
	p2 =	por !p2, p0  }
0x20: {  	[sflag:s8] =	ssyncset.s32 @!p0 $0xFFFFF086;
	s6 =	sadd.s32 @!p0 s3, s7;
	s7 =	simm.s32 @!p0 $0x108  }
0x21: {  	s3 =	sadd.s32 s3, s9;
	s6 =	sadd.s32 @!p0 $0x88, s6;
	s7 =	simm.s32 @p2 $0x1082  }
0x22: {  	[simem:s7], [sflag:s8] =	dma.local @!p0 [hbm:s6], $0xF7A  }
0x23: {  	s9 =	sor.u32 $0xD0000000, s2;
	s6 =	simm.s32 $0x108;
	_ =	swait.ge @!p0 [sflag:s8], $0x0  }
0x24: {  	s3 =	sadd.s32 $0x88, s3;
	s6 =	simm.s32 @!p1 $0x1082;
	[sflag:s4] =	ssyncset.s32 $0xFFFFF086  }
0x25: {  	[simem:s6], [sflag:s4] =	dma.local [hbm:s3], $0xF7A  }
0x26: {  	[smem:$0x3F9F] =	sst s1;
	(tag) =	ssettag s2;
	_ =	strace s9  }
0x27: {  	s1 =	sld [smem:$0x3FAF]  }
0x28: {  	s2 =	sld [smem:$0x3FB0]  }
0x29: {  	s4 =	sld [smem:$0x3FB2]  }
0x2a: {  	p0 =	seq.s32 s5, $0x0;
	s5 =	sld [smem:$0x3FB3]  }
0x2b: {  	s6 =	sld [smem:$0x3FB4]  }
0x2c: {  	s7 =	sld [smem:$0x3FB5]  }
0x2d: {  	s3 =	simm.s32 $0x108;
	s8 =	sld [smem:$0x3FB6]  }
0x2e: {  	s3 =	simm.s32 @!p0 $0x1082;
	s9 =	sld [smem:$0x3FB7]  }
0x2f: {  	lr =	sadd.s32 s0, s3;
	s0 =	sld [smem:$0x3FAE]  }
0x30: {  	s3 =	sld [smem:$0x3FB1]  }
0x31: {  	[smem:$0x3FBA] =	sst s10  }
0x32: {  	s10 =	sld [smem:$0x3FB8];
	_ =	sdelay $0x3  }
0x33: {  	p0 =	seq.s32 s10, $0x1;
	s10 =	sld [smem:$0x3FBA];
	_ =	sdelay $0x3  }
0x34: {  	[smem:$0x3FBA] =	sst s10  }
0x35: {  	s10 =	sld [smem:$0x3FB9];
	_ =	sdelay $0x3  }
0x36: {  	p1 =	seq.s32 s10, $0x1;
	s10 =	sld [smem:$0x3FBA];
	_ =	sdelay $0x3  }
0x37: {  	[smem:$0x3FBA] =	sst s10  }
0x38: {  	s10 =	sld [smem:$0x3FBB]  }
0x39: {  	_ = 	snop;
	(pc) =	sbr.ind lr, $3  }
0x3a: {  	_ = 	snop  }
0x3b: {  	_ = 	snop  }
0x3c: {  	p2 =	seq.s32 s10, $0x1;
	s10 =	sld [smem:$0x3FBA]  }
0x3d: {  	_ =	shalt  }
0x3e: {  	_ =	shalt  }
0x3f: {  	_ =	shalt  }
0x40: {  	_ =	shalt  }
0x41: {  	_ =	shalt  }
0x42: {  	_ =	shalt  }
0x43: {  	_ =	shalt  }
0x44: {  	_ =	shalt  }
0x45: {  	_ =	shalt  }
0x46: {  	_ =	shalt  }
0x47: {  	_ =	shalt  }
0x48: {  	_ =	shalt  }
0x49: {  	_ =	shalt  }
0x4a: {  	_ =	shalt  }
0x4b: {  	_ =	shalt  }
0x4c: {  	_ =	shalt  }
0x4d: {  	_ =	shalt  }
0x4e: {  	_ =	shalt  }
0x4f: {  	_ =	shalt  }
0x50: {  	_ =	shalt  }
0x51: {  	_ =	shalt  }
0x52: {  	_ =	shalt  }
0x53: {  	_ =	shalt  }
0x54: {  	_ =	shalt  }
0x55: {  	_ =	shalt  }
0x56: {  	_ =	shalt  }
0x57: {  	_ =	shalt  }
0x58: {  	_ =	shalt  }
0x59: {  	_ =	shalt  }
0x5a: {  	_ =	shalt  }
0x5b: {  	_ =	shalt  }
0x5c: {  	_ =	shalt  }
0x5d: {  	_ =	shalt  }
0x5e: {  	_ =	shalt  }
0x5f: {  	_ =	shalt  }
0x60: {  	_ =	shalt  }
0x61: {  	_ =	shalt  }
0x62: {  	_ =	shalt  }
0x63: {  	_ =	shalt  }
0x64: {  	_ =	shalt  }
0x65: {  	_ =	shalt  }
0x66: {  	_ =	shalt  }
0x67: {  	_ =	shalt  }
0x68: {  	_ =	shalt  }
0x69: {  	_ =	shalt  }
0x6a: {  	_ =	shalt  }
0x6b: {  	_ =	shalt  }
0x6c: {  	_ =	shalt  }
0x6d: {  	_ =	shalt  }
0x6e: {  	_ =	shalt  }
0x6f: {  	_ =	shalt  }
0x70: {  	_ =	shalt  }
0x71: {  	_ =	shalt  }
0x72: {  	_ =	shalt  }
0x73: {  	_ =	shalt  }
0x74: {  	_ =	shalt  }
0x75: {  	_ =	shalt  }
0x76: {  	_ =	shalt  }
0x77: {  	_ =	shalt  }
0x78: {  	_ =	shalt  }
0x79: {  	_ =	shalt  }
0x7a: {  	_ =	shalt  }
0x7b: {  	_ =	shalt  }
0x7c: {  	_ =	shalt  }
0x7d: {  	_ =	shalt  }
0x7e: {  	_ =	shalt  }
0x7f: {  	_ =	shalt  }
0x80: {  	_ =	shalt  }
0x81: {  	_ =	shalt  }
0x82: {  	_ =	shalt  }
0x83: {  	_ =	shalt  }
0x84: {  	_ =	shalt  }
0x85: {  	_ =	shalt  }
0x86: {  	_ =	shalt  }
0x87: {  	_ =	shalt  }
.Lfunc_end0:
.L_simem_size_0:
called_computation_lowered:
.L_overlay_start_0:
0x88: {  	s2 =	sld [smem:$0x3FD9]  }
0x89: {  	s3 =	sld [smem:$0x3FFE];
	_ =	sdelay $0x1  }
0x8a: {  	s1 =	srdreg.scid  }
0x8b: {  	s0 =	sand.u32 $0x1, s1  }
0x8c: {  	s17 =	sshll.u32 s0, $0xA;
	s2 =	sadd.s32 s3, s2  }
0x8d: {  	s2 =	sadd.s32 s2, s17  }
0x8e: {  	[smem:$0x3FC6] =	sst s2  }
0x8f: {  	_ = 	snop  }
0x90: {  	s2 =	sld [smem:$0x3FC9]  }
0x91: {  	s18 =	sld [smem:$0x3FC8];
	(tm) =	ssettm $0x1  }
0x92: {  	s4 =	sld [smem:$0x3FFB];
	_ =	sdelay $0x3  }
0x93: {  	_ =	strace s4  }
0x94: {  	s4 =	sld [smem:$0x3FFC];
	_ =	sdelay $0x3  }
0x95: {  	_ =	strace s4  }
0x96: {  	s4 =	sld [smem:$0x3FFD];
	_ =	sdelay $0x3  }
0x97: {  	_ =	strace s4  }
0x98: {  	_ =	strace $0x8FFFFFFF  }
0x99: {  	s19 =	sld [smem:$0x3FDB];
	_ =	sdelay $0x1  }
0x9a: {  	s5 =	simm.s32 $_scs_section_size  }
0x9b: {  	s6 =	simm.s32 $_size__tile_overlayer_lowered;
	s7 =	simm.s32 $_tile_overlayer_lowered  }
0x9c: {  	s22 =	simm.s32 $0x1BFF;
	s21 =	sshll.u32 s7, $0x1;
	s4 =	sadd.s32 s5, s19  }
0x9d: {  	s8 =	simm.s32 $0x0;
	s20 =	sshll.u32 s6, $0x1;
	s6 =	sadd.s32 s21, s4  }
0x9e: {  	[timem:s8], [sflag:s22] =	dma.local [hbm:s6], s20  }
0x9f: {  	_ =	swait.ge [sflag:s22], s20  }
0xa0: {  	s5 =	ssub.s32 $0x0, s20;
	[sflag:s22] =	ssyncset.done $0x0  }
0xa1: {  	[sflag:s22] =	ssyncadd.s32 s5;
	_ =	sdelay $0x1  }
0xa2: {  	s23 =	simm.s32 $0x1B8B  }
0xa3: {  	_ =	swait.ge [sflag:s23], $0x1  }
0xa4: {  	[sflag:s23] =	ssyncset.done $0x0  }
0xa5: {  	s25 =	simm.s32 $0x1B8E;
	s24 =	sld [smem:$0x3FFE];
	[sflag:s23] =	ssyncadd.s32 $0xFFFFFFFF  }
0xa6: {  	s26 =	simm.s32 $execute0_lowered;
	[smem:$0x3FD2] =	sst s25  }
0xa7: {  	s6 =	sshll.u32 s26, $0x1;
	_ =	strace $0x80000046;
	[dreg:$0x1] =	wrdreg $0xFFFFFFFF  }
0xa8: {  	s28 =	simm.s32 $_size_execute0_lowered;
	s4 =	sadd.s32 s4, s6;
	[dreg:$0x0] =	wrdreg $0x0  }
0xa9: {  	s6 =	sshll.u32 s28, $0x1;
	[dreg:$0x2] =	wrdreg s4  }
0xaa: {  	[dreg:$0x3] =	wrdreg s6  }
0xab: {  	[dreg:$0x4] =	wrdreg $0xC0  }
0xac: {  	_ =	task [dreg:s8], $0x5FFFF  }
0xad: {  	[dreg:$0x1] =	wrdreg $0xFFFFFFFF  }
0xae: {  	[dreg:$0x0] =	wrdreg $0x60  }
0xaf: {  	[dreg:$0x2] =	wrdreg s2  }
0xb0: {  	[dreg:$0x3] =	wrdreg s18  }
0xb1: {  	[dreg:$0x4] =	wrdreg s24  }
0xb2: {  	[dreg:$0x5] =	wrdreg $0x1C7000  }
0xb3: {  	[dreg:$0x6] =	wrdreg $0x9  }
0xb4: {  	_ =	task.clear_ibuf [dreg:s8], $0x7FFFF;
	_ =	strace $0x90000046  }
0xb5: {  	s29 =	simm.s32 $0x9;
	_ =	strace $0x80000048  }
0xb6: {  	_ =	swait.ge [sflag:s29], $0x1  }
0xb7: {  	[sflag:s29] =	ssyncadd.s32 $0xFFFFFFFF  }
0xb8: {  	_ =	strace $0x90000048  }
0xb9: {  	_ =	sfence  }
0xba: {  	s30 =	sld [smem:$0x0];
	_ =	sdelay $0x2  }
0xbb: {  	s31 =	sshll.u32 s1, $0xD;
	s1 =	sshrl.u32 s1, $0x2  }
0xbc: {  	s3 =	sand.u32 $0x4000, s31;
	s1 =	sadd.s32 s1, s30  }
0xbd: {  	s0 =	sor.u32 s3, s0;
	s1 =	sshll.u32 s1, $0x11  }
0xbe: {  	s0 =	sor.u32 s1, s0  }
0xbf: {  	s0 =	sadd.s32 $0x8F2B, s0  }
0xc0: {  	[sflag:s0] =	ssyncadd.remote.s32 $0x1  }
0xc1: {  	_ =	sfence.sel $0xFFFF  }
0xc2: {  	[dreg:$0x0] =	wrdreg $0xFFFFFFFF;
	(pc) =	sbr.abs _section_cstart, $3  }
0xc3: {  	[dreg:$0x1] =	wrdreg $0xFFFFFFFF  }
0xc4: {  	_ =	task.clear_ibuf [dreg:s8], $0x2FFFF;
	_ =	strace $0x9FFFFFFF  }
0xc5: {  	(tm) =	ssettm $0x7FFFFFFF  }
tec
execute0_lowered:
.L_overlay_start_1:
0x0: {  	(tag) =	ssettag $0x1  }
0x1: {  	s1 =	rddreg [dreg:$0x0]  }
0x2: {  	s2 =	rddreg [dreg:$0x1]  }
0x3: {  	s0 =	srdreg.scid;
	s3 =	rddreg [dreg:$0x2]  }
0x4: {  	s9 =	stileid.u32;
	s4 =	rddreg [dreg:$0x3]  }
0x5: {  	s5 =	simm.s32 $0x0;
	s29 =	simm.s32 $0x1;
	s30 =	simm.s32 $0x18800  }
0x6: {  	s31 =	simm.s32 $0x197A0;
	s28 =	simm.s32 $0x1AF10;
	s12 =	simm.s32 $0x80  }
0x7: {  	s13 =	simm.s32 $0x1C680;
	s0 =	sand.u32 $0x1, s0;
	s7 =	smul.u32 $0x1880, s9  }
0x8: {  	s14 =	simm.s32 $0x0;
	[smem:$0x7FF] =	sst s5;
	s6 =	smul.u32 $0x18800, s0  }
0x9: {  	s8 =	sshll.u32 s0, $0x4;
	_ =	strace $0x80000047;
	s0 =	ssub.s32 $0x2, s0  }
0xa: {  	s8 =	sor.u32 s9, s8;
	s17 =	sshrl.u32 s0, $0x1;
	s6 =	sadd.s32 s7, s6  }
0xb: {  	s8 =	smul.u32 $0x30D40, s8;
	s0 =	ssub.s32 s0, s17;
	s7 =	sadd.s32 s7, s4  }
0xc: {  	s6 =	sshrl.u32 s6, $0x3;
	s19 =	sadd.s32 $0x7D0, s7;
	[dreg:$0x6] =	wrdreg s7  }
0xd: {  	s20 =	sadd.s32 $0xFA0, s7;
	s21 =	sadd.s32 $0x1770, s7;
	[dreg:$0x8] =	wrdreg s19  }
0xe: {  	s0 =	smax.u32 s0, $0x1;
	s3 =	sadd.s32 s6, s3;
	[dreg:$0x9] =	wrdreg s20  }
0xf: {  	s18 =	sshrl.u32 s8, $0x3;
	[dreg:$0xa] =	wrdreg s21;
	s19 =	sadd.s32 $0x1F40, s8  }
0x10: {  	s20 =	sadd.s32 $0x2710, s8;
	s21 =	sadd.s32 $0x2EE0, s8;
	[dreg:$0x13] =	wrdreg s0  }
0x11: {  	s0 =	simm.s32 $0x1A740;
	s6 =	sadd.s32 s2, s18;
	s22 =	sadd.s32 s1, s18  }
0x12: {  	s23 =	sadd.s32 $0xFA, s18;
	s3 =	sadd.s32 $0x600, s3;
	[dreg:$0xb] =	wrdreg s22  }
0x13: {  	s24 =	sadd.s32 $0x1F4, s18;
	s9 =	sadd.s32 $0x2EE, s18;
	[dreg:$0x12] =	wrdreg s3  }
0x14: {  	s10 =	sadd.s32 $0x61A6, s6;
	s11 =	sadd.s32 s1, s23;
	[dreg:$0x5] =	wrdreg s6  }
0x15: {  	s25 =	sadd.s32 s1, s24;
	s26 =	sadd.s32 s1, s9;
	[dreg:$0x7] =	wrdreg s10  }
0x16: {  	s9 =	sadd.s32 s2, s9;
	s22 =	sadd.s32 $0x36B0, s8;
	[dreg:$0xc] =	wrdreg s11  }
.Ltmp0:
0x17: {  	s3 =	simm.s32 $0x19F70;
	[dreg:$0xe] =	wrdreg s25;
	(pc) =	sbr.rel .LBB2_1-.Ltmp0, $4  }
0x18: {  	s8 =	simm.s32 $0x1B6E0;
	s10 =	sadd.s32 s2, s23;
	[dreg:$0x10] =	wrdreg s26  }
0x19: {  	[dreg:$0x11] =	wrdreg s9;
	s25 =	simm.s32 $0x18FD0;
	s26 =	simm.s32 $0x5  }
0x1a: {  	v0 =	vlaneseq.u32;
	s9 =	simm.s32 $0x1BEB0;
	[dreg:$0xd] =	wrdreg s10;
	s10 =	sadd.s32 s2, s24  }
0x1b: {  	v1 =	vimm.f32 $0.0e+00;
	v2 =	vmul.u32 $0x7D, v0;
	s11 =	simm.s32 $0x3;
	[dreg:$0xf] =	wrdreg s10;
	s10 =	simm.s32 $0x2  }
.LBB2_20:
0x1c: {  	_ =	swait.ge [sflag:s26], $0x80  }
0x1d: {  	[sflag:s26] =	ssyncset.done $0x0  }
0x1e: {  	[sflag:s26] =	ssyncadd.s32 $0xFFFFFF80  }
.LBB2_21:
0x1f: {  	[bflag:$0x0] =	sbarrier.arrive $0xFFFF  }
0x20: {  	s7 =	rddreg [dreg:$0x6]  }
0x21: {  	[tilespmem:s5], [sflag:$0x5] =	stream.linear.gather [spmem:s7], $0x1880, $0x38;
	[tilespmem:$0x1DF80] =	vst v63  }
0x22: {  	_ =	swait.ge [sflag:s26], $0x1880  }
0x23: {  	[sflag:s26] =	ssyncset.done $0x0  }
0x24: {  	s6 =	rddreg [dreg:$0x12];
	[sflag:s26] =	ssyncadd.s32 $0xFFFFE780  }
0x25: {  	[hbm4b:s6+s5] =	stream.linear.scatter [tilespmem:s5], [sflag:$0x5], $0x1880, $0x38;
	[tilespmem:$0x1DF80] =	vst v63  }
0x26: {  	_ =	swait.ge [sflag:s26], $0x1880  }
0x27: {  	s14 =	sadd.s32 $0x1, s14;
	s24 =	rddreg [dreg:$0x13]  }
0x28: {  	p0 =	sne.s32 s14, s24  }
.Ltmp1:
0x29: {  	_ = 	snop;
	(pc) =	sbr.rel @!p0 .LBB2_22-.Ltmp1, $3  }
0x2a: {  	_ =	sdelay $0x1  }
0x2b: {  	[sflag:s26] =	ssyncset.done $0x0  }
0x2c: {  	s6 =	rddreg [dreg:$0x5];
	[sflag:s26] =	ssyncadd.s32 $0xFFFFE780  }
.LBB2_1:
0x2d: {  	[tilespmem:s25], [sflag:$0x5] =	stream.linear.gather [hbm4b:s6+s5], $0x10, $0x38;
	[tilespmem:$0x1DF80] =	vst v63  }
0x2e: {  	_ =	swait.ge [sflag:s26], $0x10  }
0x2f: {  	[sflag:s26] =	ssyncset.done $0x0  }
0x30: {  	s16 =	simm.s32 $0x18FE0;
	s15 =	rddreg [dreg:$0x7];
	[sflag:s26] =	ssyncadd.s32 $0xFFFFFFF0  }
0x31: {  	[tilespmem:s16], [sflag:$0x5] =	stream.linear.gather [hbm4b:s15+s5], $0x10, $0x38;
	[tilespmem:$0x1DF80] =	vst v63  }
0x32: {  	_ =	swait.ge [sflag:s26], $0x10  }
0x33: {  	[sflag:s26] =	ssyncset.done $0x0  }
0x34: {  	[sflag:s26] =	ssyncadd.s32 $0xFFFFFFF0  }
0x35: {  	v3 =	vld [tilespmem:$0x18FD0];
	_ =	sdelay $0x4  }
0x36: {  	(v2sf) =	vpush v3, $0x0;
	_ =	sdelay $0x1  }
0x37: {  	v3 =	vld [tilespmem:$0x18FE0];
	_ =	sdelay $0x4  }
0x38: {  	(v2sf) =	vpush v3, $0xF;
	_ =	sdelay $0x7  }
0x39: {  	s23 =	spop (v2sf)  }
0x3a: {  	s24 =	sand.u32 $0x7, s23  }
0x3b: {  	s17 =	sshra.s32 s23, $0x1F;
	p0 =	slt.s32 s23, $0x1;
	p1 =	sne.s32 s24, $0x0  }
0x3c: {  	s18 =	sshrl.u32 s17, $0x1D;
	p0 =	por !p0, !p1  }
0x3d: {  	s16 =	simm.s32 $0x1;
	s15 =	sadd.s32 s18, s23;
	p0 =	por !p0, !p0  }
0x3e: {  	s15 =	sshra.s32 s15, $0x3;
	s16 =	simm.s32 @!p0 $0x0  }
0x3f: {  	s15 =	ssub.s32 s15, s16  }
0x40: {  	s23 =	spop (v2sf);
	s17 =	sshll.u32 s15, $0x3  }
0x41: {  	s16 =	ssub.s32 s23, s17  }
0x42: {  	s16 =	sadd.s32 $0x80, s16  }
0x43: {  	s18 =	sand.u32 $0x7F, s16  }
0x44: {  	s24 =	sshra.s32 s16, $0x1F;
	p6 =	slt.s32 s16, $0x1;
	p5 =	sne.s32 s18, $0x0  }
0x45: {  	s18 =	sshrl.u32 s24, $0x19;
	p0 =	por !p6, !p5  }
0x46: {  	s16 =	sadd.s32 s18, s16;
	s18 =	simm.s32 $0x1;
	p0 =	por !p0, !p0  }
0x47: {  	s16 =	sshra.s32 s16, $0x7;
	s18 =	simm.s32 @!p0 $0x0  }
0x48: {  	s16 =	ssub.s32 s16, s18  }
0x49: {  	p0 =	slt.s32 s16, $0x1  }
.Ltmp2:
0x4a: {  	_ = 	snop;
	(pc) =	sbr.rel @p0 .LBB2_4-.Ltmp2, $2  }
0x4b: {  	_ =	sdelay $0x2  }
0x4c: {  	[dreg:$0x14] =	wrdreg s15  }
0x4d: {  	s18 =	sshll.u32 s16, $0x3  }
0x4e: {  	p1 =	sne.s32 s18, $0x1  }
.Ltmp3:
0x4f: {  	_ = 	snop;
	(pc) =	sbr.rel @!p1 .LBB2_4-.Ltmp3, $2  }
0x50: {  	_ =	sdelay $0x2  }
0x51: {  	[tilespmem:s17+$0x0] =	vst v1;
	s23 =	smov.u32 s17;
	s18 =	sadd.s32 $0xFFFFFFFF, s18  }
.LBB2_3:
0x52: {  	p1 =	sne.s32 s18, $0x1  }
.Ltmp4:
0x53: {  	_ = 	snop;
	(pc) =	sbr.rel @p1 .LBB2_3-.Ltmp4, $3  }
0x54: {  	_ =	sdelay $0x1  }
0x55: {  	s18 =	sadd.s32 $0xFFFFFFFF, s18;
	s23 =	sadd.s32 $0x10, s23  }
0x56: {  	[tilespmem:s23+$0x0] =	vst v1  }
.LBB2_4:
0x57: {  	s18 =	simm.s32 $0x40;
	s23 =	simm.s32 $0x0  }
.LBB2_5:
0x58: {  	p1 =	sne.s32 s18, $0x1F00;
	[tilespmem:s23+$0x18800] =	vst v1;
	s23 =	smov.u32 s18;
	s18 =	sadd.s32 $0x40, s18  }
.Ltmp5:
0x59: {  	(pc) =	sbr.rel @p1 .LBB2_5-.Ltmp5, $2  }
0x5a: {  	_ =	sdelay $0x2  }
0x5b: {  	s23 =	sshra.s32 s23, $0x2  }
0x5c: {  	[tilespmem:s23+$0x18800] =	vst v1  }
0x5d: {  	[spmem:s7] =	stream.linear.scatter [tilespmem:s30], [sflag:$0x5], $0x7D0, $0x38;
	[tilespmem:$0x1DF80] =	vst v63  }
0x5e: {  	_ =	swait.ge [sflag:s26], $0x7D0  }
0x5f: {  	[sflag:s26] =	ssyncset.done $0x0  }
0x60: {  	s18 =	rddreg [dreg:$0x8];
	[sflag:s26] =	ssyncadd.s32 $0xFFFFF830  }
0x61: {  	[spmem:s18] =	stream.linear.scatter [tilespmem:s30], [sflag:$0x5], $0x7D0, $0x38;
	[tilespmem:$0x1DF80] =	vst v63  }
0x62: {  	_ =	swait.ge [sflag:s26], $0x7D0  }
0x63: {  	[sflag:s26] =	ssyncset.done $0x0  }
0x64: {  	s23 =	rddreg [dreg:$0x9];
	[sflag:s26] =	ssyncadd.s32 $0xFFFFF830  }
0x65: {  	[spmem:s23] =	stream.linear.scatter [tilespmem:s30], [sflag:$0x5], $0x7D0, $0x38;
	[tilespmem:$0x1DF80] =	vst v63  }
0x66: {  	_ =	swait.ge [sflag:s26], $0x7D0  }
0x67: {  	[sflag:s26] =	ssyncset.done $0x0  }
0x68: {  	s24 =	rddreg [dreg:$0xa];
	[sflag:s26] =	ssyncadd.s32 $0xFFFFF830  }
0x69: {  	[spmem:s24] =	stream.linear.scatter [tilespmem:s30], [sflag:$0x5], $0x110, $0x38;
	[tilespmem:$0x1DF80] =	vst v63  }
0x6a: {  	_ =	swait.ge [sflag:s26], $0x110  }
0x6b: {  	[sflag:s26] =	ssyncset.done $0x0  }
0x6c: {  	s18 =	simm.s32 $0x0;
	s15 =	rddreg [dreg:$0xb];
	[sflag:s26] =	ssyncadd.s32 $0xFFFFFEF0  }
0x6d: {  	[tilespmem:s30], [sflag:$0x1] =	stream.linear.gather [hbm4b:s15+s18], $0x7D0, $0x38;
	[tilespmem:$0x1DF80] =	vst v63  }
0x6e: {  	_ = 	snop  }
0x6f: {  	[tilespmem:s25], [sflag:$0x1] =	stream.linear.gather [hbm4b:s6+s18], $0x7D0, $0x38;
	[tilespmem:$0x1DF80] =	vst v63  }
0x70: {  	s23 =	rddreg [dreg:$0xc]  }
0x71: {  	[tilespmem:s31], [sflag:$0x2] =	stream.linear.gather [hbm4b:s23+s18], $0x7D0, $0x38;
	[tilespmem:$0x1DF80] =	vst v63  }
0x72: {  	s24 =	rddreg [dreg:$0xd]  }
0x73: {  	[tilespmem:s3], [sflag:$0x2] =	stream.linear.gather [hbm4b:s24+s18], $0x7D0, $0x38;
	[tilespmem:$0x1DF80] =	vst v63  }
0x74: {  	s7 =	rddreg [dreg:$0xe]  }
0x75: {  	[tilespmem:s0], [sflag:$0x3] =	stream.linear.gather [hbm4b:s7+s18], $0x7D0, $0x38;
	[tilespmem:$0x1DF80] =	vst v63  }
0x76: {  	s15 =	rddreg [dreg:$0xf]  }
0x77: {  	[tilespmem:s28], [sflag:$0x3] =	stream.linear.gather [hbm4b:s15+s18], $0x7D0, $0x38;
	[tilespmem:$0x1DF80] =	vst v63  }
0x78: {  	s23 =	rddreg [dreg:$0x10]  }
0x79: {  	[tilespmem:s8], [sflag:$0x4] =	stream.linear.gather [hbm4b:s23+s18], $0x7D0, $0x38;
	[tilespmem:$0x1DF80] =	vst v63  }
0x7a: {  	s24 =	rddreg [dreg:$0x11]  }
0x7b: {  	[tilespmem:s9], [sflag:$0x4] =	stream.linear.gather [hbm4b:s24+s18], $0x7D0, $0x38;
	[tilespmem:$0x1DF80] =	vst v63  }
.LBB2_7:
0x7c: {  	_ =	swait.ge [sflag:s29], $0x7D0  }
0x7d: {  	[sflag:s29] =	ssyncset.done $0x0  }
0x7e: {  	[sflag:s29] =	ssyncadd.s32 $0xFFFFF830  }
0x7f: {  	_ =	swait.ge [sflag:s29], $0x7D0  }
0x80: {  	[sflag:s29] =	ssyncset.done $0x0  }
0x81: {  	[sflag:s29] =	ssyncadd.s32 $0xFFFFF830  }
0x82: {  	v4 =	vld.idx.msk [tilespmem:v2+s25+$0x0], $0xffff  }
0x83: {  	s23 =	simm.s32 $0x4;
	v3 =	vmov v2;
	v5 =	vld.idx.msk [tilespmem:v2+s30+$0x0], $0xffff  }
.LBB2_8:
0x84: {  	v6 =	vadd.s32 $0x1, v3;
	_ =	sdelay $0x4  }
0x85: {  	v7 =	vld.idx.msk [tilespmem:v6+s25+$0x0], $0xffff;
	_ =	sdelay $0x4  }
0x86: {  	vm0 =	vne.s32 v7, v4;
	_ =	sdelay $0x1  }
0x87: {  	v8 =	vadd.s32 $0x2, v3;
	_ =	sdelay $0x2  }
0x88: {  	v6 =	vld.idx.msk [tilespmem:v6+s30+$0x0], $0xffff  }
0x89: {  	[tilespmem:v4+s5+$0x0] =	vst.idx.add.f32.msk vm0, v5  }
0x8a: {  	v4 =	vld.idx.msk [tilespmem:v8+s25+$0x0], $0xffff;
	_ =	sdelay $0x4  }
0x8b: {  	vm1 =	vne.s32 v4, v7;
	_ =	sdelay $0x1  }
0x8c: {  	v9 =	vadd.s32 $0x3, v3  }
0x8d: {  	v5 =	vadd.f32 v6, v5;
	_ =	sdelay $0x1  }
0x8e: {  	v5 =	vsel vm0, v6, v5;
	v6 =	vld.idx.msk [tilespmem:v8+s30+$0x0], $0xffff  }
0x8f: {  	[tilespmem:v7+s5+$0x0] =	vst.idx.add.f32.msk vm1, v5  }
0x90: {  	v7 =	vld.idx.msk [tilespmem:v9+s25+$0x0], $0xffff;
	_ =	sdelay $0x4  }
0x91: {  	vm11 =	vne.s32 v7, v4;
	_ =	sdelay $0x1  }
0x92: {  	v36 =	vadd.s32 $0x4, v3  }
0x93: {  	v5 =	vadd.f32 v6, v5;
	_ =	sdelay $0x1  }
0x94: {  	v5 =	vsel vm1, v6, v5;
	v6 =	vld.idx.msk [tilespmem:v9+s30+$0x0], $0xffff  }
0x95: {  	[tilespmem:v4+s5+$0x0] =	vst.idx.add.f32.msk vm11, v5  }
0x96: {  	v4 =	vld.idx.msk [tilespmem:v36+s25+$0x0], $0xffff;
	_ =	sdelay $0x4  }
0x97: {  	vm12 =	vne.s32 v4, v7;
	_ =	sdelay $0x1  }
0x98: {  	v37 =	vadd.s32 $0x5, v3  }
0x99: {  	v5 =	vadd.f32 v6, v5;
	_ =	sdelay $0x1  }
0x9a: {  	v5 =	vsel vm11, v6, v5;
	v6 =	vld.idx.msk [tilespmem:v36+s30+$0x0], $0xffff  }
0x9b: {  	[tilespmem:v7+s5+$0x0] =	vst.idx.add.f32.msk vm12, v5  }
0x9c: {  	v7 =	vld.idx.msk [tilespmem:v37+s25+$0x0], $0xffff;
	_ =	sdelay $0x4  }
0x9d: {  	vm13 =	vne.s32 v7, v4;
	_ =	sdelay $0x1  }
0x9e: {  	v38 =	vadd.s32 $0x6, v3  }
0x9f: {  	v5 =	vadd.f32 v6, v5;
	_ =	sdelay $0x1  }
0xa0: {  	v5 =	vsel vm12, v6, v5;
	v6 =	vld.idx.msk [tilespmem:v37+s30+$0x0], $0xffff  }
0xa1: {  	[tilespmem:v4+s5+$0x0] =	vst.idx.add.f32.msk vm13, v5  }
0xa2: {  	v4 =	vld.idx.msk [tilespmem:v38+s25+$0x0], $0xffff;
	_ =	sdelay $0x4  }
0xa3: {  	vm14 =	vne.s32 v4, v7;
	_ =	sdelay $0x1  }
0xa4: {  	v39 =	vadd.s32 $0x7, v3  }
0xa5: {  	v5 =	vadd.f32 v6, v5;
	_ =	sdelay $0x1  }
0xa6: {  	v5 =	vsel vm13, v6, v5;
	v6 =	vld.idx.msk [tilespmem:v38+s30+$0x0], $0xffff  }
0xa7: {  	[tilespmem:v7+s5+$0x0] =	vst.idx.add.f32.msk vm14, v5  }
0xa8: {  	v7 =	vld.idx.msk [tilespmem:v39+s25+$0x0], $0xffff;
	_ =	sdelay $0x4  }
0xa9: {  	vm15 =	vne.s32 v7, v4;
	_ =	sdelay $0x1  }
0xaa: {  	v40 =	vadd.s32 $0x8, v3  }
0xab: {  	v5 =	vadd.f32 v6, v5;
	_ =	sdelay $0x1  }
0xac: {  	v5 =	vsel vm14, v6, v5;
	v6 =	vld.idx.msk [tilespmem:v39+s30+$0x0], $0xffff  }
0xad: {  	[tilespmem:v4+s5+$0x0] =	vst.idx.add.f32.msk vm15, v5  }
0xae: {  	v4 =	vld.idx.msk [tilespmem:v40+s25+$0x0], $0xffff;
	_ =	sdelay $0x4  }
0xaf: {  	vm4 =	vne.s32 v4, v7;
	_ =	sdelay $0x1  }
0xb0: {  	v41 =	vadd.s32 $0x9, v3  }
0xb1: {  	v5 =	vadd.f32 v6, v5;
	_ =	sdelay $0x1  }
0xb2: {  	v5 =	vsel vm15, v6, v5;
	v6 =	vld.idx.msk [tilespmem:v40+s30+$0x0], $0xffff  }
0xb3: {  	[tilespmem:v7+s5+$0x0] =	vst.idx.add.f32.msk vm4, v5  }
0xb4: {  	v7 =	vld.idx.msk [tilespmem:v41+s25+$0x0], $0xffff;
	_ =	sdelay $0x4  }
0xb5: {  	vm5 =	vne.s32 v7, v4;
	_ =	sdelay $0x1  }
0xb6: {  	v42 =	vadd.s32 $0xA, v3  }
0xb7: {  	v5 =	vadd.f32 v6, v5;
	_ =	sdelay $0x1  }
0xb8: {  	v5 =	vsel vm4, v6, v5;
	v6 =	vld.idx.msk [tilespmem:v41+s30+$0x0], $0xffff  }
0xb9: {  	[tilespmem:v4+s5+$0x0] =	vst.idx.add.f32.msk vm5, v5  }
0xba: {  	v4 =	vld.idx.msk [tilespmem:v42+s25+$0x0], $0xffff;
	_ =	sdelay $0x4  }
0xbb: {  	vm6 =	vne.s32 v4, v7;
	_ =	sdelay $0x1  }
0xbc: {  	v43 =	vadd.s32 $0xB, v3  }
0xbd: {  	v5 =	vadd.f32 v6, v5;
	_ =	sdelay $0x1  }
0xbe: {  	v5 =	vsel vm5, v6, v5;
	v6 =	vld.idx.msk [tilespmem:v42+s30+$0x0], $0xffff  }
0xbf: {  	[tilespmem:v7+s5+$0x0] =	vst.idx.add.f32.msk vm6, v5  }
0xc0: {  	v7 =	vld.idx.msk [tilespmem:v43+s25+$0x0], $0xffff;
	_ =	sdelay $0x4  }
0xc1: {  	vm7 =	vne.s32 v7, v4;
	_ =	sdelay $0x1  }
0xc2: {  	v44 =	vadd.s32 $0xC, v3  }
0xc3: {  	v5 =	vadd.f32 v6, v5;
	_ =	sdelay $0x1  }
0xc4: {  	v5 =	vsel vm6, v6, v5;
	v6 =	vld.idx.msk [tilespmem:v43+s30+$0x0], $0xffff  }
0xc5: {  	[tilespmem:v4+s5+$0x0] =	vst.idx.add.f32.msk vm7, v5  }
0xc6: {  	v4 =	vld.idx.msk [tilespmem:v44+s25+$0x0], $0xffff;
	_ =	sdelay $0x4  }
0xc7: {  	vm8 =	vne.s32 v4, v7;
	_ =	sdelay $0x1  }
0xc8: {  	v45 =	vadd.s32 $0xD, v3  }
0xc9: {  	v5 =	vadd.f32 v6, v5;
	_ =	sdelay $0x1  }
0xca: {  	v5 =	vsel vm7, v6, v5;
	v6 =	vld.idx.msk [tilespmem:v44+s30+$0x0], $0xffff  }
0xcb: {  	[tilespmem:v7+s5+$0x0] =	vst.idx.add.f32.msk vm8, v5  }
0xcc: {  	v7 =	vld.idx.msk [tilespmem:v45+s25+$0x0], $0xffff;
	_ =	sdelay $0x4  }
0xcd: {  	vm9 =	vne.s32 v7, v4;
	_ =	sdelay $0x1  }
0xce: {  	v46 =	vadd.s32 $0xE, v3  }
0xcf: {  	v5 =	vadd.f32 v6, v5;
	_ =	sdelay $0x1  }
0xd0: {  	v5 =	vsel vm8, v6, v5;
	v6 =	vld.idx.msk [tilespmem:v45+s30+$0x0], $0xffff  }
0xd1: {  	[tilespmem:v4+s5+$0x0] =	vst.idx.add.f32.msk vm9, v5  }
0xd2: {  	v4 =	vld.idx.msk [tilespmem:v46+s25+$0x0], $0xffff;
	_ =	sdelay $0x4  }
0xd3: {  	vm10 =	vne.s32 v4, v7;
	_ =	sdelay $0x1  }
0xd4: {  	v47 =	vadd.s32 $0xF, v3  }
0xd5: {  	v5 =	vadd.f32 v6, v5;
	_ =	sdelay $0x1  }
0xd6: {  	v5 =	vsel vm9, v6, v5;
	v6 =	vld.idx.msk [tilespmem:v46+s30+$0x0], $0xffff  }
0xd7: {  	[tilespmem:v7+s5+$0x0] =	vst.idx.add.f32.msk vm10, v5  }
0xd8: {  	v7 =	vld.idx.msk [tilespmem:v47+s25+$0x0], $0xffff;
	_ =	sdelay $0x4  }
0xd9: {  	vm11 =	vne.s32 v7, v4;
	_ =	sdelay $0x1  }
0xda: {  	v48 =	vadd.s32 $0x10, v3  }
0xdb: {  	v5 =	vadd.f32 v6, v5;
	_ =	sdelay $0x1  }
0xdc: {  	v5 =	vsel vm10, v6, v5;
	v6 =	vld.idx.msk [tilespmem:v47+s30+$0x0], $0xffff  }
0xdd: {  	[tilespmem:v4+s5+$0x0] =	vst.idx.add.f32.msk vm11, v5  }
0xde: {  	v4 =	vld.idx.msk [tilespmem:v48+s25+$0x0], $0xffff;
	_ =	sdelay $0x4  }
0xdf: {  	vm12 =	vne.s32 v4, v7;
	_ =	sdelay $0x1  }
0xe0: {  	v49 =	vadd.s32 $0x11, v3  }
0xe1: {  	v5 =	vadd.f32 v6, v5;
	_ =	sdelay $0x1  }
0xe2: {  	v5 =	vsel vm11, v6, v5;
	v6 =	vld.idx.msk [tilespmem:v48+s30+$0x0], $0xffff  }
0xe3: {  	[tilespmem:v7+s5+$0x0] =	vst.idx.add.f32.msk vm12, v5  }
0xe4: {  	v7 =	vld.idx.msk [tilespmem:v49+s25+$0x0], $0xffff;
	_ =	sdelay $0x4  }
0xe5: {  	vm13 =	vne.s32 v7, v4;
	_ =	sdelay $0x1  }
0xe6: {  	v50 =	vadd.s32 $0x12, v3  }
0xe7: {  	v5 =	vadd.f32 v6, v5;
	_ =	sdelay $0x1  }
0xe8: {  	v5 =	vsel vm12, v6, v5;
	v6 =	vld.idx.msk [tilespmem:v49+s30+$0x0], $0xffff  }
0xe9: {  	[tilespmem:v4+s5+$0x0] =	vst.idx.add.f32.msk vm13, v5  }
0xea: {  	v4 =	vld.idx.msk [tilespmem:v50+s25+$0x0], $0xffff;
	_ =	sdelay $0x4  }
0xeb: {  	vm14 =	vne.s32 v4, v7;
	_ =	sdelay $0x1  }
0xec: {  	v51 =	vadd.s32 $0x13, v3  }
0xed: {  	v5 =	vadd.f32 v6, v5;
	_ =	sdelay $0x1  }
0xee: {  	v5 =	vsel vm13, v6, v5;
	v6 =	vld.idx.msk [tilespmem:v50+s30+$0x0], $0xffff  }
0xef: {  	[tilespmem:v7+s5+$0x0] =	vst.idx.add.f32.msk vm14, v5  }
0xf0: {  	v7 =	vld.idx.msk [tilespmem:v51+s25+$0x0], $0xffff;
	_ =	sdelay $0x4  }
0xf1: {  	vm15 =	vne.s32 v7, v4;
	_ =	sdelay $0x1  }
0xf2: {  	v52 =	vadd.s32 $0x14, v3  }
0xf3: {  	v5 =	vadd.f32 v6, v5;
	_ =	sdelay $0x1  }
0xf4: {  	v5 =	vsel vm14, v6, v5;
	v6 =	vld.idx.msk [tilespmem:v51+s30+$0x0], $0xffff  }
0xf5: {  	[tilespmem:v4+s5+$0x0] =	vst.idx.add.f32.msk vm15, v5  }
0xf6: {  	v4 =	vld.idx.msk [tilespmem:v52+s25+$0x0], $0xffff;
	_ =	sdelay $0x4  }
0xf7: {  	vm4 =	vne.s32 v4, v7;
	_ =	sdelay $0x1  }
0xf8: {  	v53 =	vadd.s32 $0x15, v3  }
0xf9: {  	v5 =	vadd.f32 v6, v5;
	_ =	sdelay $0x1  }
0xfa: {  	v5 =	vsel vm15, v6, v5;
	v6 =	vld.idx.msk [tilespmem:v52+s30+$0x0], $0xffff  }
0xfb: {  	[tilespmem:v7+s5+$0x0] =	vst.idx.add.f32.msk vm4, v5  }
0xfc: {  	v7 =	vld.idx.msk [tilespmem:v53+s25+$0x0], $0xffff;
	_ =	sdelay $0x4  }
0xfd: {  	vm5 =	vne.s32 v7, v4;
	_ =	sdelay $0x1  }
0xfe: {  	v54 =	vadd.s32 $0x16, v3  }
0xff: {  	v5 =	vadd.f32 v6, v5;
	_ =	sdelay $0x1  }
0x100: {  	v5 =	vsel vm4, v6, v5;
	v6 =	vld.idx.msk [tilespmem:v53+s30+$0x0], $0xffff  }
0x101: {  	[tilespmem:v4+s5+$0x0] =	vst.idx.add.f32.msk vm5, v5  }
0x102: {  	v4 =	vld.idx.msk [tilespmem:v54+s25+$0x0], $0xffff;
	_ =	sdelay $0x4  }
0x103: {  	vm6 =	vne.s32 v4, v7;
	_ =	sdelay $0x1  }
0x104: {  	v55 =	vadd.s32 $0x17, v3  }
0x105: {  	v5 =	vadd.f32 v6, v5;
	_ =	sdelay $0x1  }
0x106: {  	v5 =	vsel vm5, v6, v5;
	v6 =	vld.idx.msk [tilespmem:v54+s30+$0x0], $0xffff  }
0x107: {  	[tilespmem:v7+s5+$0x0] =	vst.idx.add.f32.msk vm6, v5  }
0x108: {  	v7 =	vld.idx.msk [tilespmem:v55+s25+$0x0], $0xffff;
	_ =	sdelay $0x4  }
0x109: {  	vm7 =	vne.s32 v7, v4;
	_ =	sdelay $0x1  }
0x10a: {  	v56 =	vadd.s32 $0x18, v3  }
0x10b: {  	v5 =	vadd.f32 v6, v5;
	_ =	sdelay $0x1  }
0x10c: {  	v5 =	vsel vm6, v6, v5;
	v6 =	vld.idx.msk [tilespmem:v55+s30+$0x0], $0xffff  }
0x10d: {  	[tilespmem:v4+s5+$0x0] =	vst.idx.add.f32.msk vm7, v5  }
0x10e: {  	v4 =	vld.idx.msk [tilespmem:v56+s25+$0x0], $0xffff;
	_ =	sdelay $0x4  }
0x10f: {  	vm8 =	vne.s32 v4, v7;
	_ =	sdelay $0x1  }
0x110: {  	v57 =	vadd.s32 $0x19, v3  }
0x111: {  	v5 =	vadd.f32 v6, v5;
	_ =	sdelay $0x1  }
0x112: {  	v5 =	vsel vm7, v6, v5;
	v6 =	vld.idx.msk [tilespmem:v56+s30+$0x0], $0xffff  }
0x113: {  	[tilespmem:v7+s5+$0x0] =	vst.idx.add.f32.msk vm8, v5  }
0x114: {  	v7 =	vld.idx.msk [tilespmem:v57+s25+$0x0], $0xffff;
	_ =	sdelay $0x4  }
0x115: {  	vm9 =	vne.s32 v7, v4;
	_ =	sdelay $0x1  }
0x116: {  	v58 =	vadd.s32 $0x1A, v3  }
0x117: {  	v5 =	vadd.f32 v6, v5;
	_ =	sdelay $0x1  }
0x118: {  	v5 =	vsel vm8, v6, v5;
	v6 =	vld.idx.msk [tilespmem:v57+s30+$0x0], $0xffff  }
0x119: {  	[tilespmem:v4+s5+$0x0] =	vst.idx.add.f32.msk vm9, v5  }
0x11a: {  	v4 =	vld.idx.msk [tilespmem:v58+s25+$0x0], $0xffff;
	_ =	sdelay $0x4  }
0x11b: {  	vm10 =	vne.s32 v4, v7;
	_ =	sdelay $0x1  }
0x11c: {  	v59 =	vadd.s32 $0x1B, v3  }
0x11d: {  	v5 =	vadd.f32 v6, v5;
	_ =	sdelay $0x1  }
0x11e: {  	v5 =	vsel vm9, v6, v5;
	v6 =	vld.idx.msk [tilespmem:v58+s30+$0x0], $0xffff  }
0x11f: {  	[tilespmem:v7+s5+$0x0] =	vst.idx.add.f32.msk vm10, v5  }
0x120: {  	v7 =	vld.idx.msk [tilespmem:v59+s25+$0x0], $0xffff;
	_ =	sdelay $0x4  }
0x121: {  	vm11 =	vne.s32 v7, v4;
	_ =	sdelay $0x1  }
0x122: {  	v60 =	vadd.s32 $0x1C, v3  }
0x123: {  	v5 =	vadd.f32 v6, v5;
	_ =	sdelay $0x1  }
0x124: {  	v5 =	vsel vm10, v6, v5;
	v6 =	vld.idx.msk [tilespmem:v59+s30+$0x0], $0xffff  }
0x125: {  	[tilespmem:v4+s5+$0x0] =	vst.idx.add.f32.msk vm11, v5  }
0x126: {  	v4 =	vld.idx.msk [tilespmem:v60+s25+$0x0], $0xffff;
	_ =	sdelay $0x4  }
0x127: {  	vm12 =	vne.s32 v4, v7;
	_ =	sdelay $0x1  }
0x128: {  	v61 =	vadd.s32 $0x1D, v3  }
0x129: {  	v5 =	vadd.f32 v6, v5;
	_ =	sdelay $0x1  }
0x12a: {  	v5 =	vsel vm11, v6, v5;
	v6 =	vld.idx.msk [tilespmem:v60+s30+$0x0], $0xffff  }
0x12b: {  	[tilespmem:v7+s5+$0x0] =	vst.idx.add.f32.msk vm12, v5  }
0x12c: {  	v7 =	vld.idx.msk [tilespmem:v61+s25+$0x0], $0xffff;
	_ =	sdelay $0x4  }
0x12d: {  	vm13 =	vne.s32 v7, v4;
	_ =	sdelay $0x1  }
0x12e: {  	v62 =	vadd.s32 $0x1E, v3  }
0x12f: {  	v5 =	vadd.f32 v6, v5;
	_ =	sdelay $0x1  }
0x130: {  	v5 =	vsel vm12, v6, v5;
	v6 =	vld.idx.msk [tilespmem:v61+s30+$0x0], $0xffff  }
0x131: {  	[tilespmem:v4+s5+$0x0] =	vst.idx.add.f32.msk vm13, v5  }
0x132: {  	v63 =	vld.idx.msk [tilespmem:v62+s25+$0x0], $0xffff;
	_ =	sdelay $0x4  }
0x133: {  	vm14 =	vne.s32 v63, v7;
	_ =	sdelay $0x1  }
0x134: {  	v3 =	vadd.s32 $0x1F, v3  }
0x135: {  	v4 =	vadd.f32 v6, v5;
	_ =	sdelay $0x1  }
0x136: {  	v5 =	vsel vm13, v6, v4;
	v6 =	vld.idx.msk [tilespmem:v62+s30+$0x0], $0xffff  }
0x137: {  	[tilespmem:v7+s5+$0x0] =	vst.idx.add.f32.msk vm14, v5  }
0x138: {  	v4 =	vld.idx.msk [tilespmem:v3+s25+$0x0], $0xffff;
	_ =	sdelay $0x3  }
0x139: {  	v7 =	vld.idx.msk [tilespmem:v3+s30+$0x0], $0xffff  }
0x13a: {  	vm15 =	vne.s32 v4, v63  }
0x13b: {  	p1 =	sne.s32 s23, $0x1;
	v5 =	vadd.f32 v6, v5  }
.Ltmp6:
0x13c: {  	_ = 	snop;
	(pc) =	sbr.rel @p1 .LBB2_8-.Ltmp6, $3  }
0x13d: {  	v5 =	vsel vm14, v6, v5  }
0x13e: {  	v6 =	vadd.f32 v7, v5;
	_ =	sdelay $0x1  }
0x13f: {  	s23 =	sadd.s32 $0xFFFFFFFF, s23;
	[tilespmem:v63+s5+$0x0] =	vst.idx.add.f32.msk vm15, v5;
	v5 =	vsel vm15, v7, v6  }
0x140: {  	p1 =	seq.s32 s18, $0x18  }
0x141: {  	s23 =	smul.u32 @!p1 $0x1F40, s18;
	_ =	sdelay $0x1  }
0x142: {  	s24 =	sadd.s32 @!p1 s23, s19  }
0x143: {  	s24 =	sshrl.u32 @!p1 s24, $0x3  }
0x144: {  	[tilespmem:v4+s5+$0x0] =	vst.idx.add.f32.msk $0xffff, v5;
	s7 =	simm.s32 @!p1 $0x0;
	s15 =	simm.s32 @!p1 $0x18800;
	s6 =	sadd.s32 @!p1 s1, s24  }
0x145: {  	[tilespmem:s15], [sflag:$0x1] =	stream.linear.gather @!p1 [hbm4b:s6+s7], $0x7D0, $0x38;
	[tilespmem:$0x1DF80] =	vst v63  }
0x146: {  	s6 =	sadd.s32 @!p1 s2, s24;
	s15 =	simm.s32 @!p1 $0x18FD0  }
0x147: {  	[tilespmem:s15], [sflag:$0x1] =	stream.linear.gather @!p1 [hbm4b:s6+s7], $0x7D0, $0x38;
	[tilespmem:$0x1DF80] =	vst v63  }
0x148: {  	v3 =	vmul.u32 $0x7D, v0;
	_ =	swait.ge [sflag:s10], $0x7D0  }
0x149: {  	[sflag:s10] =	ssyncset.done $0x0  }
0x14a: {  	[sflag:s10] =	ssyncadd.s32 $0xFFFFF830  }
0x14b: {  	_ =	swait.ge [sflag:s10], $0x7D0  }
0x14c: {  	[sflag:s10] =	ssyncset.done $0x0  }
0x14d: {  	[sflag:s10] =	ssyncadd.s32 $0xFFFFF830  }
0x14e: {  	v4 =	vld.idx.msk [tilespmem:v3+s3+$0x0], $0xffff  }
0x14f: {  	s24 =	simm.s32 $0x4;
	v5 =	vld.idx.msk [tilespmem:v3+s31+$0x0], $0xffff  }
.LBB2_10:
0x150: {  	v6 =	vadd.s32 $0x1, v3;
	_ =	sdelay $0x4  }
0x151: {  	v7 =	vld.idx.msk [tilespmem:v6+s3+$0x0], $0xffff;
	_ =	sdelay $0x4  }
0x152: {  	vm0 =	vne.s32 v7, v4;
	_ =	sdelay $0x1  }
0x153: {  	v8 =	vadd.s32 $0x2, v3;
	_ =	sdelay $0x2  }
0x154: {  	v6 =	vld.idx.msk [tilespmem:v6+s31+$0x0], $0xffff  }
0x155: {  	[tilespmem:v4+s5+$0x0] =	vst.idx.add.f32.msk vm0, v5  }
0x156: {  	v4 =	vld.idx.msk [tilespmem:v8+s3+$0x0], $0xffff;
	_ =	sdelay $0x4  }
0x157: {  	vm1 =	vne.s32 v4, v7;
	_ =	sdelay $0x1  }
0x158: {  	v9 =	vadd.s32 $0x3, v3  }
0x159: {  	v5 =	vadd.f32 v6, v5;
	_ =	sdelay $0x1  }
0x15a: {  	v5 =	vsel vm0, v6, v5;
	v6 =	vld.idx.msk [tilespmem:v8+s31+$0x0], $0xffff  }
0x15b: {  	[tilespmem:v7+s5+$0x0] =	vst.idx.add.f32.msk vm1, v5  }
0x15c: {  	v7 =	vld.idx.msk [tilespmem:v9+s3+$0x0], $0xffff;
	_ =	sdelay $0x4  }
0x15d: {  	vm11 =	vne.s32 v7, v4;
	_ =	sdelay $0x1  }
0x15e: {  	v36 =	vadd.s32 $0x4, v3  }
0x15f: {  	v5 =	vadd.f32 v6, v5;
	_ =	sdelay $0x1  }
0x160: {  	v5 =	vsel vm1, v6, v5;
	v6 =	vld.idx.msk [tilespmem:v9+s31+$0x0], $0xffff  }
0x161: {  	[tilespmem:v4+s5+$0x0] =	vst.idx.add.f32.msk vm11, v5  }
0x162: {  	v4 =	vld.idx.msk [tilespmem:v36+s3+$0x0], $0xffff;
	_ =	sdelay $0x4  }
0x163: {  	vm12 =	vne.s32 v4, v7;
	_ =	sdelay $0x1  }
0x164: {  	v37 =	vadd.s32 $0x5, v3  }
0x165: {  	v5 =	vadd.f32 v6, v5;
	_ =	sdelay $0x1  }
0x166: {  	v5 =	vsel vm11, v6, v5;
	v6 =	vld.idx.msk [tilespmem:v36+s31+$0x0], $0xffff  }
0x167: {  	[tilespmem:v7+s5+$0x0] =	vst.idx.add.f32.msk vm12, v5  }
0x168: {  	v7 =	vld.idx.msk [tilespmem:v37+s3+$0x0], $0xffff;
	_ =	sdelay $0x4  }
0x169: {  	vm13 =	vne.s32 v7, v4;
	_ =	sdelay $0x1  }
0x16a: {  	v38 =	vadd.s32 $0x6, v3  }
0x16b: {  	v5 =	vadd.f32 v6, v5;
	_ =	sdelay $0x1  }
0x16c: {  	v5 =	vsel vm12, v6, v5;
	v6 =	vld.idx.msk [tilespmem:v37+s31+$0x0], $0xffff  }
0x16d: {  	[tilespmem:v4+s5+$0x0] =	vst.idx.add.f32.msk vm13, v5  }
0x16e: {  	v4 =	vld.idx.msk [tilespmem:v38+s3+$0x0], $0xffff;
	_ =	sdelay $0x4  }
0x16f: {  	vm14 =	vne.s32 v4, v7;
	_ =	sdelay $0x1  }
0x170: {  	v39 =	vadd.s32 $0x7, v3  }
0x171: {  	v5 =	vadd.f32 v6, v5;
	_ =	sdelay $0x1  }
0x172: {  	v5 =	vsel vm13, v6, v5;
	v6 =	vld.idx.msk [tilespmem:v38+s31+$0x0], $0xffff  }
0x173: {  	[tilespmem:v7+s5+$0x0] =	vst.idx.add.f32.msk vm14, v5  }
0x174: {  	v7 =	vld.idx.msk [tilespmem:v39+s3+$0x0], $0xffff;
	_ =	sdelay $0x4  }
0x175: {  	vm15 =	vne.s32 v7, v4;
	_ =	sdelay $0x1  }
0x176: {  	v40 =	vadd.s32 $0x8, v3  }
0x177: {  	v5 =	vadd.f32 v6, v5;
	_ =	sdelay $0x1  }
0x178: {  	v5 =	vsel vm14, v6, v5;
	v6 =	vld.idx.msk [tilespmem:v39+s31+$0x0], $0xffff  }
0x179: {  	[tilespmem:v4+s5+$0x0] =	vst.idx.add.f32.msk vm15, v5  }
0x17a: {  	v4 =	vld.idx.msk [tilespmem:v40+s3+$0x0], $0xffff;
	_ =	sdelay $0x4  }
0x17b: {  	vm4 =	vne.s32 v4, v7;
	_ =	sdelay $0x1  }
0x17c: {  	v41 =	vadd.s32 $0x9, v3  }
0x17d: {  	v5 =	vadd.f32 v6, v5;
	_ =	sdelay $0x1  }
0x17e: {  	v5 =	vsel vm15, v6, v5;
	v6 =	vld.idx.msk [tilespmem:v40+s31+$0x0], $0xffff  }
0x17f: {  	[tilespmem:v7+s5+$0x0] =	vst.idx.add.f32.msk vm4, v5  }
0x180: {  	v7 =	vld.idx.msk [tilespmem:v41+s3+$0x0], $0xffff;
	_ =	sdelay $0x4  }
0x181: {  	vm5 =	vne.s32 v7, v4;
	_ =	sdelay $0x1  }
0x182: {  	v42 =	vadd.s32 $0xA, v3  }
0x183: {  	v5 =	vadd.f32 v6, v5;
	_ =	sdelay $0x1  }
0x184: {  	v5 =	vsel vm4, v6, v5;
	v6 =	vld.idx.msk [tilespmem:v41+s31+$0x0], $0xffff  }
0x185: {  	[tilespmem:v4+s5+$0x0] =	vst.idx.add.f32.msk vm5, v5  }
0x186: {  	v4 =	vld.idx.msk [tilespmem:v42+s3+$0x0], $0xffff;
	_ =	sdelay $0x4  }
0x187: {  	vm6 =	vne.s32 v4, v7;
	_ =	sdelay $0x1  }
0x188: {  	v43 =	vadd.s32 $0xB, v3  }
0x189: {  	v5 =	vadd.f32 v6, v5;
	_ =	sdelay $0x1  }
0x18a: {  	v5 =	vsel vm5, v6, v5;
	v6 =	vld.idx.msk [tilespmem:v42+s31+$0x0], $0xffff  }
0x18b: {  	[tilespmem:v7+s5+$0x0] =	vst.idx.add.f32.msk vm6, v5  }
0x18c: {  	v7 =	vld.idx.msk [tilespmem:v43+s3+$0x0], $0xffff;
	_ =	sdelay $0x4  }
0x18d: {  	vm7 =	vne.s32 v7, v4;
	_ =	sdelay $0x1  }
0x18e: {  	v44 =	vadd.s32 $0xC, v3  }
0x18f: {  	v5 =	vadd.f32 v6, v5;
	_ =	sdelay $0x1  }
0x190: {  	v5 =	vsel vm6, v6, v5;
	v6 =	vld.idx.msk [tilespmem:v43+s31+$0x0], $0xffff  }
0x191: {  	[tilespmem:v4+s5+$0x0] =	vst.idx.add.f32.msk vm7, v5  }
0x192: {  	v4 =	vld.idx.msk [tilespmem:v44+s3+$0x0], $0xffff;
	_ =	sdelay $0x4  }
0x193: {  	vm8 =	vne.s32 v4, v7;
	_ =	sdelay $0x1  }
0x194: {  	v45 =	vadd.s32 $0xD, v3  }
0x195: {  	v5 =	vadd.f32 v6, v5;
	_ =	sdelay $0x1  }
0x196: {  	v5 =	vsel vm7, v6, v5;
	v6 =	vld.idx.msk [tilespmem:v44+s31+$0x0], $0xffff  }
0x197: {  	[tilespmem:v7+s5+$0x0] =	vst.idx.add.f32.msk vm8, v5  }
0x198: {  	v7 =	vld.idx.msk [tilespmem:v45+s3+$0x0], $0xffff;
	_ =	sdelay $0x4  }
0x199: {  	vm9 =	vne.s32 v7, v4;
	_ =	sdelay $0x1  }
0x19a: {  	v46 =	vadd.s32 $0xE, v3  }
0x19b: {  	v5 =	vadd.f32 v6, v5;
	_ =	sdelay $0x1  }
0x19c: {  	v5 =	vsel vm8, v6, v5;
	v6 =	vld.idx.msk [tilespmem:v45+s31+$0x0], $0xffff  }
0x19d: {  	[tilespmem:v4+s5+$0x0] =	vst.idx.add.f32.msk vm9, v5  }
0x19e: {  	v4 =	vld.idx.msk [tilespmem:v46+s3+$0x0], $0xffff;
	_ =	sdelay $0x4  }
0x19f: {  	vm10 =	vne.s32 v4, v7;
	_ =	sdelay $0x1  }
0x1a0: {  	v47 =	vadd.s32 $0xF, v3  }
0x1a1: {  	v5 =	vadd.f32 v6, v5;
	_ =	sdelay $0x1  }
0x1a2: {  	v5 =	vsel vm9, v6, v5;
	v6 =	vld.idx.msk [tilespmem:v46+s31+$0x0], $0xffff  }
0x1a3: {  	[tilespmem:v7+s5+$0x0] =	vst.idx.add.f32.msk vm10, v5  }
0x1a4: {  	v7 =	vld.idx.msk [tilespmem:v47+s3+$0x0], $0xffff;
	_ =	sdelay $0x4  }
0x1a5: {  	vm11 =	vne.s32 v7, v4;
	_ =	sdelay $0x1  }
0x1a6: {  	v48 =	vadd.s32 $0x10, v3  }
0x1a7: {  	v5 =	vadd.f32 v6, v5;
	_ =	sdelay $0x1  }
0x1a8: {  	v5 =	vsel vm10, v6, v5;
	v6 =	vld.idx.msk [tilespmem:v47+s31+$0x0], $0xffff  }
0x1a9: {  	[tilespmem:v4+s5+$0x0] =	vst.idx.add.f32.msk vm11, v5  }
0x1aa: {  	v4 =	vld.idx.msk [tilespmem:v48+s3+$0x0], $0xffff;
	_ =	sdelay $0x4  }
0x1ab: {  	vm12 =	vne.s32 v4, v7;
	_ =	sdelay $0x1  }
0x1ac: {  	v49 =	vadd.s32 $0x11, v3  }
0x1ad: {  	v5 =	vadd.f32 v6, v5;
	_ =	sdelay $0x1  }
0x1ae: {  	v5 =	vsel vm11, v6, v5;
	v6 =	vld.idx.msk [tilespmem:v48+s31+$0x0], $0xffff  }
0x1af: {  	[tilespmem:v7+s5+$0x0] =	vst.idx.add.f32.msk vm12, v5  }
0x1b0: {  	v7 =	vld.idx.msk [tilespmem:v49+s3+$0x0], $0xffff;
	_ =	sdelay $0x4  }
0x1b1: {  	vm13 =	vne.s32 v7, v4;
	_ =	sdelay $0x1  }
0x1b2: {  	v50 =	vadd.s32 $0x12, v3  }
0x1b3: {  	v5 =	vadd.f32 v6, v5;
	_ =	sdelay $0x1  }
0x1b4: {  	v5 =	vsel vm12, v6, v5;
	v6 =	vld.idx.msk [tilespmem:v49+s31+$0x0], $0xffff  }
0x1b5: {  	[tilespmem:v4+s5+$0x0] =	vst.idx.add.f32.msk vm13, v5  }
0x1b6: {  	v4 =	vld.idx.msk [tilespmem:v50+s3+$0x0], $0xffff;
	_ =	sdelay $0x4  }
0x1b7: {  	vm14 =	vne.s32 v4, v7;
	_ =	sdelay $0x1  }
0x1b8: {  	v51 =	vadd.s32 $0x13, v3  }
0x1b9: {  	v5 =	vadd.f32 v6, v5;
	_ =	sdelay $0x1  }
0x1ba: {  	v5 =	vsel vm13, v6, v5;
	v6 =	vld.idx.msk [tilespmem:v50+s31+$0x0], $0xffff  }
0x1bb: {  	[tilespmem:v7+s5+$0x0] =	vst.idx.add.f32.msk vm14, v5  }
0x1bc: {  	v7 =	vld.idx.msk [tilespmem:v51+s3+$0x0], $0xffff;
	_ =	sdelay $0x4  }
0x1bd: {  	vm15 =	vne.s32 v7, v4;
	_ =	sdelay $0x1  }
0x1be: {  	v52 =	vadd.s32 $0x14, v3  }
0x1bf: {  	v5 =	vadd.f32 v6, v5;
	_ =	sdelay $0x1  }
0x1c0: {  	v5 =	vsel vm14, v6, v5;
	v6 =	vld.idx.msk [tilespmem:v51+s31+$0x0], $0xffff  }
0x1c1: {  	[tilespmem:v4+s5+$0x0] =	vst.idx.add.f32.msk vm15, v5  }
0x1c2: {  	v4 =	vld.idx.msk [tilespmem:v52+s3+$0x0], $0xffff;
	_ =	sdelay $0x4  }
0x1c3: {  	vm4 =	vne.s32 v4, v7;
	_ =	sdelay $0x1  }
0x1c4: {  	v53 =	vadd.s32 $0x15, v3  }
0x1c5: {  	v5 =	vadd.f32 v6, v5;
	_ =	sdelay $0x1  }
0x1c6: {  	v5 =	vsel vm15, v6, v5;
	v6 =	vld.idx.msk [tilespmem:v52+s31+$0x0], $0xffff  }
0x1c7: {  	[tilespmem:v7+s5+$0x0] =	vst.idx.add.f32.msk vm4, v5  }
0x1c8: {  	v7 =	vld.idx.msk [tilespmem:v53+s3+$0x0], $0xffff;
	_ =	sdelay $0x4  }
0x1c9: {  	vm5 =	vne.s32 v7, v4;
	_ =	sdelay $0x1  }
0x1ca: {  	v54 =	vadd.s32 $0x16, v3  }
0x1cb: {  	v5 =	vadd.f32 v6, v5;
	_ =	sdelay $0x1  }
0x1cc: {  	v5 =	vsel vm4, v6, v5;
	v6 =	vld.idx.msk [tilespmem:v53+s31+$0x0], $0xffff  }
0x1cd: {  	[tilespmem:v4+s5+$0x0] =	vst.idx.add.f32.msk vm5, v5  }
0x1ce: {  	v4 =	vld.idx.msk [tilespmem:v54+s3+$0x0], $0xffff;
	_ =	sdelay $0x4  }
0x1cf: {  	vm6 =	vne.s32 v4, v7;
	_ =	sdelay $0x1  }
0x1d0: {  	v55 =	vadd.s32 $0x17, v3  }
0x1d1: {  	v5 =	vadd.f32 v6, v5;
	_ =	sdelay $0x1  }
0x1d2: {  	v5 =	vsel vm5, v6, v5;
	v6 =	vld.idx.msk [tilespmem:v54+s31+$0x0], $0xffff  }
0x1d3: {  	[tilespmem:v7+s5+$0x0] =	vst.idx.add.f32.msk vm6, v5  }
0x1d4: {  	v7 =	vld.idx.msk [tilespmem:v55+s3+$0x0], $0xffff;
	_ =	sdelay $0x4  }
0x1d5: {  	vm7 =	vne.s32 v7, v4;
	_ =	sdelay $0x1  }
0x1d6: {  	v56 =	vadd.s32 $0x18, v3  }
0x1d7: {  	v5 =	vadd.f32 v6, v5;
	_ =	sdelay $0x1  }
0x1d8: {  	v5 =	vsel vm6, v6, v5;
	v6 =	vld.idx.msk [tilespmem:v55+s31+$0x0], $0xffff  }
0x1d9: {  	[tilespmem:v4+s5+$0x0] =	vst.idx.add.f32.msk vm7, v5  }
0x1da: {  	v4 =	vld.idx.msk [tilespmem:v56+s3+$0x0], $0xffff;
	_ =	sdelay $0x4  }
0x1db: {  	vm8 =	vne.s32 v4, v7;
	_ =	sdelay $0x1  }
0x1dc: {  	v57 =	vadd.s32 $0x19, v3  }
0x1dd: {  	v5 =	vadd.f32 v6, v5;
	_ =	sdelay $0x1  }
0x1de: {  	v5 =	vsel vm7, v6, v5;
	v6 =	vld.idx.msk [tilespmem:v56+s31+$0x0], $0xffff  }
0x1df: {  	[tilespmem:v7+s5+$0x0] =	vst.idx.add.f32.msk vm8, v5  }
0x1e0: {  	v7 =	vld.idx.msk [tilespmem:v57+s3+$0x0], $0xffff;
	_ =	sdelay $0x4  }
0x1e1: {  	vm9 =	vne.s32 v7, v4;
	_ =	sdelay $0x1  }
0x1e2: {  	v58 =	vadd.s32 $0x1A, v3  }
0x1e3: {  	v5 =	vadd.f32 v6, v5;
	_ =	sdelay $0x1  }
0x1e4: {  	v5 =	vsel vm8, v6, v5;
	v6 =	vld.idx.msk [tilespmem:v57+s31+$0x0], $0xffff  }
0x1e5: {  	[tilespmem:v4+s5+$0x0] =	vst.idx.add.f32.msk vm9, v5  }
0x1e6: {  	v4 =	vld.idx.msk [tilespmem:v58+s3+$0x0], $0xffff;
	_ =	sdelay $0x4  }
0x1e7: {  	vm10 =	vne.s32 v4, v7;
	_ =	sdelay $0x1  }
0x1e8: {  	v59 =	vadd.s32 $0x1B, v3  }
0x1e9: {  	v5 =	vadd.f32 v6, v5;
	_ =	sdelay $0x1  }
0x1ea: {  	v5 =	vsel vm9, v6, v5;
	v6 =	vld.idx.msk [tilespmem:v58+s31+$0x0], $0xffff  }
0x1eb: {  	[tilespmem:v7+s5+$0x0] =	vst.idx.add.f32.msk vm10, v5  }
0x1ec: {  	v7 =	vld.idx.msk [tilespmem:v59+s3+$0x0], $0xffff;
	_ =	sdelay $0x4  }
0x1ed: {  	vm11 =	vne.s32 v7, v4;
	_ =	sdelay $0x1  }
0x1ee: {  	v60 =	vadd.s32 $0x1C, v3  }
0x1ef: {  	v5 =	vadd.f32 v6, v5;
	_ =	sdelay $0x1  }
0x1f0: {  	v5 =	vsel vm10, v6, v5;
	v6 =	vld.idx.msk [tilespmem:v59+s31+$0x0], $0xffff  }
0x1f1: {  	[tilespmem:v4+s5+$0x0] =	vst.idx.add.f32.msk vm11, v5  }
0x1f2: {  	v4 =	vld.idx.msk [tilespmem:v60+s3+$0x0], $0xffff;
	_ =	sdelay $0x4  }
0x1f3: {  	vm12 =	vne.s32 v4, v7;
	_ =	sdelay $0x1  }
0x1f4: {  	v61 =	vadd.s32 $0x1D, v3  }
0x1f5: {  	v5 =	vadd.f32 v6, v5;
	_ =	sdelay $0x1  }
0x1f6: {  	v5 =	vsel vm11, v6, v5;
	v6 =	vld.idx.msk [tilespmem:v60+s31+$0x0], $0xffff  }
0x1f7: {  	[tilespmem:v7+s5+$0x0] =	vst.idx.add.f32.msk vm12, v5  }
0x1f8: {  	v7 =	vld.idx.msk [tilespmem:v61+s3+$0x0], $0xffff;
	_ =	sdelay $0x4  }
0x1f9: {  	vm13 =	vne.s32 v7, v4;
	_ =	sdelay $0x1  }
0x1fa: {  	v62 =	vadd.s32 $0x1E, v3  }
0x1fb: {  	v5 =	vadd.f32 v6, v5;
	_ =	sdelay $0x1  }
0x1fc: {  	v5 =	vsel vm12, v6, v5;
	v6 =	vld.idx.msk [tilespmem:v61+s31+$0x0], $0xffff  }
0x1fd: {  	[tilespmem:v4+s5+$0x0] =	vst.idx.add.f32.msk vm13, v5  }
0x1fe: {  	v63 =	vld.idx.msk [tilespmem:v62+s3+$0x0], $0xffff;
	_ =	sdelay $0x4  }
0x1ff: {  	vm14 =	vne.s32 v63, v7;
	_ =	sdelay $0x1  }
0x200: {  	v3 =	vadd.s32 $0x1F, v3  }
0x201: {  	v4 =	vadd.f32 v6, v5;
	_ =	sdelay $0x1  }
0x202: {  	v5 =	vsel vm13, v6, v4;
	v6 =	vld.idx.msk [tilespmem:v62+s31+$0x0], $0xffff  }
0x203: {  	[tilespmem:v7+s5+$0x0] =	vst.idx.add.f32.msk vm14, v5  }
0x204: {  	v4 =	vld.idx.msk [tilespmem:v3+s3+$0x0], $0xffff;
	_ =	sdelay $0x3  }
0x205: {  	v7 =	vld.idx.msk [tilespmem:v3+s31+$0x0], $0xffff  }
0x206: {  	vm15 =	vne.s32 v4, v63  }
0x207: {  	p2 =	sne.s32 s24, $0x1;
	v5 =	vadd.f32 v6, v5  }
.Ltmp7:
0x208: {  	_ = 	snop;
	(pc) =	sbr.rel @p2 .LBB2_10-.Ltmp7, $3  }
0x209: {  	v5 =	vsel vm14, v6, v5  }
0x20a: {  	v6 =	vadd.f32 v7, v5;
	_ =	sdelay $0x1  }
0x20b: {  	s24 =	sadd.s32 $0xFFFFFFFF, s24;
	[tilespmem:v63+s5+$0x0] =	vst.idx.add.f32.msk vm15, v5;
	v5 =	vsel vm15, v7, v6  }
0x20c: {  	_ =	sdelay $0x1  }
0x20d: {  	s6 =	sadd.s32 @!p1 s23, s20  }
0x20e: {  	s6 =	sshrl.u32 @!p1 s6, $0x3  }
0x20f: {  	[tilespmem:v4+s5+$0x0] =	vst.idx.add.f32.msk $0xffff, v5;
	s15 =	simm.s32 @!p1 $0x0;
	s24 =	simm.s32 @!p1 $0x197A0;
	s7 =	sadd.s32 @!p1 s1, s6  }
0x210: {  	[tilespmem:s24], [sflag:$0x2] =	stream.linear.gather @!p1 [hbm4b:s7+s15], $0x7D0, $0x38;
	[tilespmem:$0x1DF80] =	vst v63  }
0x211: {  	s6 =	sadd.s32 @!p1 s2, s6;
	s7 =	simm.s32 @!p1 $0x19F70  }
0x212: {  	[tilespmem:s7], [sflag:$0x2] =	stream.linear.gather @!p1 [hbm4b:s6+s15], $0x7D0, $0x38;
	[tilespmem:$0x1DF80] =	vst v63  }
0x213: {  	v3 =	vmul.u32 $0x7D, v0;
	_ =	swait.ge [sflag:s11], $0x7D0  }
0x214: {  	[sflag:s11] =	ssyncset.done $0x0  }
0x215: {  	[sflag:s11] =	ssyncadd.s32 $0xFFFFF830  }
0x216: {  	_ =	swait.ge [sflag:s11], $0x7D0  }
0x217: {  	[sflag:s11] =	ssyncset.done $0x0  }
0x218: {  	[sflag:s11] =	ssyncadd.s32 $0xFFFFF830  }
0x219: {  	v4 =	vld.idx.msk [tilespmem:v3+s28+$0x0], $0xffff  }
0x21a: {  	s24 =	simm.s32 $0x4;
	v5 =	vld.idx.msk [tilespmem:v3+s0+$0x0], $0xffff  }
.LBB2_12:
0x21b: {  	v6 =	vadd.s32 $0x1, v3;
	_ =	sdelay $0x4  }
0x21c: {  	v7 =	vld.idx.msk [tilespmem:v6+s28+$0x0], $0xffff;
	_ =	sdelay $0x4  }
0x21d: {  	vm0 =	vne.s32 v7, v4;
	_ =	sdelay $0x1  }
0x21e: {  	v8 =	vadd.s32 $0x2, v3;
	_ =	sdelay $0x2  }
0x21f: {  	v6 =	vld.idx.msk [tilespmem:v6+s0+$0x0], $0xffff  }
0x220: {  	[tilespmem:v4+s5+$0x0] =	vst.idx.add.f32.msk vm0, v5  }
0x221: {  	v4 =	vld.idx.msk [tilespmem:v8+s28+$0x0], $0xffff;
	_ =	sdelay $0x4  }
0x222: {  	vm1 =	vne.s32 v4, v7;
	_ =	sdelay $0x1  }
0x223: {  	v9 =	vadd.s32 $0x3, v3  }
0x224: {  	v5 =	vadd.f32 v6, v5;
	_ =	sdelay $0x1  }
0x225: {  	v5 =	vsel vm0, v6, v5;
	v6 =	vld.idx.msk [tilespmem:v8+s0+$0x0], $0xffff  }
0x226: {  	[tilespmem:v7+s5+$0x0] =	vst.idx.add.f32.msk vm1, v5  }
0x227: {  	v7 =	vld.idx.msk [tilespmem:v9+s28+$0x0], $0xffff;
	_ =	sdelay $0x4  }
0x228: {  	vm11 =	vne.s32 v7, v4;
	_ =	sdelay $0x1  }
0x229: {  	v36 =	vadd.s32 $0x4, v3  }
0x22a: {  	v5 =	vadd.f32 v6, v5;
	_ =	sdelay $0x1  }
0x22b: {  	v5 =	vsel vm1, v6, v5;
	v6 =	vld.idx.msk [tilespmem:v9+s0+$0x0], $0xffff  }
0x22c: {  	[tilespmem:v4+s5+$0x0] =	vst.idx.add.f32.msk vm11, v5  }
0x22d: {  	v4 =	vld.idx.msk [tilespmem:v36+s28+$0x0], $0xffff;
	_ =	sdelay $0x4  }
0x22e: {  	vm12 =	vne.s32 v4, v7;
	_ =	sdelay $0x1  }
0x22f: {  	v37 =	vadd.s32 $0x5, v3  }
0x230: {  	v5 =	vadd.f32 v6, v5;
	_ =	sdelay $0x1  }
0x231: {  	v5 =	vsel vm11, v6, v5;
	v6 =	vld.idx.msk [tilespmem:v36+s0+$0x0], $0xffff  }
0x232: {  	[tilespmem:v7+s5+$0x0] =	vst.idx.add.f32.msk vm12, v5  }
0x233: {  	v7 =	vld.idx.msk [tilespmem:v37+s28+$0x0], $0xffff;
	_ =	sdelay $0x4  }
0x234: {  	vm13 =	vne.s32 v7, v4;
	_ =	sdelay $0x1  }
0x235: {  	v38 =	vadd.s32 $0x6, v3  }
0x236: {  	v5 =	vadd.f32 v6, v5;
	_ =	sdelay $0x1  }
0x237: {  	v5 =	vsel vm12, v6, v5;
	v6 =	vld.idx.msk [tilespmem:v37+s0+$0x0], $0xffff  }
0x238: {  	[tilespmem:v4+s5+$0x0] =	vst.idx.add.f32.msk vm13, v5  }
0x239: {  	v4 =	vld.idx.msk [tilespmem:v38+s28+$0x0], $0xffff;
	_ =	sdelay $0x4  }
0x23a: {  	vm14 =	vne.s32 v4, v7;
	_ =	sdelay $0x1  }
0x23b: {  	v39 =	vadd.s32 $0x7, v3  }
0x23c: {  	v5 =	vadd.f32 v6, v5;
	_ =	sdelay $0x1  }
0x23d: {  	v5 =	vsel vm13, v6, v5;
	v6 =	vld.idx.msk [tilespmem:v38+s0+$0x0], $0xffff  }
0x23e: {  	[tilespmem:v7+s5+$0x0] =	vst.idx.add.f32.msk vm14, v5  }
0x23f: {  	v7 =	vld.idx.msk [tilespmem:v39+s28+$0x0], $0xffff;
	_ =	sdelay $0x4  }
0x240: {  	vm15 =	vne.s32 v7, v4;
	_ =	sdelay $0x1  }
0x241: {  	v40 =	vadd.s32 $0x8, v3  }
0x242: {  	v5 =	vadd.f32 v6, v5;
	_ =	sdelay $0x1  }
0x243: {  	v5 =	vsel vm14, v6, v5;
	v6 =	vld.idx.msk [tilespmem:v39+s0+$0x0], $0xffff  }
0x244: {  	[tilespmem:v4+s5+$0x0] =	vst.idx.add.f32.msk vm15, v5  }
0x245: {  	v4 =	vld.idx.msk [tilespmem:v40+s28+$0x0], $0xffff;
	_ =	sdelay $0x4  }
0x246: {  	vm4 =	vne.s32 v4, v7;
	_ =	sdelay $0x1  }
0x247: {  	v41 =	vadd.s32 $0x9, v3  }
0x248: {  	v5 =	vadd.f32 v6, v5;
	_ =	sdelay $0x1  }
0x249: {  	v5 =	vsel vm15, v6, v5;
	v6 =	vld.idx.msk [tilespmem:v40+s0+$0x0], $0xffff  }
0x24a: {  	[tilespmem:v7+s5+$0x0] =	vst.idx.add.f32.msk vm4, v5  }
0x24b: {  	v7 =	vld.idx.msk [tilespmem:v41+s28+$0x0], $0xffff;
	_ =	sdelay $0x4  }
0x24c: {  	vm5 =	vne.s32 v7, v4;
	_ =	sdelay $0x1  }
0x24d: {  	v42 =	vadd.s32 $0xA, v3  }
0x24e: {  	v5 =	vadd.f32 v6, v5;
	_ =	sdelay $0x1  }
0x24f: {  	v5 =	vsel vm4, v6, v5;
	v6 =	vld.idx.msk [tilespmem:v41+s0+$0x0], $0xffff  }
0x250: {  	[tilespmem:v4+s5+$0x0] =	vst.idx.add.f32.msk vm5, v5  }
0x251: {  	v4 =	vld.idx.msk [tilespmem:v42+s28+$0x0], $0xffff;
	_ =	sdelay $0x4  }
0x252: {  	vm6 =	vne.s32 v4, v7;
	_ =	sdelay $0x1  }
0x253: {  	v43 =	vadd.s32 $0xB, v3  }
0x254: {  	v5 =	vadd.f32 v6, v5;
	_ =	sdelay $0x1  }
0x255: {  	v5 =	vsel vm5, v6, v5;
	v6 =	vld.idx.msk [tilespmem:v42+s0+$0x0], $0xffff  }
0x256: {  	[tilespmem:v7+s5+$0x0] =	vst.idx.add.f32.msk vm6, v5  }
0x257: {  	v7 =	vld.idx.msk [tilespmem:v43+s28+$0x0], $0xffff;
	_ =	sdelay $0x4  }
0x258: {  	vm7 =	vne.s32 v7, v4;
	_ =	sdelay $0x1  }
0x259: {  	v44 =	vadd.s32 $0xC, v3  }
0x25a: {  	v5 =	vadd.f32 v6, v5;
	_ =	sdelay $0x1  }
0x25b: {  	v5 =	vsel vm6, v6, v5;
	v6 =	vld.idx.msk [tilespmem:v43+s0+$0x0], $0xffff  }
0x25c: {  	[tilespmem:v4+s5+$0x0] =	vst.idx.add.f32.msk vm7, v5  }
0x25d: {  	v4 =	vld.idx.msk [tilespmem:v44+s28+$0x0], $0xffff;
	_ =	sdelay $0x4  }
0x25e: {  	vm8 =	vne.s32 v4, v7;
	_ =	sdelay $0x1  }
0x25f: {  	v45 =	vadd.s32 $0xD, v3  }
0x260: {  	v5 =	vadd.f32 v6, v5;
	_ =	sdelay $0x1  }
0x261: {  	v5 =	vsel vm7, v6, v5;
	v6 =	vld.idx.msk [tilespmem:v44+s0+$0x0], $0xffff  }
0x262: {  	[tilespmem:v7+s5+$0x0] =	vst.idx.add.f32.msk vm8, v5  }
0x263: {  	v7 =	vld.idx.msk [tilespmem:v45+s28+$0x0], $0xffff;
	_ =	sdelay $0x4  }
0x264: {  	vm9 =	vne.s32 v7, v4;
	_ =	sdelay $0x1  }
0x265: {  	v46 =	vadd.s32 $0xE, v3  }
0x266: {  	v5 =	vadd.f32 v6, v5;
	_ =	sdelay $0x1  }
0x267: {  	v5 =	vsel vm8, v6, v5;
	v6 =	vld.idx.msk [tilespmem:v45+s0+$0x0], $0xffff  }
0x268: {  	[tilespmem:v4+s5+$0x0] =	vst.idx.add.f32.msk vm9, v5  }
0x269: {  	v4 =	vld.idx.msk [tilespmem:v46+s28+$0x0], $0xffff;
	_ =	sdelay $0x4  }
0x26a: {  	vm10 =	vne.s32 v4, v7;
	_ =	sdelay $0x1  }
0x26b: {  	v47 =	vadd.s32 $0xF, v3  }
0x26c: {  	v5 =	vadd.f32 v6, v5;
	_ =	sdelay $0x1  }
0x26d: {  	v5 =	vsel vm9, v6, v5;
	v6 =	vld.idx.msk [tilespmem:v46+s0+$0x0], $0xffff  }
0x26e: {  	[tilespmem:v7+s5+$0x0] =	vst.idx.add.f32.msk vm10, v5  }
0x26f: {  	v7 =	vld.idx.msk [tilespmem:v47+s28+$0x0], $0xffff;
	_ =	sdelay $0x4  }
0x270: {  	vm11 =	vne.s32 v7, v4;
	_ =	sdelay $0x1  }
0x271: {  	v48 =	vadd.s32 $0x10, v3  }
0x272: {  	v5 =	vadd.f32 v6, v5;
	_ =	sdelay $0x1  }
0x273: {  	v5 =	vsel vm10, v6, v5;
	v6 =	vld.idx.msk [tilespmem:v47+s0+$0x0], $0xffff  }
0x274: {  	[tilespmem:v4+s5+$0x0] =	vst.idx.add.f32.msk vm11, v5  }
0x275: {  	v4 =	vld.idx.msk [tilespmem:v48+s28+$0x0], $0xffff;
	_ =	sdelay $0x4  }
0x276: {  	vm12 =	vne.s32 v4, v7;
	_ =	sdelay $0x1  }
0x277: {  	v49 =	vadd.s32 $0x11, v3  }
0x278: {  	v5 =	vadd.f32 v6, v5;
	_ =	sdelay $0x1  }
0x279: {  	v5 =	vsel vm11, v6, v5;
	v6 =	vld.idx.msk [tilespmem:v48+s0+$0x0], $0xffff  }
0x27a: {  	[tilespmem:v7+s5+$0x0] =	vst.idx.add.f32.msk vm12, v5  }
0x27b: {  	v7 =	vld.idx.msk [tilespmem:v49+s28+$0x0], $0xffff;
	_ =	sdelay $0x4  }
0x27c: {  	vm13 =	vne.s32 v7, v4;
	_ =	sdelay $0x1  }
0x27d: {  	v50 =	vadd.s32 $0x12, v3  }
0x27e: {  	v5 =	vadd.f32 v6, v5;
	_ =	sdelay $0x1  }
0x27f: {  	v5 =	vsel vm12, v6, v5;
	v6 =	vld.idx.msk [tilespmem:v49+s0+$0x0], $0xffff  }
0x280: {  	[tilespmem:v4+s5+$0x0] =	vst.idx.add.f32.msk vm13, v5  }
0x281: {  	v4 =	vld.idx.msk [tilespmem:v50+s28+$0x0], $0xffff;
	_ =	sdelay $0x4  }
0x282: {  	vm14 =	vne.s32 v4, v7;
	_ =	sdelay $0x1  }
0x283: {  	v51 =	vadd.s32 $0x13, v3  }
0x284: {  	v5 =	vadd.f32 v6, v5;
	_ =	sdelay $0x1  }
0x285: {  	v5 =	vsel vm13, v6, v5;
	v6 =	vld.idx.msk [tilespmem:v50+s0+$0x0], $0xffff  }
0x286: {  	[tilespmem:v7+s5+$0x0] =	vst.idx.add.f32.msk vm14, v5  }
0x287: {  	v7 =	vld.idx.msk [tilespmem:v51+s28+$0x0], $0xffff;
	_ =	sdelay $0x4  }
0x288: {  	vm15 =	vne.s32 v7, v4;
	_ =	sdelay $0x1  }
0x289: {  	v52 =	vadd.s32 $0x14, v3  }
0x28a: {  	v5 =	vadd.f32 v6, v5;
	_ =	sdelay $0x1  }
0x28b: {  	v5 =	vsel vm14, v6, v5;
	v6 =	vld.idx.msk [tilespmem:v51+s0+$0x0], $0xffff  }
0x28c: {  	[tilespmem:v4+s5+$0x0] =	vst.idx.add.f32.msk vm15, v5  }
0x28d: {  	v4 =	vld.idx.msk [tilespmem:v52+s28+$0x0], $0xffff;
	_ =	sdelay $0x4  }
0x28e: {  	vm4 =	vne.s32 v4, v7;
	_ =	sdelay $0x1  }
0x28f: {  	v53 =	vadd.s32 $0x15, v3  }
0x290: {  	v5 =	vadd.f32 v6, v5;
	_ =	sdelay $0x1  }
0x291: {  	v5 =	vsel vm15, v6, v5;
	v6 =	vld.idx.msk [tilespmem:v52+s0+$0x0], $0xffff  }
0x292: {  	[tilespmem:v7+s5+$0x0] =	vst.idx.add.f32.msk vm4, v5  }
0x293: {  	v7 =	vld.idx.msk [tilespmem:v53+s28+$0x0], $0xffff;
	_ =	sdelay $0x4  }
0x294: {  	vm5 =	vne.s32 v7, v4;
	_ =	sdelay $0x1  }
0x295: {  	v54 =	vadd.s32 $0x16, v3  }
0x296: {  	v5 =	vadd.f32 v6, v5;
	_ =	sdelay $0x1  }
0x297: {  	v5 =	vsel vm4, v6, v5;
	v6 =	vld.idx.msk [tilespmem:v53+s0+$0x0], $0xffff  }
0x298: {  	[tilespmem:v4+s5+$0x0] =	vst.idx.add.f32.msk vm5, v5  }
0x299: {  	v4 =	vld.idx.msk [tilespmem:v54+s28+$0x0], $0xffff;
	_ =	sdelay $0x4  }
0x29a: {  	vm6 =	vne.s32 v4, v7;
	_ =	sdelay $0x1  }
0x29b: {  	v55 =	vadd.s32 $0x17, v3  }
0x29c: {  	v5 =	vadd.f32 v6, v5;
	_ =	sdelay $0x1  }
0x29d: {  	v5 =	vsel vm5, v6, v5;
	v6 =	vld.idx.msk [tilespmem:v54+s0+$0x0], $0xffff  }
0x29e: {  	[tilespmem:v7+s5+$0x0] =	vst.idx.add.f32.msk vm6, v5  }
0x29f: {  	v7 =	vld.idx.msk [tilespmem:v55+s28+$0x0], $0xffff;
	_ =	sdelay $0x4  }
0x2a0: {  	vm7 =	vne.s32 v7, v4;
	_ =	sdelay $0x1  }
0x2a1: {  	v56 =	vadd.s32 $0x18, v3  }
0x2a2: {  	v5 =	vadd.f32 v6, v5;
	_ =	sdelay $0x1  }
0x2a3: {  	v5 =	vsel vm6, v6, v5;
	v6 =	vld.idx.msk [tilespmem:v55+s0+$0x0], $0xffff  }
0x2a4: {  	[tilespmem:v4+s5+$0x0] =	vst.idx.add.f32.msk vm7, v5  }
0x2a5: {  	v4 =	vld.idx.msk [tilespmem:v56+s28+$0x0], $0xffff;
	_ =	sdelay $0x4  }
0x2a6: {  	vm8 =	vne.s32 v4, v7;
	_ =	sdelay $0x1  }
0x2a7: {  	v57 =	vadd.s32 $0x19, v3  }
0x2a8: {  	v5 =	vadd.f32 v6, v5;
	_ =	sdelay $0x1  }
0x2a9: {  	v5 =	vsel vm7, v6, v5;
	v6 =	vld.idx.msk [tilespmem:v56+s0+$0x0], $0xffff  }
0x2aa: {  	[tilespmem:v7+s5+$0x0] =	vst.idx.add.f32.msk vm8, v5  }
0x2ab: {  	v7 =	vld.idx.msk [tilespmem:v57+s28+$0x0], $0xffff;
	_ =	sdelay $0x4  }
0x2ac: {  	vm9 =	vne.s32 v7, v4;
	_ =	sdelay $0x1  }
0x2ad: {  	v58 =	vadd.s32 $0x1A, v3  }
0x2ae: {  	v5 =	vadd.f32 v6, v5;
	_ =	sdelay $0x1  }
0x2af: {  	v5 =	vsel vm8, v6, v5;
	v6 =	vld.idx.msk [tilespmem:v57+s0+$0x0], $0xffff  }
0x2b0: {  	[tilespmem:v4+s5+$0x0] =	vst.idx.add.f32.msk vm9, v5  }
0x2b1: {  	v4 =	vld.idx.msk [tilespmem:v58+s28+$0x0], $0xffff;
	_ =	sdelay $0x4  }
0x2b2: {  	vm10 =	vne.s32 v4, v7;
	_ =	sdelay $0x1  }
0x2b3: {  	v59 =	vadd.s32 $0x1B, v3  }
0x2b4: {  	v5 =	vadd.f32 v6, v5;
	_ =	sdelay $0x1  }
0x2b5: {  	v5 =	vsel vm9, v6, v5;
	v6 =	vld.idx.msk [tilespmem:v58+s0+$0x0], $0xffff  }
0x2b6: {  	[tilespmem:v7+s5+$0x0] =	vst.idx.add.f32.msk vm10, v5  }
0x2b7: {  	v7 =	vld.idx.msk [tilespmem:v59+s28+$0x0], $0xffff;
	_ =	sdelay $0x4  }
0x2b8: {  	vm11 =	vne.s32 v7, v4;
	_ =	sdelay $0x1  }
0x2b9: {  	v60 =	vadd.s32 $0x1C, v3  }
0x2ba: {  	v5 =	vadd.f32 v6, v5;
	_ =	sdelay $0x1  }
0x2bb: {  	v5 =	vsel vm10, v6, v5;
	v6 =	vld.idx.msk [tilespmem:v59+s0+$0x0], $0xffff  }
0x2bc: {  	[tilespmem:v4+s5+$0x0] =	vst.idx.add.f32.msk vm11, v5  }
0x2bd: {  	v4 =	vld.idx.msk [tilespmem:v60+s28+$0x0], $0xffff;
	_ =	sdelay $0x4  }
0x2be: {  	vm12 =	vne.s32 v4, v7;
	_ =	sdelay $0x1  }
0x2bf: {  	v61 =	vadd.s32 $0x1D, v3  }
0x2c0: {  	v5 =	vadd.f32 v6, v5;
	_ =	sdelay $0x1  }
0x2c1: {  	v5 =	vsel vm11, v6, v5;
	v6 =	vld.idx.msk [tilespmem:v60+s0+$0x0], $0xffff  }
0x2c2: {  	[tilespmem:v7+s5+$0x0] =	vst.idx.add.f32.msk vm12, v5  }
0x2c3: {  	v7 =	vld.idx.msk [tilespmem:v61+s28+$0x0], $0xffff;
	_ =	sdelay $0x4  }
0x2c4: {  	vm13 =	vne.s32 v7, v4;
	_ =	sdelay $0x1  }
0x2c5: {  	v62 =	vadd.s32 $0x1E, v3  }
0x2c6: {  	v5 =	vadd.f32 v6, v5;
	_ =	sdelay $0x1  }
0x2c7: {  	v5 =	vsel vm12, v6, v5;
	v6 =	vld.idx.msk [tilespmem:v61+s0+$0x0], $0xffff  }
0x2c8: {  	[tilespmem:v4+s5+$0x0] =	vst.idx.add.f32.msk vm13, v5  }
0x2c9: {  	v63 =	vld.idx.msk [tilespmem:v62+s28+$0x0], $0xffff;
	_ =	sdelay $0x4  }
0x2ca: {  	vm14 =	vne.s32 v63, v7;
	_ =	sdelay $0x1  }
0x2cb: {  	v3 =	vadd.s32 $0x1F, v3  }
0x2cc: {  	v4 =	vadd.f32 v6, v5;
	_ =	sdelay $0x1  }
0x2cd: {  	v5 =	vsel vm13, v6, v4;
	v6 =	vld.idx.msk [tilespmem:v62+s0+$0x0], $0xffff  }
0x2ce: {  	[tilespmem:v7+s5+$0x0] =	vst.idx.add.f32.msk vm14, v5  }
0x2cf: {  	v4 =	vld.idx.msk [tilespmem:v3+s28+$0x0], $0xffff;
	_ =	sdelay $0x3  }
0x2d0: {  	v7 =	vld.idx.msk [tilespmem:v3+s0+$0x0], $0xffff  }
0x2d1: {  	vm15 =	vne.s32 v4, v63  }
0x2d2: {  	p2 =	sne.s32 s24, $0x1;
	v5 =	vadd.f32 v6, v5  }
.Ltmp8:
0x2d3: {  	_ = 	snop;
	(pc) =	sbr.rel @p2 .LBB2_12-.Ltmp8, $3  }
0x2d4: {  	v5 =	vsel vm14, v6, v5  }
0x2d5: {  	v6 =	vadd.f32 v7, v5;
	_ =	sdelay $0x1  }
0x2d6: {  	s24 =	sadd.s32 $0xFFFFFFFF, s24;
	[tilespmem:v63+s5+$0x0] =	vst.idx.add.f32.msk vm15, v5;
	v5 =	vsel vm15, v7, v6  }
0x2d7: {  	_ =	sdelay $0x1  }
0x2d8: {  	s6 =	sadd.s32 @!p1 s23, s21  }
0x2d9: {  	s6 =	sshrl.u32 @!p1 s6, $0x3  }
0x2da: {  	[tilespmem:v4+s5+$0x0] =	vst.idx.add.f32.msk $0xffff, v5;
	s15 =	simm.s32 @!p1 $0x0;
	s23 =	simm.s32 @!p1 $0x1A740;
	s7 =	sadd.s32 @!p1 s1, s6  }
0x2db: {  	[tilespmem:s23], [sflag:$0x3] =	stream.linear.gather @!p1 [hbm4b:s7+s15], $0x7D0, $0x38;
	[tilespmem:$0x1DF80] =	vst v63  }
0x2dc: {  	s6 =	sadd.s32 @!p1 s2, s6;
	s7 =	simm.s32 @!p1 $0x1AF10;
	s23 =	simm.s32 $0x4  }
0x2dd: {  	[tilespmem:s7], [sflag:$0x3] =	stream.linear.gather @!p1 [hbm4b:s6+s15], $0x7D0, $0x38;
	[tilespmem:$0x1DF80] =	vst v63  }
0x2de: {  	v3 =	vmul.u32 $0x7D, v0;
	_ =	swait.ge [sflag:s23], $0x7D0  }
0x2df: {  	[sflag:s23] =	ssyncset.done $0x0  }
0x2e0: {  	[sflag:s23] =	ssyncadd.s32 $0xFFFFF830  }
0x2e1: {  	_ =	swait.ge [sflag:s23], $0x7D0  }
0x2e2: {  	[sflag:s23] =	ssyncset.done $0x0  }
0x2e3: {  	[sflag:s23] =	ssyncadd.s32 $0xFFFFF830  }
0x2e4: {  	v4 =	vld.idx.msk [tilespmem:v3+s9+$0x0], $0xffff  }
0x2e5: {  	v5 =	vld.idx.msk [tilespmem:v3+s8+$0x0], $0xffff  }
.LBB2_14:
0x2e6: {  	v6 =	vadd.s32 $0x1, v3;
	_ =	sdelay $0x4  }
0x2e7: {  	v7 =	vld.idx.msk [tilespmem:v6+s9+$0x0], $0xffff;
	_ =	sdelay $0x4  }
0x2e8: {  	vm0 =	vne.s32 v7, v4;
	_ =	sdelay $0x1  }
0x2e9: {  	v8 =	vadd.s32 $0x2, v3;
	_ =	sdelay $0x2  }
0x2ea: {  	v6 =	vld.idx.msk [tilespmem:v6+s8+$0x0], $0xffff  }
0x2eb: {  	[tilespmem:v4+s5+$0x0] =	vst.idx.add.f32.msk vm0, v5  }
0x2ec: {  	v4 =	vld.idx.msk [tilespmem:v8+s9+$0x0], $0xffff;
	_ =	sdelay $0x4  }
0x2ed: {  	vm1 =	vne.s32 v4, v7;
	_ =	sdelay $0x1  }
0x2ee: {  	v9 =	vadd.s32 $0x3, v3  }
0x2ef: {  	v5 =	vadd.f32 v6, v5;
	_ =	sdelay $0x1  }
0x2f0: {  	v5 =	vsel vm0, v6, v5;
	v6 =	vld.idx.msk [tilespmem:v8+s8+$0x0], $0xffff  }
0x2f1: {  	[tilespmem:v7+s5+$0x0] =	vst.idx.add.f32.msk vm1, v5  }
0x2f2: {  	v7 =	vld.idx.msk [tilespmem:v9+s9+$0x0], $0xffff;
	_ =	sdelay $0x4  }
0x2f3: {  	vm11 =	vne.s32 v7, v4;
	_ =	sdelay $0x1  }
0x2f4: {  	v36 =	vadd.s32 $0x4, v3  }
0x2f5: {  	v5 =	vadd.f32 v6, v5;
	_ =	sdelay $0x1  }
0x2f6: {  	v5 =	vsel vm1, v6, v5;
	v6 =	vld.idx.msk [tilespmem:v9+s8+$0x0], $0xffff  }
0x2f7: {  	[tilespmem:v4+s5+$0x0] =	vst.idx.add.f32.msk vm11, v5  }
0x2f8: {  	v4 =	vld.idx.msk [tilespmem:v36+s9+$0x0], $0xffff;
	_ =	sdelay $0x4  }
0x2f9: {  	vm12 =	vne.s32 v4, v7;
	_ =	sdelay $0x1  }
0x2fa: {  	v37 =	vadd.s32 $0x5, v3  }
0x2fb: {  	v5 =	vadd.f32 v6, v5;
	_ =	sdelay $0x1  }
0x2fc: {  	v5 =	vsel vm11, v6, v5;
	v6 =	vld.idx.msk [tilespmem:v36+s8+$0x0], $0xffff  }
0x2fd: {  	[tilespmem:v7+s5+$0x0] =	vst.idx.add.f32.msk vm12, v5  }
0x2fe: {  	v7 =	vld.idx.msk [tilespmem:v37+s9+$0x0], $0xffff;
	_ =	sdelay $0x4  }
0x2ff: {  	vm13 =	vne.s32 v7, v4;
	_ =	sdelay $0x1  }
0x300: {  	v38 =	vadd.s32 $0x6, v3  }
0x301: {  	v5 =	vadd.f32 v6, v5;
	_ =	sdelay $0x1  }
0x302: {  	v5 =	vsel vm12, v6, v5;
	v6 =	vld.idx.msk [tilespmem:v37+s8+$0x0], $0xffff  }
0x303: {  	[tilespmem:v4+s5+$0x0] =	vst.idx.add.f32.msk vm13, v5  }
0x304: {  	v4 =	vld.idx.msk [tilespmem:v38+s9+$0x0], $0xffff;
	_ =	sdelay $0x4  }
0x305: {  	vm14 =	vne.s32 v4, v7;
	_ =	sdelay $0x1  }
0x306: {  	v39 =	vadd.s32 $0x7, v3  }
0x307: {  	v5 =	vadd.f32 v6, v5;
	_ =	sdelay $0x1  }
0x308: {  	v5 =	vsel vm13, v6, v5;
	v6 =	vld.idx.msk [tilespmem:v38+s8+$0x0], $0xffff  }
0x309: {  	[tilespmem:v7+s5+$0x0] =	vst.idx.add.f32.msk vm14, v5  }
0x30a: {  	v7 =	vld.idx.msk [tilespmem:v39+s9+$0x0], $0xffff;
	_ =	sdelay $0x4  }
0x30b: {  	vm15 =	vne.s32 v7, v4;
	_ =	sdelay $0x1  }
0x30c: {  	v40 =	vadd.s32 $0x8, v3  }
0x30d: {  	v5 =	vadd.f32 v6, v5;
	_ =	sdelay $0x1  }
0x30e: {  	v5 =	vsel vm14, v6, v5;
	v6 =	vld.idx.msk [tilespmem:v39+s8+$0x0], $0xffff  }
0x30f: {  	[tilespmem:v4+s5+$0x0] =	vst.idx.add.f32.msk vm15, v5  }
0x310: {  	v4 =	vld.idx.msk [tilespmem:v40+s9+$0x0], $0xffff;
	_ =	sdelay $0x4  }
0x311: {  	vm4 =	vne.s32 v4, v7;
	_ =	sdelay $0x1  }
0x312: {  	v41 =	vadd.s32 $0x9, v3  }
0x313: {  	v5 =	vadd.f32 v6, v5;
	_ =	sdelay $0x1  }
0x314: {  	v5 =	vsel vm15, v6, v5;
	v6 =	vld.idx.msk [tilespmem:v40+s8+$0x0], $0xffff  }
0x315: {  	[tilespmem:v7+s5+$0x0] =	vst.idx.add.f32.msk vm4, v5  }
0x316: {  	v7 =	vld.idx.msk [tilespmem:v41+s9+$0x0], $0xffff;
	_ =	sdelay $0x4  }
0x317: {  	vm5 =	vne.s32 v7, v4;
	_ =	sdelay $0x1  }
0x318: {  	v42 =	vadd.s32 $0xA, v3  }
0x319: {  	v5 =	vadd.f32 v6, v5;
	_ =	sdelay $0x1  }
0x31a: {  	v5 =	vsel vm4, v6, v5;
	v6 =	vld.idx.msk [tilespmem:v41+s8+$0x0], $0xffff  }
0x31b: {  	[tilespmem:v4+s5+$0x0] =	vst.idx.add.f32.msk vm5, v5  }
0x31c: {  	v4 =	vld.idx.msk [tilespmem:v42+s9+$0x0], $0xffff;
	_ =	sdelay $0x4  }
0x31d: {  	vm6 =	vne.s32 v4, v7;
	_ =	sdelay $0x1  }
0x31e: {  	v43 =	vadd.s32 $0xB, v3  }
0x31f: {  	v5 =	vadd.f32 v6, v5;
	_ =	sdelay $0x1  }
0x320: {  	v5 =	vsel vm5, v6, v5;
	v6 =	vld.idx.msk [tilespmem:v42+s8+$0x0], $0xffff  }
0x321: {  	[tilespmem:v7+s5+$0x0] =	vst.idx.add.f32.msk vm6, v5  }
0x322: {  	v7 =	vld.idx.msk [tilespmem:v43+s9+$0x0], $0xffff;
	_ =	sdelay $0x4  }
0x323: {  	vm7 =	vne.s32 v7, v4;
	_ =	sdelay $0x1  }
0x324: {  	v44 =	vadd.s32 $0xC, v3  }
0x325: {  	v5 =	vadd.f32 v6, v5;
	_ =	sdelay $0x1  }
0x326: {  	v5 =	vsel vm6, v6, v5;
	v6 =	vld.idx.msk [tilespmem:v43+s8+$0x0], $0xffff  }
0x327: {  	[tilespmem:v4+s5+$0x0] =	vst.idx.add.f32.msk vm7, v5  }
0x328: {  	v4 =	vld.idx.msk [tilespmem:v44+s9+$0x0], $0xffff;
	_ =	sdelay $0x4  }
0x329: {  	vm8 =	vne.s32 v4, v7;
	_ =	sdelay $0x1  }
0x32a: {  	v45 =	vadd.s32 $0xD, v3  }
0x32b: {  	v5 =	vadd.f32 v6, v5;
	_ =	sdelay $0x1  }
0x32c: {  	v5 =	vsel vm7, v6, v5;
	v6 =	vld.idx.msk [tilespmem:v44+s8+$0x0], $0xffff  }
0x32d: {  	[tilespmem:v7+s5+$0x0] =	vst.idx.add.f32.msk vm8, v5  }
0x32e: {  	v7 =	vld.idx.msk [tilespmem:v45+s9+$0x0], $0xffff;
	_ =	sdelay $0x4  }
0x32f: {  	vm9 =	vne.s32 v7, v4;
	_ =	sdelay $0x1  }
0x330: {  	v46 =	vadd.s32 $0xE, v3  }
0x331: {  	v5 =	vadd.f32 v6, v5;
	_ =	sdelay $0x1  }
0x332: {  	v5 =	vsel vm8, v6, v5;
	v6 =	vld.idx.msk [tilespmem:v45+s8+$0x0], $0xffff  }
0x333: {  	[tilespmem:v4+s5+$0x0] =	vst.idx.add.f32.msk vm9, v5  }
0x334: {  	v4 =	vld.idx.msk [tilespmem:v46+s9+$0x0], $0xffff;
	_ =	sdelay $0x4  }
0x335: {  	vm10 =	vne.s32 v4, v7;
	_ =	sdelay $0x1  }
0x336: {  	v47 =	vadd.s32 $0xF, v3  }
0x337: {  	v5 =	vadd.f32 v6, v5;
	_ =	sdelay $0x1  }
0x338: {  	v5 =	vsel vm9, v6, v5;
	v6 =	vld.idx.msk [tilespmem:v46+s8+$0x0], $0xffff  }
0x339: {  	[tilespmem:v7+s5+$0x0] =	vst.idx.add.f32.msk vm10, v5  }
0x33a: {  	v7 =	vld.idx.msk [tilespmem:v47+s9+$0x0], $0xffff;
	_ =	sdelay $0x4  }
0x33b: {  	vm11 =	vne.s32 v7, v4;
	_ =	sdelay $0x1  }
0x33c: {  	v48 =	vadd.s32 $0x10, v3  }
0x33d: {  	v5 =	vadd.f32 v6, v5;
	_ =	sdelay $0x1  }
0x33e: {  	v5 =	vsel vm10, v6, v5;
	v6 =	vld.idx.msk [tilespmem:v47+s8+$0x0], $0xffff  }
0x33f: {  	[tilespmem:v4+s5+$0x0] =	vst.idx.add.f32.msk vm11, v5  }
0x340: {  	v4 =	vld.idx.msk [tilespmem:v48+s9+$0x0], $0xffff;
	_ =	sdelay $0x4  }
0x341: {  	vm12 =	vne.s32 v4, v7;
	_ =	sdelay $0x1  }
0x342: {  	v49 =	vadd.s32 $0x11, v3  }
0x343: {  	v5 =	vadd.f32 v6, v5;
	_ =	sdelay $0x1  }
0x344: {  	v5 =	vsel vm11, v6, v5;
	v6 =	vld.idx.msk [tilespmem:v48+s8+$0x0], $0xffff  }
0x345: {  	[tilespmem:v7+s5+$0x0] =	vst.idx.add.f32.msk vm12, v5  }
0x346: {  	v7 =	vld.idx.msk [tilespmem:v49+s9+$0x0], $0xffff;
	_ =	sdelay $0x4  }
0x347: {  	vm13 =	vne.s32 v7, v4;
	_ =	sdelay $0x1  }
0x348: {  	v50 =	vadd.s32 $0x12, v3  }
0x349: {  	v5 =	vadd.f32 v6, v5;
	_ =	sdelay $0x1  }
0x34a: {  	v5 =	vsel vm12, v6, v5;
	v6 =	vld.idx.msk [tilespmem:v49+s8+$0x0], $0xffff  }
0x34b: {  	[tilespmem:v4+s5+$0x0] =	vst.idx.add.f32.msk vm13, v5  }
0x34c: {  	v4 =	vld.idx.msk [tilespmem:v50+s9+$0x0], $0xffff;
	_ =	sdelay $0x4  }
0x34d: {  	vm14 =	vne.s32 v4, v7;
	_ =	sdelay $0x1  }
0x34e: {  	v51 =	vadd.s32 $0x13, v3  }
0x34f: {  	v5 =	vadd.f32 v6, v5;
	_ =	sdelay $0x1  }
0x350: {  	v5 =	vsel vm13, v6, v5;
	v6 =	vld.idx.msk [tilespmem:v50+s8+$0x0], $0xffff  }
0x351: {  	[tilespmem:v7+s5+$0x0] =	vst.idx.add.f32.msk vm14, v5  }
0x352: {  	v7 =	vld.idx.msk [tilespmem:v51+s9+$0x0], $0xffff;
	_ =	sdelay $0x4  }
0x353: {  	vm15 =	vne.s32 v7, v4;
	_ =	sdelay $0x1  }
0x354: {  	v52 =	vadd.s32 $0x14, v3  }
0x355: {  	v5 =	vadd.f32 v6, v5;
	_ =	sdelay $0x1  }
0x356: {  	v5 =	vsel vm14, v6, v5;
	v6 =	vld.idx.msk [tilespmem:v51+s8+$0x0], $0xffff  }
0x357: {  	[tilespmem:v4+s5+$0x0] =	vst.idx.add.f32.msk vm15, v5  }
0x358: {  	v4 =	vld.idx.msk [tilespmem:v52+s9+$0x0], $0xffff;
	_ =	sdelay $0x4  }
0x359: {  	vm4 =	vne.s32 v4, v7;
	_ =	sdelay $0x1  }
0x35a: {  	v53 =	vadd.s32 $0x15, v3  }
0x35b: {  	v5 =	vadd.f32 v6, v5;
	_ =	sdelay $0x1  }
0x35c: {  	v5 =	vsel vm15, v6, v5;
	v6 =	vld.idx.msk [tilespmem:v52+s8+$0x0], $0xffff  }
0x35d: {  	[tilespmem:v7+s5+$0x0] =	vst.idx.add.f32.msk vm4, v5  }
0x35e: {  	v7 =	vld.idx.msk [tilespmem:v53+s9+$0x0], $0xffff;
	_ =	sdelay $0x4  }
0x35f: {  	vm5 =	vne.s32 v7, v4;
	_ =	sdelay $0x1  }
0x360: {  	v54 =	vadd.s32 $0x16, v3  }
0x361: {  	v5 =	vadd.f32 v6, v5;
	_ =	sdelay $0x1  }
0x362: {  	v5 =	vsel vm4, v6, v5;
	v6 =	vld.idx.msk [tilespmem:v53+s8+$0x0], $0xffff  }
0x363: {  	[tilespmem:v4+s5+$0x0] =	vst.idx.add.f32.msk vm5, v5  }
0x364: {  	v4 =	vld.idx.msk [tilespmem:v54+s9+$0x0], $0xffff;
	_ =	sdelay $0x4  }
0x365: {  	vm6 =	vne.s32 v4, v7;
	_ =	sdelay $0x1  }
0x366: {  	v55 =	vadd.s32 $0x17, v3  }
0x367: {  	v5 =	vadd.f32 v6, v5;
	_ =	sdelay $0x1  }
0x368: {  	v5 =	vsel vm5, v6, v5;
	v6 =	vld.idx.msk [tilespmem:v54+s8+$0x0], $0xffff  }
0x369: {  	[tilespmem:v7+s5+$0x0] =	vst.idx.add.f32.msk vm6, v5  }
0x36a: {  	v7 =	vld.idx.msk [tilespmem:v55+s9+$0x0], $0xffff;
	_ =	sdelay $0x4  }
0x36b: {  	vm7 =	vne.s32 v7, v4;
	_ =	sdelay $0x1  }
0x36c: {  	v56 =	vadd.s32 $0x18, v3  }
0x36d: {  	v5 =	vadd.f32 v6, v5;
	_ =	sdelay $0x1  }
0x36e: {  	v5 =	vsel vm6, v6, v5;
	v6 =	vld.idx.msk [tilespmem:v55+s8+$0x0], $0xffff  }
0x36f: {  	[tilespmem:v4+s5+$0x0] =	vst.idx.add.f32.msk vm7, v5  }
0x370: {  	v4 =	vld.idx.msk [tilespmem:v56+s9+$0x0], $0xffff;
	_ =	sdelay $0x4  }
0x371: {  	vm8 =	vne.s32 v4, v7;
	_ =	sdelay $0x1  }
0x372: {  	v57 =	vadd.s32 $0x19, v3  }
0x373: {  	v5 =	vadd.f32 v6, v5;
	_ =	sdelay $0x1  }
0x374: {  	v5 =	vsel vm7, v6, v5;
	v6 =	vld.idx.msk [tilespmem:v56+s8+$0x0], $0xffff  }
0x375: {  	[tilespmem:v7+s5+$0x0] =	vst.idx.add.f32.msk vm8, v5  }
0x376: {  	v7 =	vld.idx.msk [tilespmem:v57+s9+$0x0], $0xffff;
	_ =	sdelay $0x4  }
0x377: {  	vm9 =	vne.s32 v7, v4;
	_ =	sdelay $0x1  }
0x378: {  	v58 =	vadd.s32 $0x1A, v3  }
0x379: {  	v5 =	vadd.f32 v6, v5;
	_ =	sdelay $0x1  }
0x37a: {  	v5 =	vsel vm8, v6, v5;
	v6 =	vld.idx.msk [tilespmem:v57+s8+$0x0], $0xffff  }
0x37b: {  	[tilespmem:v4+s5+$0x0] =	vst.idx.add.f32.msk vm9, v5  }
0x37c: {  	v4 =	vld.idx.msk [tilespmem:v58+s9+$0x0], $0xffff;
	_ =	sdelay $0x4  }
0x37d: {  	vm10 =	vne.s32 v4, v7;
	_ =	sdelay $0x1  }
0x37e: {  	v59 =	vadd.s32 $0x1B, v3  }
0x37f: {  	v5 =	vadd.f32 v6, v5;
	_ =	sdelay $0x1  }
0x380: {  	v5 =	vsel vm9, v6, v5;
	v6 =	vld.idx.msk [tilespmem:v58+s8+$0x0], $0xffff  }
0x381: {  	[tilespmem:v7+s5+$0x0] =	vst.idx.add.f32.msk vm10, v5  }
0x382: {  	v7 =	vld.idx.msk [tilespmem:v59+s9+$0x0], $0xffff;
	_ =	sdelay $0x4  }
0x383: {  	vm11 =	vne.s32 v7, v4;
	_ =	sdelay $0x1  }
0x384: {  	v60 =	vadd.s32 $0x1C, v3  }
0x385: {  	v5 =	vadd.f32 v6, v5;
	_ =	sdelay $0x1  }
0x386: {  	v5 =	vsel vm10, v6, v5;
	v6 =	vld.idx.msk [tilespmem:v59+s8+$0x0], $0xffff  }
0x387: {  	[tilespmem:v4+s5+$0x0] =	vst.idx.add.f32.msk vm11, v5  }
0x388: {  	v4 =	vld.idx.msk [tilespmem:v60+s9+$0x0], $0xffff;
	_ =	sdelay $0x4  }
0x389: {  	vm12 =	vne.s32 v4, v7;
	_ =	sdelay $0x1  }
0x38a: {  	v61 =	vadd.s32 $0x1D, v3  }
0x38b: {  	v5 =	vadd.f32 v6, v5;
	_ =	sdelay $0x1  }
0x38c: {  	v5 =	vsel vm11, v6, v5;
	v6 =	vld.idx.msk [tilespmem:v60+s8+$0x0], $0xffff  }
0x38d: {  	[tilespmem:v7+s5+$0x0] =	vst.idx.add.f32.msk vm12, v5  }
0x38e: {  	v7 =	vld.idx.msk [tilespmem:v61+s9+$0x0], $0xffff;
	_ =	sdelay $0x4  }
0x38f: {  	vm13 =	vne.s32 v7, v4;
	_ =	sdelay $0x1  }
0x390: {  	v62 =	vadd.s32 $0x1E, v3  }
0x391: {  	v5 =	vadd.f32 v6, v5;
	_ =	sdelay $0x1  }
0x392: {  	v5 =	vsel vm12, v6, v5;
	v6 =	vld.idx.msk [tilespmem:v61+s8+$0x0], $0xffff  }
0x393: {  	[tilespmem:v4+s5+$0x0] =	vst.idx.add.f32.msk vm13, v5  }
0x394: {  	v63 =	vld.idx.msk [tilespmem:v62+s9+$0x0], $0xffff;
	_ =	sdelay $0x4  }
0x395: {  	vm14 =	vne.s32 v63, v7;
	_ =	sdelay $0x1  }
0x396: {  	v3 =	vadd.s32 $0x1F, v3  }
0x397: {  	v4 =	vadd.f32 v6, v5;
	_ =	sdelay $0x1  }
0x398: {  	v5 =	vsel vm13, v6, v4;
	v6 =	vld.idx.msk [tilespmem:v62+s8+$0x0], $0xffff  }
0x399: {  	[tilespmem:v7+s5+$0x0] =	vst.idx.add.f32.msk vm14, v5  }
0x39a: {  	v4 =	vld.idx.msk [tilespmem:v3+s9+$0x0], $0xffff;
	_ =	sdelay $0x3  }
0x39b: {  	v7 =	vld.idx.msk [tilespmem:v3+s8+$0x0], $0xffff  }
0x39c: {  	vm15 =	vne.s32 v4, v63  }
0x39d: {  	p2 =	sne.s32 s23, $0x1;
	v5 =	vadd.f32 v6, v5  }
.Ltmp9:
0x39e: {  	_ = 	snop;
	(pc) =	sbr.rel @p2 .LBB2_14-.Ltmp9, $3  }
0x39f: {  	v5 =	vsel vm14, v6, v5  }
0x3a0: {  	v6 =	vadd.f32 v7, v5;
	_ =	sdelay $0x1  }
0x3a1: {  	s23 =	sadd.s32 $0xFFFFFFFF, s23;
	[tilespmem:v63+s5+$0x0] =	vst.idx.add.f32.msk vm15, v5;
	v5 =	vsel vm15, v7, v6  }
.Ltmp10:
0x3a2: {  	_ = 	snop;
	(pc) =	sbr.rel @p1 .LBB2_17-.Ltmp10, $2  }
0x3a3: {  	_ =	sdelay $0x2  }
0x3a4: {  	[tilespmem:v4+s5+$0x0] =	vst.idx.add.f32.msk $0xffff, v5  }
0x3a5: {  	s6 =	smul.u32 $0x1F40, s18;
	_ =	sdelay $0x1  }
0x3a6: {  	s6 =	sadd.s32 s6, s22  }
.Ltmp11:
0x3a7: {  	s6 =	sshrl.u32 s6, $0x3;
	(pc) =	sbr.rel .LBB2_7-.Ltmp11, $4  }
0x3a8: {  	s7 =	sadd.s32 s1, s6  }
0x3a9: {  	[tilespmem:s8], [sflag:$0x4] =	stream.linear.gather [hbm4b:s7+s5], $0x7D0, $0x38;
	[tilespmem:$0x1DF80] =	vst v63  }
0x3aa: {  	s18 =	sadd.s32 $0x1, s18;
	s6 =	sadd.s32 s2, s6  }
0x3ab: {  	[tilespmem:s9], [sflag:$0x4] =	stream.linear.gather [hbm4b:s6+s5], $0x7D0, $0x38;
	[tilespmem:$0x1DF80] =	vst v63  }
.LBB2_17:
.Ltmp12:
0x3ac: {  	(pc) =	sbr.rel @p0 .LBB2_21-.Ltmp12, $2  }
0x3ad: {  	_ =	sdelay $0x1  }
0x3ae: {  	[bflag:$0x0] =	sbarrier.arrive $0xFFFF;
	_ =	sdelay $0x1  }
0x3af: {  	s17 =	sadd.s32 $0x70, s17  }
0x3b0: {  	s6 =	sadd.s32 $0xFFFFFFF0, s17;
	v3 =	vadd.s32 s17, v0  }
0x3b1: {  	s7 =	sadd.s32 $0xFFFFFFE0, s17;
	v4 =	vadd.s32 s6, v0;
	[tilespmem:$0x1C6F0] =	vst v3  }
0x3b2: {  	s24 =	sadd.s32 $0xFFFFFF90, s17;
	v3 =	vadd.s32 s7, v0;
	[tilespmem:$0x1C6E0] =	vst v4  }
0x3b3: {  	s15 =	sadd.s32 $0xFFFFFFB0, s17;
	v61 =	vadd.s32 s24, v0;
	[tilespmem:$0x1C6D0] =	vst v3  }
0x3b4: {  	p0 =	sne.s32 s16, $0x1;
	s23 =	sadd.s32 $0xFFFFFFA0, s17;
	v62 =	vadd.s32 s15, v0;
	[tilespmem:$0x1C680] =	vst v61  }
.Ltmp13:
0x3b5: {  	s7 =	sadd.s32 $0xFFFFFFD0, s17;
	v63 =	vadd.s32 s23, v0;
	[tilespmem:$0x1C6A0] =	vst v62;
	(pc) =	sbr.rel @!p0 .LBB2_20-.Ltmp13, $4  }
0x3b6: {  	s18 =	sadd.s32 $0xFFFFFFC0, s17;
	s24 =	rddreg [dreg:$0x14];
	v3 =	vadd.s32 s7, v0;
	[tilespmem:$0x1C690] =	vst v63  }
0x3b7: {  	s6 =	sshll.u32 s24, $0x5;
	[tilespmem:$0x1C6C0] =	vst v3;
	v3 =	vadd.s32 s18, v0  }
0x3b8: {  	s16 =	sadd.s32 $0xFFFFFFFF, s16;
	s15 =	sshra.s32 s6, $0x2;
	[tilespmem:$0x1C6B0] =	vst v3  }
0x3b9: {  	[spmem:s4] =	stream.indirect.scatter.add.f32 [tilespmem:s15], [sflag:$0x5], $0x1, s13, s12, $0xb8;
	[tilespmem:$0x1DF80] =	vst v63  }
.LBB2_19:
0x3ba: {  	_ =	swait.ge [sflag:s26], $0x80;
	s15 =	sadd.s32 $0x80, s15;
	s17 =	sadd.s32 $0x80, s17  }
0x3bb: {  	p0 =	sne.s32 s16, $0x1;
	s16 =	sadd.s32 $0xFFFFFFFF, s16;
	[sflag:s26] =	ssyncset.done $0x0  }
0x3bc: {  	s6 =	sadd.s32 $0xFFFFFFF0, s17;
	v3 =	vadd.s32 s17, v0;
	[sflag:s26] =	ssyncadd.s32 $0xFFFFFF80  }
0x3bd: {  	s7 =	sadd.s32 $0xFFFFFFE0, s17;
	v4 =	vadd.s32 s6, v0;
	[tilespmem:$0x1C6F0] =	vst v3  }
0x3be: {  	s6 =	sadd.s32 $0xFFFFFF90, s17;
	v3 =	vadd.s32 s7, v0;
	[tilespmem:$0x1C6E0] =	vst v4  }
0x3bf: {  	v4 =	vadd.s32 s6, v0;
	s6 =	sadd.s32 $0xFFFFFFD0, s17;
	[tilespmem:$0x1C6D0] =	vst v3  }
0x3c0: {  	s18 =	sadd.s32 $0xFFFFFFB0, s17;
	s23 =	sadd.s32 $0xFFFFFFC0, s17;
	s7 =	sadd.s32 $0xFFFFFFA0, s17;
	v3 =	vadd.s32 s6, v0;
	[tilespmem:$0x1C680] =	vst v4  }
.Ltmp14:
0x3c1: {  	v5 =	vadd.s32 s18, v0;
	v6 =	vadd.s32 s23, v0;
	v4 =	vadd.s32 s7, v0;
	[tilespmem:$0x1C6C0] =	vst v3;
	(pc) =	sbr.rel @p0 .LBB2_19-.Ltmp14, $4  }
0x3c2: {  	[tilespmem:$0x1C6A0] =	vst v5  }
0x3c3: {  	[tilespmem:$0x1C6B0] =	vst v6  }
0x3c4: {  	[tilespmem:$0x1C690] =	vst v4  }
0x3c5: {  	[spmem:s4] =	stream.indirect.scatter.add.f32 [tilespmem:s15], [sflag:$0x5], $0x1, s13, s12, $0xb8;
	[tilespmem:$0x1DF80] =	vst v63  }
.Ltmp15:
0x3c6: {  	_ = 	snop;
	(pc) =	sbr.rel .LBB2_20-.Ltmp15, $1  }
0x3c7: {  	_ =	sdelay $0x3  }
.LBB2_22:
0x3c8: {  	_ =	sfence.sel $0x180000  }
0x3c9: {  	[bflag:$0x0] =	sbarrier.arrive $0xFFFF  }
0x3ca: {  	_ =	strace $0x90000047  }
0x3cb: {  	s0 =	stileid.u32;
	[bflag:$0x2] =	sbarrier.arrive $0xFFFF  }
0x3cc: {  	p0 =	sne.s32 s0, $0x0;
	s0 =	rddreg [dreg:$0x4]  }
0x3cd: {  	s0 =	sadd.s32 @!p0 $0x100000, s0  }
0x3ce: {  	[sflag:s0] =	ssyncadd.tile.s32 @!p0 $0x1;
	_ =	shalt  }
.Lfunc_end2:
_tile_overlayer_lowered:
.L_overlay_start_2:
0x3cf: {  	(tag) =	ssettag $0x2  }
0x3d0: {  	s0 =	rddreg [dreg:$0x0];
	s2 =	stileid.u32  }
0x3d1: {  	s1 =	rddreg [dreg:$0x1];
	p0 =	sne.s32 s2, $0x0  }
0x3d2: {  	s3 =	rddreg [dreg:$0x2];
	[bflag:$0x3] =	sbarrier.arrive $0xFFFF;
	s2 =	simm.s32 @!p0 $0x1C05  }
0x3d3: {  	[timem:s3], [sflag:s2] =	dma.local @!p0 [hbm:s0], s1  }
0x3d4: {  	s0 =	simm.s32 @!p0 $0x5  }
0x3d5: {  	_ =	swait.ge @!p0 [sflag:s0], s1  }
0x3d6: {  	s1 =	ssub.s32 @!p0 $0x0, s1;
	[sflag:s0] =	ssyncset.done @!p0 $0x0  }
0x3d7: {  	[sflag:s0] =	ssyncadd.s32 @!p0 s1  }
0x3d8: {  	[bflag:$0x3] =	sbarrier.arrive $0xFFFF  }
0x3d9: {  	_ =	shalt  }

</sc_bundles>
